<compile_context>
chip_gen: v7x
topology: tpu7x:2x2x1
jax: 0.10.2.dev20260603
libtpu: 0.0.44.dev20260713+nightly
codegen_flags: <defaults>
</compile_context>

<pallas_src>
import functools

import jax
import jax.numpy as jnp
from jax import lax
from jax.experimental import pallas as pl
from jax.experimental.pallas import tpu as pltpu
from jax.experimental.pallas import tpu_sc as plsc

N = 10000
E = 320000
D = 128
DH = 32
S = 8192
LEAD = 48

NC = 2
NS = 16
NW = NC * NS

CB = 128
CPW = 80
EP = NW * CPW * CB
PSH = 14
NPAD = 10112
NPS = NPAD // NS


def _wid():
    return lax.axis_index("c") * NS + lax.axis_index("s")



def _sc_deg_body(row2_hbm, zn_hbm, out_hbm, idx_v, ones_v, acc):
    c = lax.axis_index("c")
    s = lax.axis_index("s")
    w = _wid()

    for i in range(CB // 16):
        ones_v[pl.ds(i * 16, 16)] = jnp.ones((16,), jnp.float32)

    @pl.when(s == 0)
    def _():
        pltpu.sync_copy(zn_hbm, acc)

    pltpu.sync_copy(row2_hbm.at[pl.ds(w * CPW, CPW), :], idx_v)
    plsc.subcore_barrier()

    @pl.loop(0, CPW)
    def _(j):
        pltpu.sync_copy(ones_v, acc.at[idx_v.at[j]], add=True)

    plsc.subcore_barrier()

    @pl.when(s == 0)
    def _():
        pltpu.sync_copy(acc, out_hbm.at[pl.ds(c * NPAD, NPAD)])


def _sc_seg_body(tbl_hbm, pidx_hbm, z2_hbm, out_hbm, pidx, rv0, rv1, cv,
                 buf0, buf1, acc, sg0, sg1):
    c = lax.axis_index("c")
    s = lax.axis_index("s")
    w = _wid()

    def unpack_rows(j, rv):
        for k in range(CB // 16):
            v = pidx[j, pl.ds(16 * k, 16)]
            rv[pl.ds(16 * k, 16)] = lax.shift_right_logical(v, PSH)

    def unpack_cols(j):
        for k in range(CB // 16):
            v = pidx[j, pl.ds(16 * k, 16)]
            cv[pl.ds(16 * k, 16)] = lax.bitwise_and(v, (1 << PSH) - 1)

    pltpu.sync_copy(z2_hbm.at[pl.ds(s * NPS, NPS), :], acc.at[pl.ds(s * NPS, NPS), :])
    pltpu.sync_copy(pidx_hbm.at[pl.ds(w * CPW, CPW), :], pidx)
    plsc.subcore_barrier()

    unpack_rows(0, rv0)
    pltpu.async_copy(tbl_hbm.at[rv0], buf0, sg0)
    unpack_rows(1, rv1)
    pltpu.async_copy(tbl_hbm.at[rv1], buf1, sg1)

    @pl.loop(0, CPW // 2)
    def _(i):
        j = 2 * i
        pltpu.make_async_copy(tbl_hbm.at[rv0], buf0, sg0).wait()
        unpack_cols(j)
        pltpu.sync_copy(buf0, acc.at[cv], add=True)

        @pl.when(j + 2 < CPW)
        def _():
            unpack_rows(j + 2, rv0)
            pltpu.async_copy(tbl_hbm.at[rv0], buf0, sg0)

        pltpu.make_async_copy(tbl_hbm.at[rv1], buf1, sg1).wait()
        unpack_cols(j + 1)
        pltpu.sync_copy(buf1, acc.at[cv], add=True)

        @pl.when(j + 3 < CPW)
        def _():
            unpack_rows(j + 3, rv1)
            pltpu.async_copy(tbl_hbm.at[rv1], buf1, sg1)

    plsc.subcore_barrier()
    pltpu.sync_copy(
        acc.at[pl.ds(s * NPS, NPS), :], out_hbm.at[c, pl.ds(s * NPS, NPS), :]
    )


_PPW = S // NW // 128


def _sc_pair_body(h1_hbm, sd_hbm, outL_hbm, outR_hbm, idx_v, buf, sem):
    w = _wid()
    pltpu.sync_copy(sd_hbm, idx_v)
    for t in range(2):
        out = outL_hbm if t == 0 else outR_hbm
        for j in range(_PPW):
            r = t * (S // 128) + w * _PPW + j
            pltpu.async_copy(h1_hbm.at[idx_v.at[r]], buf, sem).wait()
            pltpu.sync_copy(buf, out.at[pl.ds(w * _PPW * 128 + j * 128, 128), :])


@functools.cache
def _sc_kernels():
    mesh = plsc.VectorSubcoreMesh(
        core_axis_name="c", subcore_axis_name="s", num_cores=NC, num_subcores=NS
    )
    sc_deg = pl.kernel(
        _sc_deg_body,
        out_type=jax.ShapeDtypeStruct((NC * NPAD,), jnp.float32),
        mesh=mesh,
        scratch_types=[
            pltpu.VMEM((CPW, CB), jnp.int32),
            pltpu.VMEM((CB,), jnp.float32),
            pltpu.VMEM_SHARED((NPAD,), jnp.float32),
        ],
    )
    sc_seg = pl.kernel(
        _sc_seg_body,
        out_type=jax.ShapeDtypeStruct((NC, NPAD, D), jnp.float32),
        mesh=mesh,
        scratch_types=[
            pltpu.VMEM((CPW, CB), jnp.int32),
            pltpu.VMEM((CB,), jnp.int32),
            pltpu.VMEM((CB,), jnp.int32),
            pltpu.VMEM((CB,), jnp.int32),
            pltpu.VMEM((CB, D), jnp.float32),
            pltpu.VMEM((CB, D), jnp.float32),
            pltpu.VMEM_SHARED((NPAD, D), jnp.float32),
            pltpu.SemaphoreType.DMA,
            pltpu.SemaphoreType.DMA,
        ],
    )
    sc_pair = pl.kernel(
        _sc_pair_body,
        out_type=(
            jax.ShapeDtypeStruct((S, D), jnp.float32),
            jax.ShapeDtypeStruct((S, D), jnp.float32),
        ),
        mesh=mesh,
        scratch_types=[
            pltpu.VMEM((2 * (S // 128), 128), jnp.int32),
            pltpu.VMEM((128, D), jnp.float32),
            pltpu.SemaphoreType.DMA,
        ],
    )
    return sc_deg, sc_seg, sc_pair


_RB = 1000
_GRID_N = N // _RB


def _sigmoid(v):
    return 1.0 / (1.0 + jnp.exp(-v))


def _tc_scale_body(disc_ref, x_ref, xs_ref):
    xs_ref[...] = disc_ref[...] * x_ref[...]


_tc_scale = pl.pallas_call(
    _tc_scale_body,
    grid=(_GRID_N,),
    in_specs=[
        pl.BlockSpec((_RB, 1), lambda i: (i, 0)),
        pl.BlockSpec((_RB, D), lambda i: (i, 0)),
    ],
    out_specs=pl.BlockSpec((_RB, D), lambda i: (i, 0)),
    out_shape=jax.ShapeDtypeStruct((N, D), jnp.float32),
)


def _tc_mid_body(s1p_ref, disc_ref, t1_ref, u1_ref):
    P = s1p_ref[0] + s1p_ref[1]
    dis = disc_ref[...]
    t1 = -dis * P
    t1_ref[...] = t1
    u1_ref[...] = dis * t1


_tc_mid = pl.pallas_call(
    _tc_mid_body,
    grid=(_GRID_N,),
    in_specs=[
        pl.BlockSpec((NC, _RB, D), lambda i: (0, i, 0)),
        pl.BlockSpec((_RB, 1), lambda i: (i, 0)),
    ],
    out_specs=[
        pl.BlockSpec((_RB, D), lambda i: (i, 0)),
        pl.BlockSpec((_RB, D), lambda i: (i, 0)),
    ],
    out_shape=[
        jax.ShapeDtypeStruct((N, D), jnp.float32),
        jax.ShapeDtypeStruct((N, D), jnp.float32),
    ],
)


def _tc_gate_body(x_ref, t1_ref, s2p_ref, disc_ref, a0_ref, a1_ref, a2_ref,
                  consts_ref, f1_ref, h1_ref):
    x = x_ref[...]
    dis = disc_ref[...]
    t2 = -2.0 * dis * (s2p_ref[0] + s2p_ref[1]) - x
    pre = (
        jnp.dot(x, a0_ref[...], preferred_element_type=jnp.float32)
        + jnp.dot(t1_ref[...], a1_ref[...], preferred_element_type=jnp.float32)
        + jnp.dot(t2, a2_ref[...], preferred_element_type=jnp.float32)
        + consts_ref[0:1, :]
    )
    gi = _sigmoid(pre[:, 0:DH])
    gt = jnp.tanh(pre[:, DH:2 * DH])
    cc = gi * gt
    go = _sigmoid(pre[:, 2 * DH:3 * DH] + consts_ref[1:2, 2 * DH:3 * DH] * cc)
    h = jnp.maximum(go * jnp.tanh(cc), 0.0)
    h1 = jnp.maximum(
        jnp.dot(h, f1_ref[...], preferred_element_type=jnp.float32)
        + consts_ref[2:3, :],
        0.0,
    )
    h1_ref[...] = h1


_tc_gate = pl.pallas_call(
    _tc_gate_body,
    grid=(_GRID_N,),
    in_specs=[
        pl.BlockSpec((_RB, D), lambda i: (i, 0)),
        pl.BlockSpec((_RB, D), lambda i: (i, 0)),
        pl.BlockSpec((NC, _RB, D), lambda i: (0, i, 0)),
        pl.BlockSpec((_RB, 1), lambda i: (i, 0)),
        pl.BlockSpec((D, D), lambda i: (0, 0)),
        pl.BlockSpec((D, D), lambda i: (0, 0)),
        pl.BlockSpec((D, D), lambda i: (0, 0)),
        pl.BlockSpec((3, D), lambda i: (0, 0)),
        pl.BlockSpec((DH, D), lambda i: (0, 0)),
    ],
    out_specs=pl.BlockSpec((_RB, D), lambda i: (i, 0)),
    out_shape=jax.ShapeDtypeStruct((N, D), jnp.float32),
)


_SB = 2048
_GRID_S = S // _SB


def _tc_head_body(pl_ref, pr_ref, w2a_ref, w2b_ref, w3_ref, wb_ref, wl_ref,
                  consts_ref, bin_ref, lead_ref):
    h2 = jnp.maximum(
        jnp.dot(pl_ref[:, 0:16], w2a_ref[...], preferred_element_type=jnp.float32)
        + jnp.dot(pr_ref[:, 0:16], w2b_ref[...], preferred_element_type=jnp.float32)
        + consts_ref[0:1, :],
        0.0,
    )
    h3 = jnp.maximum(
        jnp.dot(h2[:, 0:16], w3_ref[...], preferred_element_type=jnp.float32)
        + consts_ref[1:2, :],
        0.0,
    )
    h3s = h3[:, 0:8]
    bin_logit = (
        jnp.dot(h3s, wb_ref[...], preferred_element_type=jnp.float32)
        + consts_ref[2:3, :]
    )
    bin_ref[...] = _sigmoid(bin_logit[:, 0:1])
    logits = (
        jnp.dot(h3s, wl_ref[...], preferred_element_type=jnp.float32)
        + consts_ref[3:4, :]
    )
    m = jnp.max(logits, axis=1, keepdims=True)
    lse = jnp.log(jnp.sum(jnp.exp(logits - m), axis=1, keepdims=True)) + m
    lead_ref[...] = (logits - lse)[:, 0:LEAD + 1]


_tc_head = pl.pallas_call(
    _tc_head_body,
    grid=(_GRID_S,),
    in_specs=[
        pl.BlockSpec((_SB, D), lambda i: (i, 0)),
        pl.BlockSpec((_SB, D), lambda i: (i, 0)),
        pl.BlockSpec((16, D), lambda i: (0, 0)),
        pl.BlockSpec((16, D), lambda i: (0, 0)),
        pl.BlockSpec((16, D), lambda i: (0, 0)),
        pl.BlockSpec((8, D), lambda i: (0, 0)),
        pl.BlockSpec((8, D), lambda i: (0, 0)),
        pl.BlockSpec((4, D), lambda i: (0, 0)),
    ],
    out_specs=[
        pl.BlockSpec((_SB, 1), lambda i: (i, 0)),
        pl.BlockSpec((_SB, LEAD + 1), lambda i: (i, 0)),
    ],
    out_shape=[
        jax.ShapeDtypeStruct((S, 1), jnp.float32),
        jax.ShapeDtypeStruct((S, LEAD + 1), jnp.float32),
    ],
)


def _pad_cols(a, cols):
    return jnp.concatenate(
        [a, jnp.zeros((a.shape[0], cols - a.shape[1]), jnp.float32)], axis=1
    )


def kernel(x, params, edge_index, src, dst):
    p = params
    row = edge_index[0].astype(jnp.int32)
    col = edge_index[1].astype(jnp.int32)
    padn = N + (jnp.arange(EP - E, dtype=jnp.int32) % (NPAD - N))
    pad0 = jnp.arange(EP - E, dtype=jnp.int32) % N
    rowf = jnp.concatenate([row, pad0])
    colf = jnp.concatenate([col, padn])
    pidx = ((rowf << PSH) | colf).reshape(EP // CB, CB)
    rowd = jnp.concatenate([row, padn]).reshape(EP // CB, CB)
    zn = jnp.zeros((NPAD,), jnp.float32)
    z2 = jnp.zeros((NPAD, D), jnp.float32)
    sc_deg, sc_seg, sc_pair = _sc_kernels()

    degp = sc_deg(rowd, zn).reshape(NC, NPAD)[:, :N]
    deg = degp[0] + degp[1]
    disc = jnp.where(
        deg > 0.0, jax.lax.rsqrt(jnp.where(deg > 0.0, deg, 1.0)), 0.0
    )[:, None]
    xs = _tc_scale(disc, x)
    s1p = sc_seg(xs, pidx, z2)
    t1, u1 = _tc_mid(s1p, disc)
    s2p = sc_seg(u1, pidx, z2)

    a0 = _pad_cols(jnp.concatenate(
        [p["W_xi"][0], p["W_xc"][0], p["W_xo"][0]], axis=1), D)
    a1 = _pad_cols(jnp.concatenate(
        [p["W_xi"][1], p["W_xc"][1], p["W_xo"][1]], axis=1), D)
    a2 = _pad_cols(jnp.concatenate(
        [p["W_xi"][2], p["W_xc"][2], p["W_xo"][2]], axis=1), D)
    bias_cat = jnp.concatenate([
        p["b_xi"] + p["b_hi"] + p["b_i"],
        p["b_xc"] + p["b_hc"] + p["b_c"],
        p["b_xo"] + p["b_ho"] + p["b_o"],
    ])
    wco_row = jnp.zeros((D,), jnp.float32).at[2 * DH:3 * DH].set(p["w_co"])
    f1b_row = jnp.zeros((D,), jnp.float32).at[0:16].set(p["fc1_b"])
    consts = jnp.stack([_pad_cols(bias_cat[None, :], D)[0], wco_row, f1b_row])
    f1 = _pad_cols(p["fc1_w"].T, D)

    h1 = _tc_gate(x, t1, s2p, disc, a0, a1, a2, consts, f1)

    sd = jnp.concatenate(
        [src.astype(jnp.int32), dst.astype(jnp.int32)]
    ).reshape(2 * (S // 128), 128)
    pair_l, pair_r = sc_pair(h1, sd)

    w2a = _pad_cols(p["fc2_w"][:, :16].T, D)
    w2b = _pad_cols(p["fc2_w"][:, 16:].T, D)
    w3 = _pad_cols(p["fc3_w"].T, D)
    wb = _pad_cols(p["bin_w"].T, D)
    wl = _pad_cols(p["lead_w"].T, D)
    b2r = jnp.zeros((D,), jnp.float32).at[0:16].set(p["fc2_b"])
    b3r = jnp.zeros((D,), jnp.float32).at[0:8].set(p["fc3_b"])
    bbr = jnp.zeros((D,), jnp.float32).at[0:1].set(p["bin_b"])
    blr = jnp.full((D,), -1e30, jnp.float32).at[0:LEAD + 1].set(p["lead_b"])
    hconsts = jnp.stack([b2r, b3r, bbr, blr])

    bin_h, lead_h = _tc_head(pair_l, pair_r, w2a, w2b, w3, wb, wl, hconsts)
    return (bin_h, lead_h)

# --- scband reference (transcript-rebuilt; emitter-appended) ---
"""Pipeline reference for scband-mtlrecurrent-gcn-10660108829012 (READ-ONLY COPY).

The authoritative reference and input builder live on the scoring server;
editing this copy changes nothing except your own understanding.
"""

import jax, jax.numpy as jnp
import numpy as np

N = 10000
E = 320000
D_IN = 128
D_H = 32
LEAD = 48
S = 8192
K = 3


def setup_inputs(seed: int = 0):
    key = jax.random.key(seed)
    x = jax.random.normal(jax.random.fold_in(key, 0), (N, D_IN), dtype=jnp.float32)
    edge_index = jax.random.randint(jax.random.fold_in(key, 1), (2, E), 0, N)
    src = jax.random.randint(jax.random.fold_in(key, 2), (S,), 0, N)
    dst = jax.random.randint(jax.random.fold_in(key, 3), (S,), 0, N)
    cnt = [0]
    def nrm(shape):
        cnt[0] += 1
        return 0.05 * jax.random.normal(jax.random.fold_in(key, 100 + cnt[0]), shape, dtype=jnp.float32)
    params = {}
    # GConvLSTM(128, 32, K=3): per-gate ChebConv on X and on H, plus peephole/bias params
    for g in ["i", "f", "c", "o"]:
        params["W_x" + g] = nrm((K, D_IN, D_H))
        params["b_x" + g] = nrm((D_H,))
        params["W_h" + g] = nrm((K, D_H, D_H))
        params["b_h" + g] = nrm((D_H,))
        params["b_" + g] = nrm((D_H,))
    for g in ["i", "f", "o"]:
        params["w_c" + g] = nrm((D_H,))
    params["fc1_w"] = nrm((16, 32)); params["fc1_b"] = nrm((16,))
    params["fc2_w"] = nrm((16, 32)); params["fc2_b"] = nrm((16,))
    params["fc3_w"] = nrm((8, 16)); params["fc3_b"] = nrm((8,))
    params["bin_w"] = nrm((1, 8)); params["bin_b"] = nrm((1,))
    params["lead_w"] = nrm((LEAD + 1, 8)); params["lead_b"] = nrm((LEAD + 1,))
    return {"x": x, "params": params, "edge_index": edge_index, "src": src, "dst": dst}


def cheb_conv(X, W, b, row, col, w, n):
    # ChebConv K=3, sym norm, lambda_max=2 => L_hat = -D^{-1/2} A D^{-1/2} (zero diagonal)
    out = X @ W[0]
    T1 = jax.ops.segment_sum(w[:, None] * X[row], col, num_segments=n)
    out = out + T1 @ W[1]
    T2 = 2.0 * jax.ops.segment_sum(w[:, None] * T1[row], col, num_segments=n) - X
    out = out + T2 @ W[2]
    return out + b


def reference(x, params, edge_index, src, dst):
    row, col = edge_index[0], edge_index[1]
    deg = jax.ops.segment_sum(jnp.ones((E,), jnp.float32), row, num_segments=N)
    dis = jnp.where(deg > 0, 1.0 / jnp.sqrt(jnp.where(deg > 0, deg, 1.0)), 0.0)
    w = -dis[row] * dis[col]
    p = params
    H = jnp.zeros((N, D_H), jnp.float32)
    C = jnp.zeros((N, D_H), jnp.float32)
    def gate(g, Hc):
        return (cheb_conv(x, p["W_x" + g], p["b_x" + g], row, col, w, N)
                + cheb_conv(Hc, p["W_h" + g], p["b_h" + g], row, col, w, N))
    I = jax.nn.sigmoid(gate("i", H) + p["w_ci"] * C + p["b_i"])
    Fg = jax.nn.sigmoid(gate("f", H) + p["w_cf"] * C + p["b_f"])
    T = jnp.tanh(gate("c", H) + p["b_c"])
    C = Fg * C + I * T
    O = jax.nn.sigmoid(gate("o", H) + p["w_co"] * C + p["b_o"])
    H = O * jnp.tanh(C)
    h = jax.nn.relu(H)
    h = jax.nn.relu(h @ p["fc1_w"].T + p["fc1_b"])
    h = jax.nn.relu(jnp.concatenate([h[src], h[dst]], axis=1) @ p["fc2_w"].T + p["fc2_b"])
    h = jax.nn.relu(h @ p["fc3_w"].T + p["fc3_b"])
    bin_h = jax.nn.sigmoid(h @ p["bin_w"].T + p["bin_b"])
    lead_h = jax.nn.log_softmax(h @ p["lead_w"].T + p["lead_b"], axis=1)
    return (bin_h, lead_h)

if __name__ == "__main__":
    import jax
    _d = setup_inputs()
    print(jax.jit(kernel)(*tuple(_d.values())))

</pallas_src>

<mosaic_0001>
#map = affine_map<(d0, d1) -> (0, 0)>
module attributes {stable_mosaic.version = 14 : i64} {
  func.func @_sc_pair_body(%arg0: i32, %arg1: i32, %arg2: memref<10000x128xf32, #tpu.memory_space<hbm>>, %arg3: memref<128x128xi32, #tpu.memory_space<hbm>>, %arg4: memref<8192x128xf32, #tpu.memory_space<hbm>>, %arg5: memref<8192x128xf32, #tpu.memory_space<hbm>>, %arg6: memref<128x128xi32, #tpu.memory_space<vmem>>, %arg7: memref<128x128xf32, #tpu.memory_space<vmem>>, %arg8: memref<!tpu.dma_semaphore, #tpu.memory_space<semaphore_mem>>) attributes {dimension_semantics = [#tpu.dimension_semantics<core_parallel>, #tpu.dimension_semantics<subcore_parallel>], iteration_bounds = array<i64: 2, 16>, scalar_prefetch = 0 : i64, scratch_operands = 3 : i64, tpu.core_type = #tpu.core_type<sc_vector_subcore>, window_params = [{transform_indices = #map}, {transform_indices = #map}, {transform_indices = #map}, {transform_indices = #map}]} {
    %mul3A = arith.constant 16 : i32
    %mul3A_0 = arith.muli %arg0, %mul3A : i32
    %add3A = arith.addi %mul3A_0, %arg1 : i32
    "tpu.region"() ({
      %run_scoped3A = tpu.sem_alloc : memref<!tpu.dma_semaphore, #tpu.memory_space<semaphore_mem>>
      tpu.enqueue_dma source(%arg3 : memref<128x128xi32, #tpu.memory_space<hbm>>) target(%arg6 : memref<128x128xi32, #tpu.memory_space<vmem>>) target_semaphore(%run_scoped3A : memref<!tpu.dma_semaphore, #tpu.memory_space<semaphore_mem>>)
      tpu.wait_dma2 semaphore(%run_scoped3A : memref<!tpu.dma_semaphore, #tpu.memory_space<semaphore_mem>>) src(%arg3 : memref<128x128xi32, #tpu.memory_space<hbm>>) dst(%arg6 : memref<128x128xi32, #tpu.memory_space<vmem>>)
      tpu.yield
    }) : () -> ()
    %mul3A_1 = arith.constant 2 : i32
    %mul3A_2 = arith.muli %add3A, %mul3A_1 : i32
    %add3A_3 = arith.constant 0 : i32
    %add3A_4 = arith.addi %add3A_3, %mul3A_2 : i32
    %add3A_5 = arith.constant 0 : i32
    %add3A_6 = arith.addi %add3A_4, %add3A_5 : i32
    %dma_start3A = arith.constant 0 : i32
    %dma_start3A_7 = tpu.memref_slice %arg6[%add3A_6, %dma_start3A] : memref<128x128xi32, #tpu.memory_space<vmem>> -> memref<1x128xi32, #tpu.memory_space<vmem>>
    %dma_start3A_8 = tpu.memref_squeeze %dma_start3A_7 : memref<1x128xi32, #tpu.memory_space<vmem>> -> memref<128xi32, #tpu.memory_space<vmem>>
    %dma_start3A_9 = arith.constant 0 : i32
    %dma_start3A_10 = arith.constant 0 : i32
    %dma_start3A_11 = tpu.memref_slice %arg2[%dma_start3A_9, %dma_start3A_10] : memref<10000x128xf32, #tpu.memory_space<hbm>> -> memref<10000x128xf32, #tpu.memory_space<hbm>>
    tpu.enqueue_indirect_dma source(%dma_start3A_11 : memref<10000x128xf32, #tpu.memory_space<hbm>>) target(%arg7 : memref<128x128xf32, #tpu.memory_space<vmem>>) offsets(%dma_start3A_8 : memref<128xi32, #tpu.memory_space<vmem>>) semaphore(%arg8 : memref<!tpu.dma_semaphore, #tpu.memory_space<semaphore_mem>>)
    %dma_wait3A = arith.constant 0 : i32
    %dma_wait3A_12 = tpu.memref_slice %arg6[%add3A_6, %dma_wait3A] : memref<128x128xi32, #tpu.memory_space<vmem>> -> memref<1x128xi32, #tpu.memory_space<vmem>>
    %dma_wait3A_13 = tpu.memref_squeeze %dma_wait3A_12 : memref<1x128xi32, #tpu.memory_space<vmem>> -> memref<128xi32, #tpu.memory_space<vmem>>
    %dma_wait3A_14 = arith.constant 0 : i32
    %dma_wait3A_15 = arith.constant 0 : i32
    %dma_wait3A_16 = tpu.memref_slice %arg2[%dma_wait3A_14, %dma_wait3A_15] : memref<10000x128xf32, #tpu.memory_space<hbm>> -> memref<10000x128xf32, #tpu.memory_space<hbm>>
    tpu.wait_indirect_dma semaphore(%arg8 : memref<!tpu.dma_semaphore, #tpu.memory_space<semaphore_mem>>) src(%dma_wait3A_16 : memref<10000x128xf32, #tpu.memory_space<hbm>>) dst(%arg7 : memref<128x128xf32, #tpu.memory_space<vmem>>)
    %mul3A_17 = arith.constant 2 : i32
    %mul3A_18 = arith.muli %add3A, %mul3A_17 : i32
    %mul3A_19 = arith.constant 128 : i32
    %mul3A_20 = arith.muli %mul3A_18, %mul3A_19 : i32
    %add3A_21 = arith.constant 0 : i32
    %add3A_22 = arith.addi %mul3A_20, %add3A_21 : i32
    "tpu.region"() ({
      %run_scoped3A = tpu.sem_alloc : memref<!tpu.dma_semaphore, #tpu.memory_space<semaphore_mem>>
      %dma_start3A_95 = arith.constant 0 : i32
      %dma_start3A_96 = tpu.memref_slice %arg4[%add3A_22, %dma_start3A_95] : memref<8192x128xf32, #tpu.memory_space<hbm>> -> memref<128x128xf32, #tpu.memory_space<hbm>>
      %dma_start3A_97 = arith.constant 0 : i32
      %dma_start3A_98 = tpu.memref_slice %arg4[%add3A_22, %dma_start3A_97] : memref<8192x128xf32, #tpu.memory_space<hbm>> -> memref<128x128xf32, #tpu.memory_space<hbm>>
      tpu.enqueue_dma source(%arg7 : memref<128x128xf32, #tpu.memory_space<vmem>>) target(%dma_start3A_98 : memref<128x128xf32, #tpu.memory_space<hbm>>) target_semaphore(%run_scoped3A : memref<!tpu.dma_semaphore, #tpu.memory_space<semaphore_mem>>)
      %dma_wait3A_99 = arith.constant 0 : i32
      %dma_wait3A_100 = tpu.memref_slice %arg4[%add3A_22, %dma_wait3A_99] : memref<8192x128xf32, #tpu.memory_space<hbm>> -> memref<128x128xf32, #tpu.memory_space<hbm>>
      %dma_wait3A_101 = arith.constant 0 : i32
      %dma_wait3A_102 = tpu.memref_slice %arg4[%add3A_22, %dma_wait3A_101] : memref<8192x128xf32, #tpu.memory_space<hbm>> -> memref<128x128xf32, #tpu.memory_space<hbm>>
      tpu.wait_dma2 semaphore(%run_scoped3A : memref<!tpu.dma_semaphore, #tpu.memory_space<semaphore_mem>>) src(%arg7 : memref<128x128xf32, #tpu.memory_space<vmem>>) dst(%dma_wait3A_102 : memref<128x128xf32, #tpu.memory_space<hbm>>)
      tpu.yield
    }) : () -> ()
    %mul3A_23 = arith.constant 2 : i32
    %mul3A_24 = arith.muli %add3A, %mul3A_23 : i32
    %add3A_25 = arith.constant 0 : i32
    %add3A_26 = arith.addi %add3A_25, %mul3A_24 : i32
    %add3A_27 = arith.constant 1 : i32
    %add3A_28 = arith.addi %add3A_26, %add3A_27 : i32
    %dma_start3A_29 = arith.constant 0 : i32
    %dma_start3A_30 = tpu.memref_slice %arg6[%add3A_28, %dma_start3A_29] : memref<128x128xi32, #tpu.memory_space<vmem>> -> memref<1x128xi32, #tpu.memory_space<vmem>>
    %dma_start3A_31 = tpu.memref_squeeze %dma_start3A_30 : memref<1x128xi32, #tpu.memory_space<vmem>> -> memref<128xi32, #tpu.memory_space<vmem>>
    %dma_start3A_32 = arith.constant 0 : i32
    %dma_start3A_33 = arith.constant 0 : i32
    %dma_start3A_34 = tpu.memref_slice %arg2[%dma_start3A_32, %dma_start3A_33] : memref<10000x128xf32, #tpu.memory_space<hbm>> -> memref<10000x128xf32, #tpu.memory_space<hbm>>
    tpu.enqueue_indirect_dma source(%dma_start3A_34 : memref<10000x128xf32, #tpu.memory_space<hbm>>) target(%arg7 : memref<128x128xf32, #tpu.memory_space<vmem>>) offsets(%dma_start3A_31 : memref<128xi32, #tpu.memory_space<vmem>>) semaphore(%arg8 : memref<!tpu.dma_semaphore, #tpu.memory_space<semaphore_mem>>)
    %dma_wait3A_35 = arith.constant 0 : i32
    %dma_wait3A_36 = tpu.memref_slice %arg6[%add3A_28, %dma_wait3A_35] : memref<128x128xi32, #tpu.memory_space<vmem>> -> memref<1x128xi32, #tpu.memory_space<vmem>>
    %dma_wait3A_37 = tpu.memref_squeeze %dma_wait3A_36 : memref<1x128xi32, #tpu.memory_space<vmem>> -> memref<128xi32, #tpu.memory_space<vmem>>
    %dma_wait3A_38 = arith.constant 0 : i32
    %dma_wait3A_39 = arith.constant 0 : i32
    %dma_wait3A_40 = tpu.memref_slice %arg2[%dma_wait3A_38, %dma_wait3A_39] : memref<10000x128xf32, #tpu.memory_space<hbm>> -> memref<10000x128xf32, #tpu.memory_space<hbm>>
    tpu.wait_indirect_dma semaphore(%arg8 : memref<!tpu.dma_semaphore, #tpu.memory_space<semaphore_mem>>) src(%dma_wait3A_40 : memref<10000x128xf32, #tpu.memory_space<hbm>>) dst(%arg7 : memref<128x128xf32, #tpu.memory_space<vmem>>)
    %mul3A_41 = arith.constant 2 : i32
    %mul3A_42 = arith.muli %add3A, %mul3A_41 : i32
    %mul3A_43 = arith.constant 128 : i32
    %mul3A_44 = arith.muli %mul3A_42, %mul3A_43 : i32
    %add3A_45 = arith.constant 128 : i32
    %add3A_46 = arith.addi %mul3A_44, %add3A_45 : i32
    "tpu.region"() ({
      %run_scoped3A = tpu.sem_alloc : memref<!tpu.dma_semaphore, #tpu.memory_space<semaphore_mem>>
      %dma_start3A_95 = arith.constant 0 : i32
      %dma_start3A_96 = tpu.memref_slice %arg4[%add3A_46, %dma_start3A_95] : memref<8192x128xf32, #tpu.memory_space<hbm>> -> memref<128x128xf32, #tpu.memory_space<hbm>>
      %dma_start3A_97 = arith.constant 0 : i32
      %dma_start3A_98 = tpu.memref_slice %arg4[%add3A_46, %dma_start3A_97] : memref<8192x128xf32, #tpu.memory_space<hbm>> -> memref<128x128xf32, #tpu.memory_space<hbm>>
      tpu.enqueue_dma source(%arg7 : memref<128x128xf32, #tpu.memory_space<vmem>>) target(%dma_start3A_98 : memref<128x128xf32, #tpu.memory_space<hbm>>) target_semaphore(%run_scoped3A : memref<!tpu.dma_semaphore, #tpu.memory_space<semaphore_mem>>)
      %dma_wait3A_99 = arith.constant 0 : i32
      %dma_wait3A_100 = tpu.memref_slice %arg4[%add3A_46, %dma_wait3A_99] : memref<8192x128xf32, #tpu.memory_space<hbm>> -> memref<128x128xf32, #tpu.memory_space<hbm>>
      %dma_wait3A_101 = arith.constant 0 : i32
      %dma_wait3A_102 = tpu.memref_slice %arg4[%add3A_46, %dma_wait3A_101] : memref<8192x128xf32, #tpu.memory_space<hbm>> -> memref<128x128xf32, #tpu.memory_space<hbm>>
      tpu.wait_dma2 semaphore(%run_scoped3A : memref<!tpu.dma_semaphore, #tpu.memory_space<semaphore_mem>>) src(%arg7 : memref<128x128xf32, #tpu.memory_space<vmem>>) dst(%dma_wait3A_102 : memref<128x128xf32, #tpu.memory_space<hbm>>)
      tpu.yield
    }) : () -> ()
    %mul3A_47 = arith.constant 2 : i32
    %mul3A_48 = arith.muli %add3A, %mul3A_47 : i32
    %add3A_49 = arith.constant 64 : i32
    %add3A_50 = arith.addi %add3A_49, %mul3A_48 : i32
    %add3A_51 = arith.constant 0 : i32
    %add3A_52 = arith.addi %add3A_50, %add3A_51 : i32
    %dma_start3A_53 = arith.constant 0 : i32
    %dma_start3A_54 = tpu.memref_slice %arg6[%add3A_52, %dma_start3A_53] : memref<128x128xi32, #tpu.memory_space<vmem>> -> memref<1x128xi32, #tpu.memory_space<vmem>>
    %dma_start3A_55 = tpu.memref_squeeze %dma_start3A_54 : memref<1x128xi32, #tpu.memory_space<vmem>> -> memref<128xi32, #tpu.memory_space<vmem>>
    %dma_start3A_56 = arith.constant 0 : i32
    %dma_start3A_57 = arith.constant 0 : i32
    %dma_start3A_58 = tpu.memref_slice %arg2[%dma_start3A_56, %dma_start3A_57] : memref<10000x128xf32, #tpu.memory_space<hbm>> -> memref<10000x128xf32, #tpu.memory_space<hbm>>
    tpu.enqueue_indirect_dma source(%dma_start3A_58 : memref<10000x128xf32, #tpu.memory_space<hbm>>) target(%arg7 : memref<128x128xf32, #tpu.memory_space<vmem>>) offsets(%dma_start3A_55 : memref<128xi32, #tpu.memory_space<vmem>>) semaphore(%arg8 : memref<!tpu.dma_semaphore, #tpu.memory_space<semaphore_mem>>)
    %dma_wait3A_59 = arith.constant 0 : i32
    %dma_wait3A_60 = tpu.memref_slice %arg6[%add3A_52, %dma_wait3A_59] : memref<128x128xi32, #tpu.memory_space<vmem>> -> memref<1x128xi32, #tpu.memory_space<vmem>>
    %dma_wait3A_61 = tpu.memref_squeeze %dma_wait3A_60 : memref<1x128xi32, #tpu.memory_space<vmem>> -> memref<128xi32, #tpu.memory_space<vmem>>
    %dma_wait3A_62 = arith.constant 0 : i32
    %dma_wait3A_63 = arith.constant 0 : i32
    %dma_wait3A_64 = tpu.memref_slice %arg2[%dma_wait3A_62, %dma_wait3A_63] : memref<10000x128xf32, #tpu.memory_space<hbm>> -> memref<10000x128xf32, #tpu.memory_space<hbm>>
    tpu.wait_indirect_dma semaphore(%arg8 : memref<!tpu.dma_semaphore, #tpu.memory_space<semaphore_mem>>) src(%dma_wait3A_64 : memref<10000x128xf32, #tpu.memory_space<hbm>>) dst(%arg7 : memref<128x128xf32, #tpu.memory_space<vmem>>)
    %mul3A_65 = arith.constant 2 : i32
    %mul3A_66 = arith.muli %add3A, %mul3A_65 : i32
    %mul3A_67 = arith.constant 128 : i32
    %mul3A_68 = arith.muli %mul3A_66, %mul3A_67 : i32
    %add3A_69 = arith.constant 0 : i32
    %add3A_70 = arith.addi %mul3A_68, %add3A_69 : i32
    "tpu.region"() ({
      %run_scoped3A = tpu.sem_alloc : memref<!tpu.dma_semaphore, #tpu.memory_space<semaphore_mem>>
      %dma_start3A_95 = arith.constant 0 : i32
      %dma_start3A_96 = tpu.memref_slice %arg5[%add3A_70, %dma_start3A_95] : memref<8192x128xf32, #tpu.memory_space<hbm>> -> memref<128x128xf32, #tpu.memory_space<hbm>>
      %dma_start3A_97 = arith.constant 0 : i32
      %dma_start3A_98 = tpu.memref_slice %arg5[%add3A_70, %dma_start3A_97] : memref<8192x128xf32, #tpu.memory_space<hbm>> -> memref<128x128xf32, #tpu.memory_space<hbm>>
      tpu.enqueue_dma source(%arg7 : memref<128x128xf32, #tpu.memory_space<vmem>>) target(%dma_start3A_98 : memref<128x128xf32, #tpu.memory_space<hbm>>) target_semaphore(%run_scoped3A : memref<!tpu.dma_semaphore, #tpu.memory_space<semaphore_mem>>)
      %dma_wait3A_99 = arith.constant 0 : i32
      %dma_wait3A_100 = tpu.memref_slice %arg5[%add3A_70, %dma_wait3A_99] : memref<8192x128xf32, #tpu.memory_space<hbm>> -> memref<128x128xf32, #tpu.memory_space<hbm>>
      %dma_wait3A_101 = arith.constant 0 : i32
      %dma_wait3A_102 = tpu.memref_slice %arg5[%add3A_70, %dma_wait3A_101] : memref<8192x128xf32, #tpu.memory_space<hbm>> -> memref<128x128xf32, #tpu.memory_space<hbm>>
      tpu.wait_dma2 semaphore(%run_scoped3A : memref<!tpu.dma_semaphore, #tpu.memory_space<semaphore_mem>>) src(%arg7 : memref<128x128xf32, #tpu.memory_space<vmem>>) dst(%dma_wait3A_102 : memref<128x128xf32, #tpu.memory_space<hbm>>)
      tpu.yield
    }) : () -> ()
    %mul3A_71 = arith.constant 2 : i32
    %mul3A_72 = arith.muli %add3A, %mul3A_71 : i32
    %add3A_73 = arith.constant 64 : i32
    %add3A_74 = arith.addi %add3A_73, %mul3A_72 : i32
    %add3A_75 = arith.constant 1 : i32
    %add3A_76 = arith.addi %add3A_74, %add3A_75 : i32
    %dma_start3A_77 = arith.constant 0 : i32
    %dma_start3A_78 = tpu.memref_slice %arg6[%add3A_76, %dma_start3A_77] : memref<128x128xi32, #tpu.memory_space<vmem>> -> memref<1x128xi32, #tpu.memory_space<vmem>>
    %dma_start3A_79 = tpu.memref_squeeze %dma_start3A_78 : memref<1x128xi32, #tpu.memory_space<vmem>> -> memref<128xi32, #tpu.memory_space<vmem>>
    %dma_start3A_80 = arith.constant 0 : i32
    %dma_start3A_81 = arith.constant 0 : i32
    %dma_start3A_82 = tpu.memref_slice %arg2[%dma_start3A_80, %dma_start3A_81] : memref<10000x128xf32, #tpu.memory_space<hbm>> -> memref<10000x128xf32, #tpu.memory_space<hbm>>
    tpu.enqueue_indirect_dma source(%dma_start3A_82 : memref<10000x128xf32, #tpu.memory_space<hbm>>) target(%arg7 : memref<128x128xf32, #tpu.memory_space<vmem>>) offsets(%dma_start3A_79 : memref<128xi32, #tpu.memory_space<vmem>>) semaphore(%arg8 : memref<!tpu.dma_semaphore, #tpu.memory_space<semaphore_mem>>)
    %dma_wait3A_83 = arith.constant 0 : i32
    %dma_wait3A_84 = tpu.memref_slice %arg6[%add3A_76, %dma_wait3A_83] : memref<128x128xi32, #tpu.memory_space<vmem>> -> memref<1x128xi32, #tpu.memory_space<vmem>>
    %dma_wait3A_85 = tpu.memref_squeeze %dma_wait3A_84 : memref<1x128xi32, #tpu.memory_space<vmem>> -> memref<128xi32, #tpu.memory_space<vmem>>
    %dma_wait3A_86 = arith.constant 0 : i32
    %dma_wait3A_87 = arith.constant 0 : i32
    %dma_wait3A_88 = tpu.memref_slice %arg2[%dma_wait3A_86, %dma_wait3A_87] : memref<10000x128xf32, #tpu.memory_space<hbm>> -> memref<10000x128xf32, #tpu.memory_space<hbm>>
    tpu.wait_indirect_dma semaphore(%arg8 : memref<!tpu.dma_semaphore, #tpu.memory_space<semaphore_mem>>) src(%dma_wait3A_88 : memref<10000x128xf32, #tpu.memory_space<hbm>>) dst(%arg7 : memref<128x128xf32, #tpu.memory_space<vmem>>)
    %mul3A_89 = arith.constant 2 : i32
    %mul3A_90 = arith.muli %add3A, %mul3A_89 : i32
    %mul3A_91 = arith.constant 128 : i32
    %mul3A_92 = arith.muli %mul3A_90, %mul3A_91 : i32
    %add3A_93 = arith.constant 128 : i32
    %add3A_94 = arith.addi %mul3A_92, %add3A_93 : i32
    "tpu.region"() ({
      %run_scoped3A = tpu.sem_alloc : memref<!tpu.dma_semaphore, #tpu.memory_space<semaphore_mem>>
      %dma_start3A_95 = arith.constant 0 : i32
      %dma_start3A_96 = tpu.memref_slice %arg5[%add3A_94, %dma_start3A_95] : memref<8192x128xf32, #tpu.memory_space<hbm>> -> memref<128x128xf32, #tpu.memory_space<hbm>>
      %dma_start3A_97 = arith.constant 0 : i32
      %dma_start3A_98 = tpu.memref_slice %arg5[%add3A_94, %dma_start3A_97] : memref<8192x128xf32, #tpu.memory_space<hbm>> -> memref<128x128xf32, #tpu.memory_space<hbm>>
      tpu.enqueue_dma source(%arg7 : memref<128x128xf32, #tpu.memory_space<vmem>>) target(%dma_start3A_98 : memref<128x128xf32, #tpu.memory_space<hbm>>) target_semaphore(%run_scoped3A : memref<!tpu.dma_semaphore, #tpu.memory_space<semaphore_mem>>)
      %dma_wait3A_99 = arith.constant 0 : i32
      %dma_wait3A_100 = tpu.memref_slice %arg5[%add3A_94, %dma_wait3A_99] : memref<8192x128xf32, #tpu.memory_space<hbm>> -> memref<128x128xf32, #tpu.memory_space<hbm>>
      %dma_wait3A_101 = arith.constant 0 : i32
      %dma_wait3A_102 = tpu.memref_slice %arg5[%add3A_94, %dma_wait3A_101] : memref<8192x128xf32, #tpu.memory_space<hbm>> -> memref<128x128xf32, #tpu.memory_space<hbm>>
      tpu.wait_dma2 semaphore(%run_scoped3A : memref<!tpu.dma_semaphore, #tpu.memory_space<semaphore_mem>>) src(%arg7 : memref<128x128xf32, #tpu.memory_space<vmem>>) dst(%dma_wait3A_102 : memref<128x128xf32, #tpu.memory_space<hbm>>)
      tpu.yield
    }) : () -> ()
    return
  }
}

#map = affine_map<(d0, d1) -> (0, 0)>
#map1 = affine_map<(d0, d1) -> (0, 0, 0)>
module attributes {stable_mosaic.version = 14 : i64} {
  func.func @_sc_seg_body(%arg0: i32, %arg1: i32, %arg2: memref<10000x128xf32, #tpu.memory_space<hbm>>, %arg3: memref<2560x128xi32, #tpu.memory_space<hbm>>, %arg4: memref<10112x128xf32, #tpu.memory_space<hbm>>, %arg5: memref<2x10112x128xf32, #tpu.memory_space<hbm>>, %arg6: memref<80x128xi32, #tpu.memory_space<vmem>>, %arg7: memref<128xi32, #tpu.memory_space<vmem>>, %arg8: memref<128xi32, #tpu.memory_space<vmem>>, %arg9: memref<128xi32, #tpu.memory_space<vmem>>, %arg10: memref<128x128xf32, #tpu.memory_space<vmem>>, %arg11: memref<128x128xf32, #tpu.memory_space<vmem>>, %arg12: memref<10112x128xf32, #tpu.memory_space<vmem_shared>>, %arg13: memref<!tpu.dma_semaphore, #tpu.memory_space<semaphore_mem>>, %arg14: memref<!tpu.dma_semaphore, #tpu.memory_space<semaphore_mem>>) attributes {dimension_semantics = [#tpu.dimension_semantics<core_parallel>, #tpu.dimension_semantics<subcore_parallel>], iteration_bounds = array<i64: 2, 16>, scalar_prefetch = 0 : i64, scratch_operands = 9 : i64, tpu.core_type = #tpu.core_type<sc_vector_subcore>, window_params = [{transform_indices = #map}, {transform_indices = #map}, {transform_indices = #map}, {transform_indices = #map1}]} {
    %mul3A = arith.constant 16 : i32
    %mul3A_0 = arith.muli %arg0, %mul3A : i32
    %add3A = arith.addi %mul3A_0, %arg1 : i32
    %mul3A_1 = arith.constant 632 : i32
    %mul3A_2 = arith.muli %arg1, %mul3A_1 : i32
    %mul3A_3 = arith.constant 632 : i32
    %mul3A_4 = arith.muli %arg1, %mul3A_3 : i32
    "tpu.region"() ({
      %run_scoped3A = tpu.sem_alloc : memref<!tpu.dma_semaphore, #tpu.memory_space<semaphore_mem>>
      %dma_start3A_210 = arith.constant 0 : i32
      %dma_start3A_211 = tpu.memref_slice %arg12[%mul3A_4, %dma_start3A_210] : memref<10112x128xf32, #tpu.memory_space<vmem_shared>> -> memref<632x128xf32, #tpu.memory_space<vmem_shared>>
      %dma_start3A_212 = arith.constant 0 : i32
      %dma_start3A_213 = tpu.memref_slice %arg4[%mul3A_2, %dma_start3A_212] : memref<10112x128xf32, #tpu.memory_space<hbm>> -> memref<632x128xf32, #tpu.memory_space<hbm>>
      tpu.enqueue_dma source(%dma_start3A_213 : memref<632x128xf32, #tpu.memory_space<hbm>>) target(%dma_start3A_211 : memref<632x128xf32, #tpu.memory_space<vmem_shared>>) target_semaphore(%run_scoped3A : memref<!tpu.dma_semaphore, #tpu.memory_space<semaphore_mem>>)
      %dma_wait3A = arith.constant 0 : i32
      %dma_wait3A_214 = tpu.memref_slice %arg12[%mul3A_4, %dma_wait3A] : memref<10112x128xf32, #tpu.memory_space<vmem_shared>> -> memref<632x128xf32, #tpu.memory_space<vmem_shared>>
      %dma_wait3A_215 = arith.constant 0 : i32
      %dma_wait3A_216 = tpu.memref_slice %arg4[%mul3A_2, %dma_wait3A_215] : memref<10112x128xf32, #tpu.memory_space<hbm>> -> memref<632x128xf32, #tpu.memory_space<hbm>>
      tpu.wait_dma2 semaphore(%run_scoped3A : memref<!tpu.dma_semaphore, #tpu.memory_space<semaphore_mem>>) src(%dma_wait3A_216 : memref<632x128xf32, #tpu.memory_space<hbm>>) dst(%dma_wait3A_214 : memref<632x128xf32, #tpu.memory_space<vmem_shared>>)
      tpu.yield
    }) : () -> ()
    %mul3A_5 = arith.constant 80 : i32
    %mul3A_6 = arith.muli %add3A, %mul3A_5 : i32
    "tpu.region"() ({
      %run_scoped3A = tpu.sem_alloc : memref<!tpu.dma_semaphore, #tpu.memory_space<semaphore_mem>>
      %dma_start3A_210 = arith.constant 0 : i32
      %dma_start3A_211 = tpu.memref_slice %arg3[%mul3A_6, %dma_start3A_210] : memref<2560x128xi32, #tpu.memory_space<hbm>> -> memref<80x128xi32, #tpu.memory_space<hbm>>
      %dma_start3A_212 = arith.constant 0 : i32
      %dma_start3A_213 = tpu.memref_slice %arg3[%mul3A_6, %dma_start3A_212] : memref<2560x128xi32, #tpu.memory_space<hbm>> -> memref<80x128xi32, #tpu.memory_space<hbm>>
      tpu.enqueue_dma source(%dma_start3A_213 : memref<80x128xi32, #tpu.memory_space<hbm>>) target(%arg6 : memref<80x128xi32, #tpu.memory_space<vmem>>) target_semaphore(%run_scoped3A : memref<!tpu.dma_semaphore, #tpu.memory_space<semaphore_mem>>)
      %dma_wait3A = arith.constant 0 : i32
      %dma_wait3A_214 = tpu.memref_slice %arg3[%mul3A_6, %dma_wait3A] : memref<2560x128xi32, #tpu.memory_space<hbm>> -> memref<80x128xi32, #tpu.memory_space<hbm>>
      %dma_wait3A_215 = arith.constant 0 : i32
      %dma_wait3A_216 = tpu.memref_slice %arg3[%mul3A_6, %dma_wait3A_215] : memref<2560x128xi32, #tpu.memory_space<hbm>> -> memref<80x128xi32, #tpu.memory_space<hbm>>
      tpu.wait_dma2 semaphore(%run_scoped3A : memref<!tpu.dma_semaphore, #tpu.memory_space<semaphore_mem>>) src(%dma_wait3A_216 : memref<80x128xi32, #tpu.memory_space<hbm>>) dst(%arg6 : memref<80x128xi32, #tpu.memory_space<vmem>>)
      tpu.yield
    }) : () -> ()
    %barrier3A = arith.constant 0 : index
    tpu.barrier barrier_id(%barrier3A)
    %get3A = arith.constant 0 : i32
    %get3A_7 = arith.index_cast %get3A : i32 to index
    %get3A_8 = arith.constant 0 : index
    %get3A_9 = tpu.vector_load %arg6[%get3A_7, %get3A_8] {strides = array<i32>} : memref<80x128xi32, #tpu.memory_space<vmem>>, vector<1x16xi32>,
    %get3A_10 = vector.shape_cast %get3A_9 : vector<1x16xi32> to vector<16xi32>
    %shift_right_logical3A = arith.constant 14 : i32
    %shift_right_logical3A_11 = vector.broadcast %shift_right_logical3A : i32 to vector<16xi32>
    %shift_right_logical3A_12 = arith.shrui %get3A_10, %shift_right_logical3A_11 : vector<16xi32>
    %swap3A = arith.constant 0 : index
    %swap3A_13 = tpu.vector_load %arg7[%swap3A] {strides = array<i32>} : memref<128xi32, #tpu.memory_space<vmem>>, vector<16xi32>,
    %swap3A_14 = vector.shape_cast %swap3A_13 : vector<16xi32> to vector<16xi32>
    %swap3A_15 = vector.shape_cast %shift_right_logical3A_12 : vector<16xi32> to vector<16xi32>
    tpu.vector_store %arg7[%swap3A], %swap3A_15 {strides = array<i32>} : memref<128xi32, #tpu.memory_space<vmem>>, vector<16xi32>,
    %get3A_16 = arith.constant 0 : i32
    %get3A_17 = arith.index_cast %get3A_16 : i32 to index
    %get3A_18 = arith.constant 16 : index
    %get3A_19 = tpu.vector_load %arg6[%get3A_17, %get3A_18] {strides = array<i32>} : memref<80x128xi32, #tpu.memory_space<vmem>>, vector<1x16xi32>,
    %get3A_20 = vector.shape_cast %get3A_19 : vector<1x16xi32> to vector<16xi32>
    %shift_right_logical3A_21 = arith.constant 14 : i32
    %shift_right_logical3A_22 = vector.broadcast %shift_right_logical3A_21 : i32 to vector<16xi32>
    %shift_right_logical3A_23 = arith.shrui %get3A_20, %shift_right_logical3A_22 : vector<16xi32>
    %swap3A_24 = arith.constant 16 : index
    %swap3A_25 = tpu.vector_load %arg7[%swap3A_24] {strides = array<i32>} : memref<128xi32, #tpu.memory_space<vmem>>, vector<16xi32>,
    %swap3A_26 = vector.shape_cast %swap3A_25 : vector<16xi32> to vector<16xi32>
    %swap3A_27 = vector.shape_cast %shift_right_logical3A_23 : vector<16xi32> to vector<16xi32>
    tpu.vector_store %arg7[%swap3A_24], %swap3A_27 {strides = array<i32>} : memref<128xi32, #tpu.memory_space<vmem>>, vector<16xi32>,
    %get3A_28 = arith.constant 0 : i32
    %get3A_29 = arith.index_cast %get3A_28 : i32 to index
    %get3A_30 = arith.constant 32 : index
    %get3A_31 = tpu.vector_load %arg6[%get3A_29, %get3A_30] {strides = array<i32>} : memref<80x128xi32, #tpu.memory_space<vmem>>, vector<1x16xi32>,
    %get3A_32 = vector.shape_cast %get3A_31 : vector<1x16xi32> to vector<16xi32>
    %shift_right_logical3A_33 = arith.constant 14 : i32
    %shift_right_logical3A_34 = vector.broadcast %shift_right_logical3A_33 : i32 to vector<16xi32>
    %shift_right_logical3A_35 = arith.shrui %get3A_32, %shift_right_logical3A_34 : vector<16xi32>
    %swap3A_36 = arith.constant 32 : index
    %swap3A_37 = tpu.vector_load %arg7[%swap3A_36] {strides = array<i32>} : memref<128xi32, #tpu.memory_space<vmem>>, vector<16xi32>,
    %swap3A_38 = vector.shape_cast %swap3A_37 : vector<16xi32> to vector<16xi32>
    %swap3A_39 = vector.shape_cast %shift_right_logical3A_35 : vector<16xi32> to vector<16xi32>
    tpu.vector_store %arg7[%swap3A_36], %swap3A_39 {strides = array<i32>} : memref<128xi32, #tpu.memory_space<vmem>>, vector<16xi32>,
    %get3A_40 = arith.constant 0 : i32
    %get3A_41 = arith.index_cast %get3A_40 : i32 to index
    %get3A_42 = arith.constant 48 : index
    %get3A_43 = tpu.vector_load %arg6[%get3A_41, %get3A_42] {strides = array<i32>} : memref<80x128xi32, #tpu.memory_space<vmem>>, vector<1x16xi32>,
    %get3A_44 = vector.shape_cast %get3A_43 : vector<1x16xi32> to vector<16xi32>
    %shift_right_logical3A_45 = arith.constant 14 : i32
    %shift_right_logical3A_46 = vector.broadcast %shift_right_logical3A_45 : i32 to vector<16xi32>
    %shift_right_logical3A_47 = arith.shrui %get3A_44, %shift_right_logical3A_46 : vector<16xi32>
    %swap3A_48 = arith.constant 48 : index
    %swap3A_49 = tpu.vector_load %arg7[%swap3A_48] {strides = array<i32>} : memref<128xi32, #tpu.memory_space<vmem>>, vector<16xi32>,
    %swap3A_50 = vector.shape_cast %swap3A_49 : vector<16xi32> to vector<16xi32>
    %swap3A_51 = vector.shape_cast %shift_right_logical3A_47 : vector<16xi32> to vector<16xi32>
    tpu.vector_store %arg7[%swap3A_48], %swap3A_51 {strides = array<i32>} : memref<128xi32, #tpu.memory_space<vmem>>, vector<16xi32>,
    %get3A_52 = arith.constant 0 : i32
    %get3A_53 = arith.index_cast %get3A_52 : i32 to index
    %get3A_54 = arith.constant 64 : index
    %get3A_55 = tpu.vector_load %arg6[%get3A_53, %get3A_54] {strides = array<i32>} : memref<80x128xi32, #tpu.memory_space<vmem>>, vector<1x16xi32>,
    %get3A_56 = vector.shape_cast %get3A_55 : vector<1x16xi32> to vector<16xi32>
    %shift_right_logical3A_57 = arith.constant 14 : i32
    %shift_right_logical3A_58 = vector.broadcast %shift_right_logical3A_57 : i32 to vector<16xi32>
    %shift_right_logical3A_59 = arith.shrui %get3A_56, %shift_right_logical3A_58 : vector<16xi32>
    %swap3A_60 = arith.constant 64 : index
    %swap3A_61 = tpu.vector_load %arg7[%swap3A_60] {strides = array<i32>} : memref<128xi32, #tpu.memory_space<vmem>>, vector<16xi32>,
    %swap3A_62 = vector.shape_cast %swap3A_61 : vector<16xi32> to vector<16xi32>
    %swap3A_63 = vector.shape_cast %shift_right_logical3A_59 : vector<16xi32> to vector<16xi32>
    tpu.vector_store %arg7[%swap3A_60], %swap3A_63 {strides = array<i32>} : memref<128xi32, #tpu.memory_space<vmem>>, vector<16xi32>,
    %get3A_64 = arith.constant 0 : i32
    %get3A_65 = arith.index_cast %get3A_64 : i32 to index
    %get3A_66 = arith.constant 80 : index
    %get3A_67 = tpu.vector_load %arg6[%get3A_65, %get3A_66] {strides = array<i32>} : memref<80x128xi32, #tpu.memory_space<vmem>>, vector<1x16xi32>,
    %get3A_68 = vector.shape_cast %get3A_67 : vector<1x16xi32> to vector<16xi32>
    %shift_right_logical3A_69 = arith.constant 14 : i32
    %shift_right_logical3A_70 = vector.broadcast %shift_right_logical3A_69 : i32 to vector<16xi32>
    %shift_right_logical3A_71 = arith.shrui %get3A_68, %shift_right_logical3A_70 : vector<16xi32>
    %swap3A_72 = arith.constant 80 : index
    %swap3A_73 = tpu.vector_load %arg7[%swap3A_72] {strides = array<i32>} : memref<128xi32, #tpu.memory_space<vmem>>, vector<16xi32>,
    %swap3A_74 = vector.shape_cast %swap3A_73 : vector<16xi32> to vector<16xi32>
    %swap3A_75 = vector.shape_cast %shift_right_logical3A_71 : vector<16xi32> to vector<16xi32>
    tpu.vector_store %arg7[%swap3A_72], %swap3A_75 {strides = array<i32>} : memref<128xi32, #tpu.memory_space<vmem>>, vector<16xi32>,
    %get3A_76 = arith.constant 0 : i32
    %get3A_77 = arith.index_cast %get3A_76 : i32 to index
    %get3A_78 = arith.constant 96 : index
    %get3A_79 = tpu.vector_load %arg6[%get3A_77, %get3A_78] {strides = array<i32>} : memref<80x128xi32, #tpu.memory_space<vmem>>, vector<1x16xi32>,
    %get3A_80 = vector.shape_cast %get3A_79 : vector<1x16xi32> to vector<16xi32>
    %shift_right_logical3A_81 = arith.constant 14 : i32
    %shift_right_logical3A_82 = vector.broadcast %shift_right_logical3A_81 : i32 to vector<16xi32>
    %shift_right_logical3A_83 = arith.shrui %get3A_80, %shift_right_logical3A_82 : vector<16xi32>
    %swap3A_84 = arith.constant 96 : index
    %swap3A_85 = tpu.vector_load %arg7[%swap3A_84] {strides = array<i32>} : memref<128xi32, #tpu.memory_space<vmem>>, vector<16xi32>,
    %swap3A_86 = vector.shape_cast %swap3A_85 : vector<16xi32> to vector<16xi32>
    %swap3A_87 = vector.shape_cast %shift_right_logical3A_83 : vector<16xi32> to vector<16xi32>
    tpu.vector_store %arg7[%swap3A_84], %swap3A_87 {strides = array<i32>} : memref<128xi32, #tpu.memory_space<vmem>>, vector<16xi32>,
    %get3A_88 = arith.constant 0 : i32
    %get3A_89 = arith.index_cast %get3A_88 : i32 to index
    %get3A_90 = arith.constant 112 : index
    %get3A_91 = tpu.vector_load %arg6[%get3A_89, %get3A_90] {strides = array<i32>} : memref<80x128xi32, #tpu.memory_space<vmem>>, vector<1x16xi32>,
    %get3A_92 = vector.shape_cast %get3A_91 : vector<1x16xi32> to vector<16xi32>
    %shift_right_logical3A_93 = arith.constant 14 : i32
    %shift_right_logical3A_94 = vector.broadcast %shift_right_logical3A_93 : i32 to vector<16xi32>
    %shift_right_logical3A_95 = arith.shrui %get3A_92, %shift_right_logical3A_94 : vector<16xi32>
    %swap3A_96 = arith.constant 112 : index
    %swap3A_97 = tpu.vector_load %arg7[%swap3A_96] {strides = array<i32>} : memref<128xi32, #tpu.memory_space<vmem>>, vector<16xi32>,
    %swap3A_98 = vector.shape_cast %swap3A_97 : vector<16xi32> to vector<16xi32>
    %swap3A_99 = vector.shape_cast %shift_right_logical3A_95 : vector<16xi32> to vector<16xi32>
    tpu.vector_store %arg7[%swap3A_96], %swap3A_99 {strides = array<i32>} : memref<128xi32, #tpu.memory_space<vmem>>, vector<16xi32>,
    %dma_start3A = arith.constant 0 : i32
    %dma_start3A_100 = arith.constant 0 : i32
    %dma_start3A_101 = tpu.memref_slice %arg2[%dma_start3A, %dma_start3A_100] : memref<10000x128xf32, #tpu.memory_space<hbm>> -> memref<10000x128xf32, #tpu.memory_space<hbm>>
    tpu.enqueue_indirect_dma source(%dma_start3A_101 : memref<10000x128xf32, #tpu.memory_space<hbm>>) target(%arg10 : memref<128x128xf32, #tpu.memory_space<vmem>>) offsets(%arg7 : memref<128xi32, #tpu.memory_space<vmem>>) semaphore(%arg13 : memref<!tpu.dma_semaphore, #tpu.memory_space<semaphore_mem>>)
    %get3A_102 = arith.constant 1 : i32
    %get3A_103 = arith.index_cast %get3A_102 : i32 to index
    %get3A_104 = arith.constant 0 : index
    %get3A_105 = tpu.vector_load %arg6[%get3A_103, %get3A_104] {strides = array<i32>} : memref<80x128xi32, #tpu.memory_space<vmem>>, vector<1x16xi32>,
    %get3A_106 = vector.shape_cast %get3A_105 : vector<1x16xi32> to vector<16xi32>
    %shift_right_logical3A_107 = arith.constant 14 : i32
    %shift_right_logical3A_108 = vector.broadcast %shift_right_logical3A_107 : i32 to vector<16xi32>
    %shift_right_logical3A_109 = arith.shrui %get3A_106, %shift_right_logical3A_108 : vector<16xi32>
    %swap3A_110 = arith.constant 0 : index
    %swap3A_111 = tpu.vector_load %arg8[%swap3A_110] {strides = array<i32>} : memref<128xi32, #tpu.memory_space<vmem>>, vector<16xi32>,
    %swap3A_112 = vector.shape_cast %swap3A_111 : vector<16xi32> to vector<16xi32>
    %swap3A_113 = vector.shape_cast %shift_right_logical3A_109 : vector<16xi32> to vector<16xi32>
    tpu.vector_store %arg8[%swap3A_110], %swap3A_113 {strides = array<i32>} : memref<128xi32, #tpu.memory_space<vmem>>, vector<16xi32>,
    %get3A_114 = arith.constant 1 : i32
    %get3A_115 = arith.index_cast %get3A_114 : i32 to index
    %get3A_116 = arith.constant 16 : index
    %get3A_117 = tpu.vector_load %arg6[%get3A_115, %get3A_116] {strides = array<i32>} : memref<80x128xi32, #tpu.memory_space<vmem>>, vector<1x16xi32>,
    %get3A_118 = vector.shape_cast %get3A_117 : vector<1x16xi32> to vector<16xi32>
    %shift_right_logical3A_119 = arith.constant 14 : i32
    %shift_right_logical3A_120 = vector.broadcast %shift_right_logical3A_119 : i32 to vector<16xi32>
    %shift_right_logical3A_121 = arith.shrui %get3A_118, %shift_right_logical3A_120 : vector<16xi32>
    %swap3A_122 = arith.constant 16 : index
    %swap3A_123 = tpu.vector_load %arg8[%swap3A_122] {strides = array<i32>} : memref<128xi32, #tpu.memory_space<vmem>>, vector<16xi32>,
    %swap3A_124 = vector.shape_cast %swap3A_123 : vector<16xi32> to vector<16xi32>
    %swap3A_125 = vector.shape_cast %shift_right_logical3A_121 : vector<16xi32> to vector<16xi32>
    tpu.vector_store %arg8[%swap3A_122], %swap3A_125 {strides = array<i32>} : memref<128xi32, #tpu.memory_space<vmem>>, vector<16xi32>,
    %get3A_126 = arith.constant 1 : i32
    %get3A_127 = arith.index_cast %get3A_126 : i32 to index
    %get3A_128 = arith.constant 32 : index
    %get3A_129 = tpu.vector_load %arg6[%get3A_127, %get3A_128] {strides = array<i32>} : memref<80x128xi32, #tpu.memory_space<vmem>>, vector<1x16xi32>,
    %get3A_130 = vector.shape_cast %get3A_129 : vector<1x16xi32> to vector<16xi32>
    %shift_right_logical3A_131 = arith.constant 14 : i32
    %shift_right_logical3A_132 = vector.broadcast %shift_right_logical3A_131 : i32 to vector<16xi32>
    %shift_right_logical3A_133 = arith.shrui %get3A_130, %shift_right_logical3A_132 : vector<16xi32>
    %swap3A_134 = arith.constant 32 : index
    %swap3A_135 = tpu.vector_load %arg8[%swap3A_134] {strides = array<i32>} : memref<128xi32, #tpu.memory_space<vmem>>, vector<16xi32>,
    %swap3A_136 = vector.shape_cast %swap3A_135 : vector<16xi32> to vector<16xi32>
    %swap3A_137 = vector.shape_cast %shift_right_logical3A_133 : vector<16xi32> to vector<16xi32>
    tpu.vector_store %arg8[%swap3A_134], %swap3A_137 {strides = array<i32>} : memref<128xi32, #tpu.memory_space<vmem>>, vector<16xi32>,
    %get3A_138 = arith.constant 1 : i32
    %get3A_139 = arith.index_cast %get3A_138 : i32 to index
    %get3A_140 = arith.constant 48 : index
    %get3A_141 = tpu.vector_load %arg6[%get3A_139, %get3A_140] {strides = array<i32>} : memref<80x128xi32, #tpu.memory_space<vmem>>, vector<1x16xi32>,
    %get3A_142 = vector.shape_cast %get3A_141 : vector<1x16xi32> to vector<16xi32>
    %shift_right_logical3A_143 = arith.constant 14 : i32
    %shift_right_logical3A_144 = vector.broadcast %shift_right_logical3A_143 : i32 to vector<16xi32>
    %shift_right_logical3A_145 = arith.shrui %get3A_142, %shift_right_logical3A_144 : vector<16xi32>
    %swap3A_146 = arith.constant 48 : index
    %swap3A_147 = tpu.vector_load %arg8[%swap3A_146] {strides = array<i32>} : memref<128xi32, #tpu.memory_space<vmem>>, vector<16xi32>,
    %swap3A_148 = vector.shape_cast %swap3A_147 : vector<16xi32> to vector<16xi32>
    %swap3A_149 = vector.shape_cast %shift_right_logical3A_145 : vector<16xi32> to vector<16xi32>
    tpu.vector_store %arg8[%swap3A_146], %swap3A_149 {strides = array<i32>} : memref<128xi32, #tpu.memory_space<vmem>>, vector<16xi32>,
    %get3A_150 = arith.constant 1 : i32
    %get3A_151 = arith.index_cast %get3A_150 : i32 to index
    %get3A_152 = arith.constant 64 : index
    %get3A_153 = tpu.vector_load %arg6[%get3A_151, %get3A_152] {strides = array<i32>} : memref<80x128xi32, #tpu.memory_space<vmem>>, vector<1x16xi32>,
    %get3A_154 = vector.shape_cast %get3A_153 : vector<1x16xi32> to vector<16xi32>
    %shift_right_logical3A_155 = arith.constant 14 : i32
    %shift_right_logical3A_156 = vector.broadcast %shift_right_logical3A_155 : i32 to vector<16xi32>
    %shift_right_logical3A_157 = arith.shrui %get3A_154, %shift_right_logical3A_156 : vector<16xi32>
    %swap3A_158 = arith.constant 64 : index
    %swap3A_159 = tpu.vector_load %arg8[%swap3A_158] {strides = array<i32>} : memref<128xi32, #tpu.memory_space<vmem>>, vector<16xi32>,
    %swap3A_160 = vector.shape_cast %swap3A_159 : vector<16xi32> to vector<16xi32>
    %swap3A_161 = vector.shape_cast %shift_right_logical3A_157 : vector<16xi32> to vector<16xi32>
    tpu.vector_store %arg8[%swap3A_158], %swap3A_161 {strides = array<i32>} : memref<128xi32, #tpu.memory_space<vmem>>, vector<16xi32>,
    %get3A_162 = arith.constant 1 : i32
    %get3A_163 = arith.index_cast %get3A_162 : i32 to index
    %get3A_164 = arith.constant 80 : index
    %get3A_165 = tpu.vector_load %arg6[%get3A_163, %get3A_164] {strides = array<i32>} : memref<80x128xi32, #tpu.memory_space<vmem>>, vector<1x16xi32>,
    %get3A_166 = vector.shape_cast %get3A_165 : vector<1x16xi32> to vector<16xi32>
    %shift_right_logical3A_167 = arith.constant 14 : i32
    %shift_right_logical3A_168 = vector.broadcast %shift_right_logical3A_167 : i32 to vector<16xi32>
    %shift_right_logical3A_169 = arith.shrui %get3A_166, %shift_right_logical3A_168 : vector<16xi32>
    %swap3A_170 = arith.constant 80 : index
    %swap3A_171 = tpu.vector_load %arg8[%swap3A_170] {strides = array<i32>} : memref<128xi32, #tpu.memory_space<vmem>>, vector<16xi32>,
    %swap3A_172 = vector.shape_cast %swap3A_171 : vector<16xi32> to vector<16xi32>
    %swap3A_173 = vector.shape_cast %shift_right_logical3A_169 : vector<16xi32> to vector<16xi32>
    tpu.vector_store %arg8[%swap3A_170], %swap3A_173 {strides = array<i32>} : memref<128xi32, #tpu.memory_space<vmem>>, vector<16xi32>,
    %get3A_174 = arith.constant 1 : i32
    %get3A_175 = arith.index_cast %get3A_174 : i32 to index
    %get3A_176 = arith.constant 96 : index
    %get3A_177 = tpu.vector_load %arg6[%get3A_175, %get3A_176] {strides = array<i32>} : memref<80x128xi32, #tpu.memory_space<vmem>>, vector<1x16xi32>,
    %get3A_178 = vector.shape_cast %get3A_177 : vector<1x16xi32> to vector<16xi32>
    %shift_right_logical3A_179 = arith.constant 14 : i32
    %shift_right_logical3A_180 = vector.broadcast %shift_right_logical3A_179 : i32 to vector<16xi32>
    %shift_right_logical3A_181 = arith.shrui %get3A_178, %shift_right_logical3A_180 : vector<16xi32>
    %swap3A_182 = arith.constant 96 : index
    %swap3A_183 = tpu.vector_load %arg8[%swap3A_182] {strides = array<i32>} : memref<128xi32, #tpu.memory_space<vmem>>, vector<16xi32>,
    %swap3A_184 = vector.shape_cast %swap3A_183 : vector<16xi32> to vector<16xi32>
    %swap3A_185 = vector.shape_cast %shift_right_logical3A_181 : vector<16xi32> to vector<16xi32>
    tpu.vector_store %arg8[%swap3A_182], %swap3A_185 {strides = array<i32>} : memref<128xi32, #tpu.memory_space<vmem>>, vector<16xi32>,
    %get3A_186 = arith.constant 1 : i32
    %get3A_187 = arith.index_cast %get3A_186 : i32 to index
    %get3A_188 = arith.constant 112 : index
    %get3A_189 = tpu.vector_load %arg6[%get3A_187, %get3A_188] {strides = array<i32>} : memref<80x128xi32, #tpu.memory_space<vmem>>, vector<1x16xi32>,
    %get3A_190 = vector.shape_cast %get3A_189 : vector<1x16xi32> to vector<16xi32>
    %shift_right_logical3A_191 = arith.constant 14 : i32
    %shift_right_logical3A_192 = vector.broadcast %shift_right_logical3A_191 : i32 to vector<16xi32>
    %shift_right_logical3A_193 = arith.shrui %get3A_190, %shift_right_logical3A_192 : vector<16xi32>
    %swap3A_194 = arith.constant 112 : index
    %swap3A_195 = tpu.vector_load %arg8[%swap3A_194] {strides = array<i32>} : memref<128xi32, #tpu.memory_space<vmem>>, vector<16xi32>,
    %swap3A_196 = vector.shape_cast %swap3A_195 : vector<16xi32> to vector<16xi32>
    %swap3A_197 = vector.shape_cast %shift_right_logical3A_193 : vector<16xi32> to vector<16xi32>
    tpu.vector_store %arg8[%swap3A_194], %swap3A_197 {strides = array<i32>} : memref<128xi32, #tpu.memory_space<vmem>>, vector<16xi32>,
    %dma_start3A_198 = arith.constant 0 : i32
    %dma_start3A_199 = arith.constant 0 : i32
    %dma_start3A_200 = tpu.memref_slice %arg2[%dma_start3A_198, %dma_start3A_199] : memref<10000x128xf32, #tpu.memory_space<hbm>> -> memref<10000x128xf32, #tpu.memory_space<hbm>>
    tpu.enqueue_indirect_dma source(%dma_start3A_200 : memref<10000x128xf32, #tpu.memory_space<hbm>>) target(%arg11 : memref<128x128xf32, #tpu.memory_space<vmem>>) offsets(%arg8 : memref<128xi32, #tpu.memory_space<vmem>>) semaphore(%arg14 : memref<!tpu.dma_semaphore, #tpu.memory_space<semaphore_mem>>)
    %scan3A = arith.constant 0 : i32
    %scan3A_201 = arith.constant 40 : i32
    %scan3A_202 = arith.addi %scan3A, %scan3A_201 : i32
    %scan3A_203 = arith.constant 1 : i32
    scf.for %scan3A_210 = %scan3A to %scan3A_202 step %scan3A_203  : i32 {
      %mul3A_211 = arith.constant 1 : i32
      %mul3A_212 = arith.muli %scan3A_210, %mul3A_211 : i32
      %add3A_213 = arith.constant 0 : i32
      %add3A_214 = arith.addi %add3A_213, %mul3A_212 : i32
      %mul3A_215 = arith.constant 2 : i32
      %mul3A_216 = arith.muli %mul3A_215, %add3A_214 : i32
      %dma_wait3A = arith.constant 0 : i32
      %dma_wait3A_217 = arith.constant 0 : i32
      %dma_wait3A_218 = tpu.memref_slice %arg2[%dma_wait3A, %dma_wait3A_217] : memref<10000x128xf32, #tpu.memory_space<hbm>> -> memref<10000x128xf32, #tpu.memory_space<hbm>>
      tpu.wait_indirect_dma semaphore(%arg13 : memref<!tpu.dma_semaphore, #tpu.memory_space<semaphore_mem>>) src(%dma_wait3A_218 : memref<10000x128xf32, #tpu.memory_space<hbm>>) dst(%arg10 : memref<128x128xf32, #tpu.memory_space<vmem>>)
      %get3A_219 = arith.index_cast %mul3A_216 : i32 to index
      %get3A_220 = arith.constant 0 : index
      %get3A_221 = tpu.vector_load %arg6[%get3A_219, %get3A_220] {strides = array<i32>} : memref<80x128xi32, #tpu.memory_space<vmem>>, vector<1x16xi32>,
      %get3A_222 = vector.shape_cast %get3A_221 : vector<1x16xi32> to vector<16xi32>
      %and3A = arith.constant 16383 : i32
      %and3A_223 = vector.broadcast %and3A : i32 to vector<16xi32>
      %and3A_224 = arith.andi %get3A_222, %and3A_223 : vector<16xi32>
      %swap3A_225 = arith.constant 0 : index
      %swap3A_226 = tpu.vector_load %arg9[%swap3A_225] {strides = array<i32>} : memref<128xi32, #tpu.memory_space<vmem>>, vector<16xi32>,
      %swap3A_227 = vector.shape_cast %swap3A_226 : vector<16xi32> to vector<16xi32>
      %swap3A_228 = vector.shape_cast %and3A_224 : vector<16xi32> to vector<16xi32>
      tpu.vector_store %arg9[%swap3A_225], %swap3A_228 {strides = array<i32>} : memref<128xi32, #tpu.memory_space<vmem>>, vector<16xi32>,
      %get3A_229 = arith.index_cast %mul3A_216 : i32 to index
      %get3A_230 = arith.constant 16 : index
      %get3A_231 = tpu.vector_load %arg6[%get3A_229, %get3A_230] {strides = array<i32>} : memref<80x128xi32, #tpu.memory_space<vmem>>, vector<1x16xi32>,
      %get3A_232 = vector.shape_cast %get3A_231 : vector<1x16xi32> to vector<16xi32>
      %and3A_233 = arith.constant 16383 : i32
      %and3A_234 = vector.broadcast %and3A_233 : i32 to vector<16xi32>
      %and3A_235 = arith.andi %get3A_232, %and3A_234 : vector<16xi32>
      %swap3A_236 = arith.constant 16 : index
      %swap3A_237 = tpu.vector_load %arg9[%swap3A_236] {strides = array<i32>} : memref<128xi32, #tpu.memory_space<vmem>>, vector<16xi32>,
      %swap3A_238 = vector.shape_cast %swap3A_237 : vector<16xi32> to vector<16xi32>
      %swap3A_239 = vector.shape_cast %and3A_235 : vector<16xi32> to vector<16xi32>
      tpu.vector_store %arg9[%swap3A_236], %swap3A_239 {strides = array<i32>} : memref<128xi32, #tpu.memory_space<vmem>>, vector<16xi32>,
      %get3A_240 = arith.index_cast %mul3A_216 : i32 to index
      %get3A_241 = arith.constant 32 : index
      %get3A_242 = tpu.vector_load %arg6[%get3A_240, %get3A_241] {strides = array<i32>} : memref<80x128xi32, #tpu.memory_space<vmem>>, vector<1x16xi32>,
      %get3A_243 = vector.shape_cast %get3A_242 : vector<1x16xi32> to vector<16xi32>
      %and3A_244 = arith.constant 16383 : i32
      %and3A_245 = vector.broadcast %and3A_244 : i32 to vector<16xi32>
      %and3A_246 = arith.andi %get3A_243, %and3A_245 : vector<16xi32>
      %swap3A_247 = arith.constant 32 : index
      %swap3A_248 = tpu.vector_load %arg9[%swap3A_247] {strides = array<i32>} : memref<128xi32, #tpu.memory_space<vmem>>, vector<16xi32>,
      %swap3A_249 = vector.shape_cast %swap3A_248 : vector<16xi32> to vector<16xi32>
      %swap3A_250 = vector.shape_cast %and3A_246 : vector<16xi32> to vector<16xi32>
      tpu.vector_store %arg9[%swap3A_247], %swap3A_250 {strides = array<i32>} : memref<128xi32, #tpu.memory_space<vmem>>, vector<16xi32>,
      %get3A_251 = arith.index_cast %mul3A_216 : i32 to index
      %get3A_252 = arith.constant 48 : index
      %get3A_253 = tpu.vector_load %arg6[%get3A_251, %get3A_252] {strides = array<i32>} : memref<80x128xi32, #tpu.memory_space<vmem>>, vector<1x16xi32>,
      %get3A_254 = vector.shape_cast %get3A_253 : vector<1x16xi32> to vector<16xi32>
      %and3A_255 = arith.constant 16383 : i32
      %and3A_256 = vector.broadcast %and3A_255 : i32 to vector<16xi32>
      %and3A_257 = arith.andi %get3A_254, %and3A_256 : vector<16xi32>
      %swap3A_258 = arith.constant 48 : index
      %swap3A_259 = tpu.vector_load %arg9[%swap3A_258] {strides = array<i32>} : memref<128xi32, #tpu.memory_space<vmem>>, vector<16xi32>,
      %swap3A_260 = vector.shape_cast %swap3A_259 : vector<16xi32> to vector<16xi32>
      %swap3A_261 = vector.shape_cast %and3A_257 : vector<16xi32> to vector<16xi32>
      tpu.vector_store %arg9[%swap3A_258], %swap3A_261 {strides = array<i32>} : memref<128xi32, #tpu.memory_space<vmem>>, vector<16xi32>,
      %get3A_262 = arith.index_cast %mul3A_216 : i32 to index
      %get3A_263 = arith.constant 64 : index
      %get3A_264 = tpu.vector_load %arg6[%get3A_262, %get3A_263] {strides = array<i32>} : memref<80x128xi32, #tpu.memory_space<vmem>>, vector<1x16xi32>,
      %get3A_265 = vector.shape_cast %get3A_264 : vector<1x16xi32> to vector<16xi32>
      %and3A_266 = arith.constant 16383 : i32
      %and3A_267 = vector.broadcast %and3A_266 : i32 to vector<16xi32>
      %and3A_268 = arith.andi %get3A_265, %and3A_267 : vector<16xi32>
      %swap3A_269 = arith.constant 64 : index
      %swap3A_270 = tpu.vector_load %arg9[%swap3A_269] {strides = array<i32>} : memref<128xi32, #tpu.memory_space<vmem>>, vector<16xi32>,
      %swap3A_271 = vector.shape_cast %swap3A_270 : vector<16xi32> to vector<16xi32>
      %swap3A_272 = vector.shape_cast %and3A_268 : vector<16xi32> to vector<16xi32>
      tpu.vector_store %arg9[%swap3A_269], %swap3A_272 {strides = array<i32>} : memref<128xi32, #tpu.memory_space<vmem>>, vector<16xi32>,
      %get3A_273 = arith.index_cast %mul3A_216 : i32 to index
      %get3A_274 = arith.constant 80 : index
      %get3A_275 = tpu.vector_load %arg6[%get3A_273, %get3A_274] {strides = array<i32>} : memref<80x128xi32, #tpu.memory_space<vmem>>, vector<1x16xi32>,
      %get3A_276 = vector.shape_cast %get3A_275 : vector<1x16xi32> to vector<16xi32>
      %and3A_277 = arith.constant 16383 : i32
      %and3A_278 = vector.broadcast %and3A_277 : i32 to vector<16xi32>
      %and3A_279 = arith.andi %get3A_276, %and3A_278 : vector<16xi32>
      %swap3A_280 = arith.constant 80 : index
      %swap3A_281 = tpu.vector_load %arg9[%swap3A_280] {strides = array<i32>} : memref<128xi32, #tpu.memory_space<vmem>>, vector<16xi32>,
      %swap3A_282 = vector.shape_cast %swap3A_281 : vector<16xi32> to vector<16xi32>
      %swap3A_283 = vector.shape_cast %and3A_279 : vector<16xi32> to vector<16xi32>
      tpu.vector_store %arg9[%swap3A_280], %swap3A_283 {strides = array<i32>} : memref<128xi32, #tpu.memory_space<vmem>>, vector<16xi32>,
      %get3A_284 = arith.index_cast %mul3A_216 : i32 to index
      %get3A_285 = arith.constant 96 : index
      %get3A_286 = tpu.vector_load %arg6[%get3A_284, %get3A_285] {strides = array<i32>} : memref<80x128xi32, #tpu.memory_space<vmem>>, vector<1x16xi32>,
      %get3A_287 = vector.shape_cast %get3A_286 : vector<1x16xi32> to vector<16xi32>
      %and3A_288 = arith.constant 16383 : i32
      %and3A_289 = vector.broadcast %and3A_288 : i32 to vector<16xi32>
      %and3A_290 = arith.andi %get3A_287, %and3A_289 : vector<16xi32>
      %swap3A_291 = arith.constant 96 : index
      %swap3A_292 = tpu.vector_load %arg9[%swap3A_291] {strides = array<i32>} : memref<128xi32, #tpu.memory_space<vmem>>, vector<16xi32>,
      %swap3A_293 = vector.shape_cast %swap3A_292 : vector<16xi32> to vector<16xi32>
      %swap3A_294 = vector.shape_cast %and3A_290 : vector<16xi32> to vector<16xi32>
      tpu.vector_store %arg9[%swap3A_291], %swap3A_294 {strides = array<i32>} : memref<128xi32, #tpu.memory_space<vmem>>, vector<16xi32>,
      %get3A_295 = arith.index_cast %mul3A_216 : i32 to index
      %get3A_296 = arith.constant 112 : index
      %get3A_297 = tpu.vector_load %arg6[%get3A_295, %get3A_296] {strides = array<i32>} : memref<80x128xi32, #tpu.memory_space<vmem>>, vector<1x16xi32>,
      %get3A_298 = vector.shape_cast %get3A_297 : vector<1x16xi32> to vector<16xi32>
      %and3A_299 = arith.constant 16383 : i32
      %and3A_300 = vector.broadcast %and3A_299 : i32 to vector<16xi32>
      %and3A_301 = arith.andi %get3A_298, %and3A_300 : vector<16xi32>
      %swap3A_302 = arith.constant 112 : index
      %swap3A_303 = tpu.vector_load %arg9[%swap3A_302] {strides = array<i32>} : memref<128xi32, #tpu.memory_space<vmem>>, vector<16xi32>,
      %swap3A_304 = vector.shape_cast %swap3A_303 : vector<16xi32> to vector<16xi32>
      %swap3A_305 = vector.shape_cast %and3A_301 : vector<16xi32> to vector<16xi32>
      tpu.vector_store %arg9[%swap3A_302], %swap3A_305 {strides = array<i32>} : memref<128xi32, #tpu.memory_space<vmem>>, vector<16xi32>,
      "tpu.region"() ({
        %run_scoped3A = tpu.sem_alloc : memref<!tpu.dma_semaphore, #tpu.memory_space<semaphore_mem>>
        %dma_start3A_410 = arith.constant 0 : i32
        %dma_start3A_411 = arith.constant 0 : i32
        %dma_start3A_412 = tpu.memref_slice %arg12[%dma_start3A_410, %dma_start3A_411] : memref<10112x128xf32, #tpu.memory_space<vmem_shared>> -> memref<10112x128xf32, #tpu.memory_space<vmem_shared>>
        tpu.enqueue_indirect_dma source(%arg10 : memref<128x128xf32, #tpu.memory_space<vmem>>) target(%dma_start3A_412 : memref<10112x128xf32, #tpu.memory_space<vmem_shared>>) offsets(%arg9 : memref<128xi32, #tpu.memory_space<vmem>>) semaphore(%run_scoped3A : memref<!tpu.dma_semaphore, #tpu.memory_space<semaphore_mem>>) {add = true}
        %dma_wait3A_413 = arith.constant 0 : i32
        %dma_wait3A_414 = arith.constant 0 : i32
        %dma_wait3A_415 = tpu.memref_slice %arg12[%dma_wait3A_413, %dma_wait3A_414] : memref<10112x128xf32, #tpu.memory_space<vmem_shared>> -> memref<10112x128xf32, #tpu.memory_space<vmem_shared>>
        tpu.wait_indirect_dma semaphore(%run_scoped3A : memref<!tpu.dma_semaphore, #tpu.memory_space<semaphore_mem>>) src(%arg10 : memref<128x128xf32, #tpu.memory_space<vmem>>) dst(%dma_wait3A_415 : memref<10112x128xf32, #tpu.memory_space<vmem_shared>>)
        tpu.yield
      }) : () -> ()
      %add3A_306 = arith.constant 2 : i32
      %add3A_307 = arith.addi %mul3A_216, %add3A_306 : i32
      %lt3A = arith.constant 80 : i32
      %lt3A_308 = arith.cmpi slt, %add3A_307, %lt3A : i32
      %convert_element_type3A = arith.extui %lt3A_308 : i1 to i32
      %cond3A = arith.constant 0 : i32
      %cond3A_309 = arith.cmpi ne, %convert_element_type3A, %cond3A : i32
      scf.if %cond3A_309 {
        %add3A_410 = arith.constant 2 : i32
        %add3A_411 = arith.addi %mul3A_216, %add3A_410 : i32
        %get3A_412 = arith.index_cast %add3A_411 : i32 to index
        %get3A_413 = arith.constant 0 : index
        %get3A_414 = tpu.vector_load %arg6[%get3A_412, %get3A_413] {strides = array<i32>} : memref<80x128xi32, #tpu.memory_space<vmem>>, vector<1x16xi32>,
        %get3A_415 = vector.shape_cast %get3A_414 : vector<1x16xi32> to vector<16xi32>
        %shift_right_logical3A_416 = arith.constant 14 : i32
        %shift_right_logical3A_417 = vector.broadcast %shift_right_logical3A_416 : i32 to vector<16xi32>
        %shift_right_logical3A_418 = arith.shrui %get3A_415, %shift_right_logical3A_417 : vector<16xi32>
        %swap3A_419 = arith.constant 0 : index
        %swap3A_420 = tpu.vector_load %arg7[%swap3A_419] {strides = array<i32>} : memref<128xi32, #tpu.memory_space<vmem>>, vector<16xi32>,
        %swap3A_421 = vector.shape_cast %swap3A_420 : vector<16xi32> to vector<16xi32>
        %swap3A_422 = vector.shape_cast %shift_right_logical3A_418 : vector<16xi32> to vector<16xi32>
        tpu.vector_store %arg7[%swap3A_419], %swap3A_422 {strides = array<i32>} : memref<128xi32, #tpu.memory_space<vmem>>, vector<16xi32>,
        %get3A_423 = arith.index_cast %add3A_411 : i32 to index
        %get3A_424 = arith.constant 16 : index
        %get3A_425 = tpu.vector_load %arg6[%get3A_423, %get3A_424] {strides = array<i32>} : memref<80x128xi32, #tpu.memory_space<vmem>>, vector<1x16xi32>,
        %get3A_426 = vector.shape_cast %get3A_425 : vector<1x16xi32> to vector<16xi32>
        %shift_right_logical3A_427 = arith.constant 14 : i32
        %shift_right_logical3A_428 = vector.broadcast %shift_right_logical3A_427 : i32 to vector<16xi32>
        %shift_right_logical3A_429 = arith.shrui %get3A_426, %shift_right_logical3A_428 : vector<16xi32>
        %swap3A_430 = arith.constant 16 : index
        %swap3A_431 = tpu.vector_load %arg7[%swap3A_430] {strides = array<i32>} : memref<128xi32, #tpu.memory_space<vmem>>, vector<16xi32>,
        %swap3A_432 = vector.shape_cast %swap3A_431 : vector<16xi32> to vector<16xi32>
        %swap3A_433 = vector.shape_cast %shift_right_logical3A_429 : vector<16xi32> to vector<16xi32>
        tpu.vector_store %arg7[%swap3A_430], %swap3A_433 {strides = array<i32>} : memref<128xi32, #tpu.memory_space<vmem>>, vector<16xi32>,
        %get3A_434 = arith.index_cast %add3A_411 : i32 to index
        %get3A_435 = arith.constant 32 : index
        %get3A_436 = tpu.vector_load %arg6[%get3A_434, %get3A_435] {strides = array<i32>} : memref<80x128xi32, #tpu.memory_space<vmem>>, vector<1x16xi32>,
        %get3A_437 = vector.shape_cast %get3A_436 : vector<1x16xi32> to vector<16xi32>
        %shift_right_logical3A_438 = arith.constant 14 : i32
        %shift_right_logical3A_439 = vector.broadcast %shift_right_logical3A_438 : i32 to vector<16xi32>
        %shift_right_logical3A_440 = arith.shrui %get3A_437, %shift_right_logical3A_439 : vector<16xi32>
        %swap3A_441 = arith.constant 32 : index
        %swap3A_442 = tpu.vector_load %arg7[%swap3A_441] {strides = array<i32>} : memref<128xi32, #tpu.memory_space<vmem>>, vector<16xi32>,
        %swap3A_443 = vector.shape_cast %swap3A_442 : vector<16xi32> to vector<16xi32>
        %swap3A_444 = vector.shape_cast %shift_right_logical3A_440 : vector<16xi32> to vector<16xi32>
        tpu.vector_store %arg7[%swap3A_441], %swap3A_444 {strides = array<i32>} : memref<128xi32, #tpu.memory_space<vmem>>, vector<16xi32>,
        %get3A_445 = arith.index_cast %add3A_411 : i32 to index
        %get3A_446 = arith.constant 48 : index
        %get3A_447 = tpu.vector_load %arg6[%get3A_445, %get3A_446] {strides = array<i32>} : memref<80x128xi32, #tpu.memory_space<vmem>>, vector<1x16xi32>,
        %get3A_448 = vector.shape_cast %get3A_447 : vector<1x16xi32> to vector<16xi32>
        %shift_right_logical3A_449 = arith.constant 14 : i32
        %shift_right_logical3A_450 = vector.broadcast %shift_right_logical3A_449 : i32 to vector<16xi32>
        %shift_right_logical3A_451 = arith.shrui %get3A_448, %shift_right_logical3A_450 : vector<16xi32>
        %swap3A_452 = arith.constant 48 : index
        %swap3A_453 = tpu.vector_load %arg7[%swap3A_452] {strides = array<i32>} : memref<128xi32, #tpu.memory_space<vmem>>, vector<16xi32>,
        %swap3A_454 = vector.shape_cast %swap3A_453 : vector<16xi32> to vector<16xi32>
        %swap3A_455 = vector.shape_cast %shift_right_logical3A_451 : vector<16xi32> to vector<16xi32>
        tpu.vector_store %arg7[%swap3A_452], %swap3A_455 {strides = array<i32>} : memref<128xi32, #tpu.memory_space<vmem>>, vector<16xi32>,
        %get3A_456 = arith.index_cast %add3A_411 : i32 to index
        %get3A_457 = arith.constant 64 : index
        %get3A_458 = tpu.vector_load %arg6[%get3A_456, %get3A_457] {strides = array<i32>} : memref<80x128xi32, #tpu.memory_space<vmem>>, vector<1x16xi32>,
        %get3A_459 = vector.shape_cast %get3A_458 : vector<1x16xi32> to vector<16xi32>
        %shift_right_logical3A_460 = arith.constant 14 : i32
        %shift_right_logical3A_461 = vector.broadcast %shift_right_logical3A_460 : i32 to vector<16xi32>
        %shift_right_logical3A_462 = arith.shrui %get3A_459, %shift_right_logical3A_461 : vector<16xi32>
        %swap3A_463 = arith.constant 64 : index
        %swap3A_464 = tpu.vector_load %arg7[%swap3A_463] {strides = array<i32>} : memref<128xi32, #tpu.memory_space<vmem>>, vector<16xi32>,
        %swap3A_465 = vector.shape_cast %swap3A_464 : vector<16xi32> to vector<16xi32>
        %swap3A_466 = vector.shape_cast %shift_right_logical3A_462 : vector<16xi32> to vector<16xi32>
        tpu.vector_store %arg7[%swap3A_463], %swap3A_466 {strides = array<i32>} : memref<128xi32, #tpu.memory_space<vmem>>, vector<16xi32>,
        %get3A_467 = arith.index_cast %add3A_411 : i32 to index
        %get3A_468 = arith.constant 80 : index
        %get3A_469 = tpu.vector_load %arg6[%get3A_467, %get3A_468] {strides = array<i32>} : memref<80x128xi32, #tpu.memory_space<vmem>>, vector<1x16xi32>,
        %get3A_470 = vector.shape_cast %get3A_469 : vector<1x16xi32> to vector<16xi32>
        %shift_right_logical3A_471 = arith.constant 14 : i32
        %shift_right_logical3A_472 = vector.broadcast %shift_right_logical3A_471 : i32 to vector<16xi32>
        %shift_right_logical3A_473 = arith.shrui %get3A_470, %shift_right_logical3A_472 : vector<16xi32>
        %swap3A_474 = arith.constant 80 : index
        %swap3A_475 = tpu.vector_load %arg7[%swap3A_474] {strides = array<i32>} : memref<128xi32, #tpu.memory_space<vmem>>, vector<16xi32>,
        %swap3A_476 = vector.shape_cast %swap3A_475 : vector<16xi32> to vector<16xi32>
        %swap3A_477 = vector.shape_cast %shift_right_logical3A_473 : vector<16xi32> to vector<16xi32>
        tpu.vector_store %arg7[%swap3A_474], %swap3A_477 {strides = array<i32>} : memref<128xi32, #tpu.memory_space<vmem>>, vector<16xi32>,
        %get3A_478 = arith.index_cast %add3A_411 : i32 to index
        %get3A_479 = arith.constant 96 : index
        %get3A_480 = tpu.vector_load %arg6[%get3A_478, %get3A_479] {strides = array<i32>} : memref<80x128xi32, #tpu.memory_space<vmem>>, vector<1x16xi32>,
        %get3A_481 = vector.shape_cast %get3A_480 : vector<1x16xi32> to vector<16xi32>
        %shift_right_logical3A_482 = arith.constant 14 : i32
        %shift_right_logical3A_483 = vector.broadcast %shift_right_logical3A_482 : i32 to vector<16xi32>
        %shift_right_logical3A_484 = arith.shrui %get3A_481, %shift_right_logical3A_483 : vector<16xi32>
        %swap3A_485 = arith.constant 96 : index
        %swap3A_486 = tpu.vector_load %arg7[%swap3A_485] {strides = array<i32>} : memref<128xi32, #tpu.memory_space<vmem>>, vector<16xi32>,
        %swap3A_487 = vector.shape_cast %swap3A_486 : vector<16xi32> to vector<16xi32>
        %swap3A_488 = vector.shape_cast %shift_right_logical3A_484 : vector<16xi32> to vector<16xi32>
        tpu.vector_store %arg7[%swap3A_485], %swap3A_488 {strides = array<i32>} : memref<128xi32, #tpu.memory_space<vmem>>, vector<16xi32>,
        %get3A_489 = arith.index_cast %add3A_411 : i32 to index
        %get3A_490 = arith.constant 112 : index
        %get3A_491 = tpu.vector_load %arg6[%get3A_489, %get3A_490] {strides = array<i32>} : memref<80x128xi32, #tpu.memory_space<vmem>>, vector<1x16xi32>,
        %get3A_492 = vector.shape_cast %get3A_491 : vector<1x16xi32> to vector<16xi32>
        %shift_right_logical3A_493 = arith.constant 14 : i32
        %shift_right_logical3A_494 = vector.broadcast %shift_right_logical3A_493 : i32 to vector<16xi32>
        %shift_right_logical3A_495 = arith.shrui %get3A_492, %shift_right_logical3A_494 : vector<16xi32>
        %swap3A_496 = arith.constant 112 : index
        %swap3A_497 = tpu.vector_load %arg7[%swap3A_496] {strides = array<i32>} : memref<128xi32, #tpu.memory_space<vmem>>, vector<16xi32>,
        %swap3A_498 = vector.shape_cast %swap3A_497 : vector<16xi32> to vector<16xi32>
        %swap3A_499 = vector.shape_cast %shift_right_logical3A_495 : vector<16xi32> to vector<16xi32>
        tpu.vector_store %arg7[%swap3A_496], %swap3A_499 {strides = array<i32>} : memref<128xi32, #tpu.memory_space<vmem>>, vector<16xi32>,
        %dma_start3A_500 = arith.constant 0 : i32
        %dma_start3A_501 = arith.constant 0 : i32
        %dma_start3A_502 = tpu.memref_slice %arg2[%dma_start3A_500, %dma_start3A_501] : memref<10000x128xf32, #tpu.memory_space<hbm>> -> memref<10000x128xf32, #tpu.memory_space<hbm>>
        tpu.enqueue_indirect_dma source(%dma_start3A_502 : memref<10000x128xf32, #tpu.memory_space<hbm>>) target(%arg10 : memref<128x128xf32, #tpu.memory_space<vmem>>) offsets(%arg7 : memref<128xi32, #tpu.memory_space<vmem>>) semaphore(%arg13 : memref<!tpu.dma_semaphore, #tpu.memory_space<semaphore_mem>>)
      } else {
      }
      %dma_wait3A_310 = arith.constant 0 : i32
      %dma_wait3A_311 = arith.constant 0 : i32
      %dma_wait3A_312 = tpu.memref_slice %arg2[%dma_wait3A_310, %dma_wait3A_311] : memref<10000x128xf32, #tpu.memory_space<hbm>> -> memref<10000x128xf32, #tpu.memory_space<hbm>>
      tpu.wait_indirect_dma semaphore(%arg14 : memref<!tpu.dma_semaphore, #tpu.memory_space<semaphore_mem>>) src(%dma_wait3A_312 : memref<10000x128xf32, #tpu.memory_space<hbm>>) dst(%arg11 : memref<128x128xf32, #tpu.memory_space<vmem>>)
      %add3A_313 = arith.constant 1 : i32
      %add3A_314 = arith.addi %mul3A_216, %add3A_313 : i32
      %get3A_315 = arith.index_cast %add3A_314 : i32 to index
      %get3A_316 = arith.constant 0 : index
      %get3A_317 = tpu.vector_load %arg6[%get3A_315, %get3A_316] {strides = array<i32>} : memref<80x128xi32, #tpu.memory_space<vmem>>, vector<1x16xi32>,
      %get3A_318 = vector.shape_cast %get3A_317 : vector<1x16xi32> to vector<16xi32>
      %and3A_319 = arith.constant 16383 : i32
      %and3A_320 = vector.broadcast %and3A_319 : i32 to vector<16xi32>
      %and3A_321 = arith.andi %get3A_318, %and3A_320 : vector<16xi32>
      %swap3A_322 = arith.constant 0 : index
      %swap3A_323 = tpu.vector_load %arg9[%swap3A_322] {strides = array<i32>} : memref<128xi32, #tpu.memory_space<vmem>>, vector<16xi32>,
      %swap3A_324 = vector.shape_cast %swap3A_323 : vector<16xi32> to vector<16xi32>
      %swap3A_325 = vector.shape_cast %and3A_321 : vector<16xi32> to vector<16xi32>
      tpu.vector_store %arg9[%swap3A_322], %swap3A_325 {strides = array<i32>} : memref<128xi32, #tpu.memory_space<vmem>>, vector<16xi32>,
      %get3A_326 = arith.index_cast %add3A_314 : i32 to index
      %get3A_327 = arith.constant 16 : index
      %get3A_328 = tpu.vector_load %arg6[%get3A_326, %get3A_327] {strides = array<i32>} : memref<80x128xi32, #tpu.memory_space<vmem>>, vector<1x16xi32>,
      %get3A_329 = vector.shape_cast %get3A_328 : vector<1x16xi32> to vector<16xi32>
      %and3A_330 = arith.constant 16383 : i32
      %and3A_331 = vector.broadcast %and3A_330 : i32 to vector<16xi32>
      %and3A_332 = arith.andi %get3A_329, %and3A_331 : vector<16xi32>
      %swap3A_333 = arith.constant 16 : index
      %swap3A_334 = tpu.vector_load %arg9[%swap3A_333] {strides = array<i32>} : memref<128xi32, #tpu.memory_space<vmem>>, vector<16xi32>,
      %swap3A_335 = vector.shape_cast %swap3A_334 : vector<16xi32> to vector<16xi32>
      %swap3A_336 = vector.shape_cast %and3A_332 : vector<16xi32> to vector<16xi32>
      tpu.vector_store %arg9[%swap3A_333], %swap3A_336 {strides = array<i32>} : memref<128xi32, #tpu.memory_space<vmem>>, vector<16xi32>,
      %get3A_337 = arith.index_cast %add3A_314 : i32 to index
      %get3A_338 = arith.constant 32 : index
      %get3A_339 = tpu.vector_load %arg6[%get3A_337, %get3A_338] {strides = array<i32>} : memref<80x128xi32, #tpu.memory_space<vmem>>, vector<1x16xi32>,
      %get3A_340 = vector.shape_cast %get3A_339 : vector<1x16xi32> to vector<16xi32>
      %and3A_341 = arith.constant 16383 : i32
      %and3A_342 = vector.broadcast %and3A_341 : i32 to vector<16xi32>
      %and3A_343 = arith.andi %get3A_340, %and3A_342 : vector<16xi32>
      %swap3A_344 = arith.constant 32 : index
      %swap3A_345 = tpu.vector_load %arg9[%swap3A_344] {strides = array<i32>} : memref<128xi32, #tpu.memory_space<vmem>>, vector<16xi32>,
      %swap3A_346 = vector.shape_cast %swap3A_345 : vector<16xi32> to vector<16xi32>
      %swap3A_347 = vector.shape_cast %and3A_343 : vector<16xi32> to vector<16xi32>
      tpu.vector_store %arg9[%swap3A_344], %swap3A_347 {strides = array<i32>} : memref<128xi32, #tpu.memory_space<vmem>>, vector<16xi32>,
      %get3A_348 = arith.index_cast %add3A_314 : i32 to index
      %get3A_349 = arith.constant 48 : index
      %get3A_350 = tpu.vector_load %arg6[%get3A_348, %get3A_349] {strides = array<i32>} : memref<80x128xi32, #tpu.memory_space<vmem>>, vector<1x16xi32>,
      %get3A_351 = vector.shape_cast %get3A_350 : vector<1x16xi32> to vector<16xi32>
      %and3A_352 = arith.constant 16383 : i32
      %and3A_353 = vector.broadcast %and3A_352 : i32 to vector<16xi32>
      %and3A_354 = arith.andi %get3A_351, %and3A_353 : vector<16xi32>
      %swap3A_355 = arith.constant 48 : index
      %swap3A_356 = tpu.vector_load %arg9[%swap3A_355] {strides = array<i32>} : memref<128xi32, #tpu.memory_space<vmem>>, vector<16xi32>,
      %swap3A_357 = vector.shape_cast %swap3A_356 : vector<16xi32> to vector<16xi32>
      %swap3A_358 = vector.shape_cast %and3A_354 : vector<16xi32> to vector<16xi32>
      tpu.vector_store %arg9[%swap3A_355], %swap3A_358 {strides = array<i32>} : memref<128xi32, #tpu.memory_space<vmem>>, vector<16xi32>,
      %get3A_359 = arith.index_cast %add3A_314 : i32 to index
      %get3A_360 = arith.constant 64 : index
      %get3A_361 = tpu.vector_load %arg6[%get3A_359, %get3A_360] {strides = array<i32>} : memref<80x128xi32, #tpu.memory_space<vmem>>, vector<1x16xi32>,
      %get3A_362 = vector.shape_cast %get3A_361 : vector<1x16xi32> to vector<16xi32>
      %and3A_363 = arith.constant 16383 : i32
      %and3A_364 = vector.broadcast %and3A_363 : i32 to vector<16xi32>
      %and3A_365 = arith.andi %get3A_362, %and3A_364 : vector<16xi32>
      %swap3A_366 = arith.constant 64 : index
      %swap3A_367 = tpu.vector_load %arg9[%swap3A_366] {strides = array<i32>} : memref<128xi32, #tpu.memory_space<vmem>>, vector<16xi32>,
      %swap3A_368 = vector.shape_cast %swap3A_367 : vector<16xi32> to vector<16xi32>
      %swap3A_369 = vector.shape_cast %and3A_365 : vector<16xi32> to vector<16xi32>
      tpu.vector_store %arg9[%swap3A_366], %swap3A_369 {strides = array<i32>} : memref<128xi32, #tpu.memory_space<vmem>>, vector<16xi32>,
      %get3A_370 = arith.index_cast %add3A_314 : i32 to index
      %get3A_371 = arith.constant 80 : index
      %get3A_372 = tpu.vector_load %arg6[%get3A_370, %get3A_371] {strides = array<i32>} : memref<80x128xi32, #tpu.memory_space<vmem>>, vector<1x16xi32>,
      %get3A_373 = vector.shape_cast %get3A_372 : vector<1x16xi32> to vector<16xi32>
      %and3A_374 = arith.constant 16383 : i32
      %and3A_375 = vector.broadcast %and3A_374 : i32 to vector<16xi32>
      %and3A_376 = arith.andi %get3A_373, %and3A_375 : vector<16xi32>
      %swap3A_377 = arith.constant 80 : index
      %swap3A_378 = tpu.vector_load %arg9[%swap3A_377] {strides = array<i32>} : memref<128xi32, #tpu.memory_space<vmem>>, vector<16xi32>,
      %swap3A_379 = vector.shape_cast %swap3A_378 : vector<16xi32> to vector<16xi32>
      %swap3A_380 = vector.shape_cast %and3A_376 : vector<16xi32> to vector<16xi32>
      tpu.vector_store %arg9[%swap3A_377], %swap3A_380 {strides = array<i32>} : memref<128xi32, #tpu.memory_space<vmem>>, vector<16xi32>,
      %get3A_381 = arith.index_cast %add3A_314 : i32 to index
      %get3A_382 = arith.constant 96 : index
      %get3A_383 = tpu.vector_load %arg6[%get3A_381, %get3A_382] {strides = array<i32>} : memref<80x128xi32, #tpu.memory_space<vmem>>, vector<1x16xi32>,
      %get3A_384 = vector.shape_cast %get3A_383 : vector<1x16xi32> to vector<16xi32>
      %and3A_385 = arith.constant 16383 : i32
      %and3A_386 = vector.broadcast %and3A_385 : i32 to vector<16xi32>
      %and3A_387 = arith.andi %get3A_384, %and3A_386 : vector<16xi32>
      %swap3A_388 = arith.constant 96 : index
      %swap3A_389 = tpu.vector_load %arg9[%swap3A_388] {strides = array<i32>} : memref<128xi32, #tpu.memory_space<vmem>>, vector<16xi32>,
      %swap3A_390 = vector.shape_cast %swap3A_389 : vector<16xi32> to vector<16xi32>
      %swap3A_391 = vector.shape_cast %and3A_387 : vector<16xi32> to vector<16xi32>
      tpu.vector_store %arg9[%swap3A_388], %swap3A_391 {strides = array<i32>} : memref<128xi32, #tpu.memory_space<vmem>>, vector<16xi32>,
      %get3A_392 = arith.index_cast %add3A_314 : i32 to index
      %get3A_393 = arith.constant 112 : index
      %get3A_394 = tpu.vector_load %arg6[%get3A_392, %get3A_393] {strides = array<i32>} : memref<80x128xi32, #tpu.memory_space<vmem>>, vector<1x16xi32>,
      %get3A_395 = vector.shape_cast %get3A_394 : vector<1x16xi32> to vector<16xi32>
      %and3A_396 = arith.constant 16383 : i32
      %and3A_397 = vector.broadcast %and3A_396 : i32 to vector<16xi32>
      %and3A_398 = arith.andi %get3A_395, %and3A_397 : vector<16xi32>
      %swap3A_399 = arith.constant 112 : index
      %swap3A_400 = tpu.vector_load %arg9[%swap3A_399] {strides = array<i32>} : memref<128xi32, #tpu.memory_space<vmem>>, vector<16xi32>,
      %swap3A_401 = vector.shape_cast %swap3A_400 : vector<16xi32> to vector<16xi32>
      %swap3A_402 = vector.shape_cast %and3A_398 : vector<16xi32> to vector<16xi32>
      tpu.vector_store %arg9[%swap3A_399], %swap3A_402 {strides = array<i32>} : memref<128xi32, #tpu.memory_space<vmem>>, vector<16xi32>,
      "tpu.region"() ({
        %run_scoped3A = tpu.sem_alloc : memref<!tpu.dma_semaphore, #tpu.memory_space<semaphore_mem>>
        %dma_start3A_410 = arith.constant 0 : i32
        %dma_start3A_411 = arith.constant 0 : i32
        %dma_start3A_412 = tpu.memref_slice %arg12[%dma_start3A_410, %dma_start3A_411] : memref<10112x128xf32, #tpu.memory_space<vmem_shared>> -> memref<10112x128xf32, #tpu.memory_space<vmem_shared>>
        tpu.enqueue_indirect_dma source(%arg11 : memref<128x128xf32, #tpu.memory_space<vmem>>) target(%dma_start3A_412 : memref<10112x128xf32, #tpu.memory_space<vmem_shared>>) offsets(%arg9 : memref<128xi32, #tpu.memory_space<vmem>>) semaphore(%run_scoped3A : memref<!tpu.dma_semaphore, #tpu.memory_space<semaphore_mem>>) {add = true}
        %dma_wait3A_413 = arith.constant 0 : i32
        %dma_wait3A_414 = arith.constant 0 : i32
        %dma_wait3A_415 = tpu.memref_slice %arg12[%dma_wait3A_413, %dma_wait3A_414] : memref<10112x128xf32, #tpu.memory_space<vmem_shared>> -> memref<10112x128xf32, #tpu.memory_space<vmem_shared>>
        tpu.wait_indirect_dma semaphore(%run_scoped3A : memref<!tpu.dma_semaphore, #tpu.memory_space<semaphore_mem>>) src(%arg11 : memref<128x128xf32, #tpu.memory_space<vmem>>) dst(%dma_wait3A_415 : memref<10112x128xf32, #tpu.memory_space<vmem_shared>>)
        tpu.yield
      }) : () -> ()
      %add3A_403 = arith.constant 3 : i32
      %add3A_404 = arith.addi %mul3A_216, %add3A_403 : i32
      %lt3A_405 = arith.constant 80 : i32
      %lt3A_406 = arith.cmpi slt, %add3A_404, %lt3A_405 : i32
      %convert_element_type3A_407 = arith.extui %lt3A_406 : i1 to i32
      %cond3A_408 = arith.constant 0 : i32
      %cond3A_409 = arith.cmpi ne, %convert_element_type3A_407, %cond3A_408 : i32
      scf.if %cond3A_409 {
        %add3A_410 = arith.constant 3 : i32
        %add3A_411 = arith.addi %mul3A_216, %add3A_410 : i32
        %get3A_412 = arith.index_cast %add3A_411 : i32 to index
        %get3A_413 = arith.constant 0 : index
        %get3A_414 = tpu.vector_load %arg6[%get3A_412, %get3A_413] {strides = array<i32>} : memref<80x128xi32, #tpu.memory_space<vmem>>, vector<1x16xi32>,
        %get3A_415 = vector.shape_cast %get3A_414 : vector<1x16xi32> to vector<16xi32>
        %shift_right_logical3A_416 = arith.constant 14 : i32
        %shift_right_logical3A_417 = vector.broadcast %shift_right_logical3A_416 : i32 to vector<16xi32>
        %shift_right_logical3A_418 = arith.shrui %get3A_415, %shift_right_logical3A_417 : vector<16xi32>
        %swap3A_419 = arith.constant 0 : index
        %swap3A_420 = tpu.vector_load %arg8[%swap3A_419] {strides = array<i32>} : memref<128xi32, #tpu.memory_space<vmem>>, vector<16xi32>,
        %swap3A_421 = vector.shape_cast %swap3A_420 : vector<16xi32> to vector<16xi32>
        %swap3A_422 = vector.shape_cast %shift_right_logical3A_418 : vector<16xi32> to vector<16xi32>
        tpu.vector_store %arg8[%swap3A_419], %swap3A_422 {strides = array<i32>} : memref<128xi32, #tpu.memory_space<vmem>>, vector<16xi32>,
        %get3A_423 = arith.index_cast %add3A_411 : i32 to index
        %get3A_424 = arith.constant 16 : index
        %get3A_425 = tpu.vector_load %arg6[%get3A_423, %get3A_424] {strides = array<i32>} : memref<80x128xi32, #tpu.memory_space<vmem>>, vector<1x16xi32>,
        %get3A_426 = vector.shape_cast %get3A_425 : vector<1x16xi32> to vector<16xi32>
        %shift_right_logical3A_427 = arith.constant 14 : i32
        %shift_right_logical3A_428 = vector.broadcast %shift_right_logical3A_427 : i32 to vector<16xi32>
        %shift_right_logical3A_429 = arith.shrui %get3A_426, %shift_right_logical3A_428 : vector<16xi32>
        %swap3A_430 = arith.constant 16 : index
        %swap3A_431 = tpu.vector_load %arg8[%swap3A_430] {strides = array<i32>} : memref<128xi32, #tpu.memory_space<vmem>>, vector<16xi32>,
        %swap3A_432 = vector.shape_cast %swap3A_431 : vector<16xi32> to vector<16xi32>
        %swap3A_433 = vector.shape_cast %shift_right_logical3A_429 : vector<16xi32> to vector<16xi32>
        tpu.vector_store %arg8[%swap3A_430], %swap3A_433 {strides = array<i32>} : memref<128xi32, #tpu.memory_space<vmem>>, vector<16xi32>,
        %get3A_434 = arith.index_cast %add3A_411 : i32 to index
        %get3A_435 = arith.constant 32 : index
        %get3A_436 = tpu.vector_load %arg6[%get3A_434, %get3A_435] {strides = array<i32>} : memref<80x128xi32, #tpu.memory_space<vmem>>, vector<1x16xi32>,
        %get3A_437 = vector.shape_cast %get3A_436 : vector<1x16xi32> to vector<16xi32>
        %shift_right_logical3A_438 = arith.constant 14 : i32
        %shift_right_logical3A_439 = vector.broadcast %shift_right_logical3A_438 : i32 to vector<16xi32>
        %shift_right_logical3A_440 = arith.shrui %get3A_437, %shift_right_logical3A_439 : vector<16xi32>
        %swap3A_441 = arith.constant 32 : index
        %swap3A_442 = tpu.vector_load %arg8[%swap3A_441] {strides = array<i32>} : memref<128xi32, #tpu.memory_space<vmem>>, vector<16xi32>,
        %swap3A_443 = vector.shape_cast %swap3A_442 : vector<16xi32> to vector<16xi32>
        %swap3A_444 = vector.shape_cast %shift_right_logical3A_440 : vector<16xi32> to vector<16xi32>
        tpu.vector_store %arg8[%swap3A_441], %swap3A_444 {strides = array<i32>} : memref<128xi32, #tpu.memory_space<vmem>>, vector<16xi32>,
        %get3A_445 = arith.index_cast %add3A_411 : i32 to index
        %get3A_446 = arith.constant 48 : index
        %get3A_447 = tpu.vector_load %arg6[%get3A_445, %get3A_446] {strides = array<i32>} : memref<80x128xi32, #tpu.memory_space<vmem>>, vector<1x16xi32>,
        %get3A_448 = vector.shape_cast %get3A_447 : vector<1x16xi32> to vector<16xi32>
        %shift_right_logical3A_449 = arith.constant 14 : i32
        %shift_right_logical3A_450 = vector.broadcast %shift_right_logical3A_449 : i32 to vector<16xi32>
        %shift_right_logical3A_451 = arith.shrui %get3A_448, %shift_right_logical3A_450 : vector<16xi32>
        %swap3A_452 = arith.constant 48 : index
        %swap3A_453 = tpu.vector_load %arg8[%swap3A_452] {strides = array<i32>} : memref<128xi32, #tpu.memory_space<vmem>>, vector<16xi32>,
        %swap3A_454 = vector.shape_cast %swap3A_453 : vector<16xi32> to vector<16xi32>
        %swap3A_455 = vector.shape_cast %shift_right_logical3A_451 : vector<16xi32> to vector<16xi32>
        tpu.vector_store %arg8[%swap3A_452], %swap3A_455 {strides = array<i32>} : memref<128xi32, #tpu.memory_space<vmem>>, vector<16xi32>,
        %get3A_456 = arith.index_cast %add3A_411 : i32 to index
        %get3A_457 = arith.constant 64 : index
        %get3A_458 = tpu.vector_load %arg6[%get3A_456, %get3A_457] {strides = array<i32>} : memref<80x128xi32, #tpu.memory_space<vmem>>, vector<1x16xi32>,
        %get3A_459 = vector.shape_cast %get3A_458 : vector<1x16xi32> to vector<16xi32>
        %shift_right_logical3A_460 = arith.constant 14 : i32
        %shift_right_logical3A_461 = vector.broadcast %shift_right_logical3A_460 : i32 to vector<16xi32>
        %shift_right_logical3A_462 = arith.shrui %get3A_459, %shift_right_logical3A_461 : vector<16xi32>
        %swap3A_463 = arith.constant 64 : index
        %swap3A_464 = tpu.vector_load %arg8[%swap3A_463] {strides = array<i32>} : memref<128xi32, #tpu.memory_space<vmem>>, vector<16xi32>,
        %swap3A_465 = vector.shape_cast %swap3A_464 : vector<16xi32> to vector<16xi32>
        %swap3A_466 = vector.shape_cast %shift_right_logical3A_462 : vector<16xi32> to vector<16xi32>
        tpu.vector_store %arg8[%swap3A_463], %swap3A_466 {strides = array<i32>} : memref<128xi32, #tpu.memory_space<vmem>>, vector<16xi32>,
        %get3A_467 = arith.index_cast %add3A_411 : i32 to index
        %get3A_468 = arith.constant 80 : index
        %get3A_469 = tpu.vector_load %arg6[%get3A_467, %get3A_468] {strides = array<i32>} : memref<80x128xi32, #tpu.memory_space<vmem>>, vector<1x16xi32>,
        %get3A_470 = vector.shape_cast %get3A_469 : vector<1x16xi32> to vector<16xi32>
        %shift_right_logical3A_471 = arith.constant 14 : i32
        %shift_right_logical3A_472 = vector.broadcast %shift_right_logical3A_471 : i32 to vector<16xi32>
        %shift_right_logical3A_473 = arith.shrui %get3A_470, %shift_right_logical3A_472 : vector<16xi32>
        %swap3A_474 = arith.constant 80 : index
        %swap3A_475 = tpu.vector_load %arg8[%swap3A_474] {strides = array<i32>} : memref<128xi32, #tpu.memory_space<vmem>>, vector<16xi32>,
        %swap3A_476 = vector.shape_cast %swap3A_475 : vector<16xi32> to vector<16xi32>
        %swap3A_477 = vector.shape_cast %shift_right_logical3A_473 : vector<16xi32> to vector<16xi32>
        tpu.vector_store %arg8[%swap3A_474], %swap3A_477 {strides = array<i32>} : memref<128xi32, #tpu.memory_space<vmem>>, vector<16xi32>,
        %get3A_478 = arith.index_cast %add3A_411 : i32 to index
        %get3A_479 = arith.constant 96 : index
        %get3A_480 = tpu.vector_load %arg6[%get3A_478, %get3A_479] {strides = array<i32>} : memref<80x128xi32, #tpu.memory_space<vmem>>, vector<1x16xi32>,
        %get3A_481 = vector.shape_cast %get3A_480 : vector<1x16xi32> to vector<16xi32>
        %shift_right_logical3A_482 = arith.constant 14 : i32
        %shift_right_logical3A_483 = vector.broadcast %shift_right_logical3A_482 : i32 to vector<16xi32>
        %shift_right_logical3A_484 = arith.shrui %get3A_481, %shift_right_logical3A_483 : vector<16xi32>
        %swap3A_485 = arith.constant 96 : index
        %swap3A_486 = tpu.vector_load %arg8[%swap3A_485] {strides = array<i32>} : memref<128xi32, #tpu.memory_space<vmem>>, vector<16xi32>,
        %swap3A_487 = vector.shape_cast %swap3A_486 : vector<16xi32> to vector<16xi32>
        %swap3A_488 = vector.shape_cast %shift_right_logical3A_484 : vector<16xi32> to vector<16xi32>
        tpu.vector_store %arg8[%swap3A_485], %swap3A_488 {strides = array<i32>} : memref<128xi32, #tpu.memory_space<vmem>>, vector<16xi32>,
        %get3A_489 = arith.index_cast %add3A_411 : i32 to index
        %get3A_490 = arith.constant 112 : index
        %get3A_491 = tpu.vector_load %arg6[%get3A_489, %get3A_490] {strides = array<i32>} : memref<80x128xi32, #tpu.memory_space<vmem>>, vector<1x16xi32>,
        %get3A_492 = vector.shape_cast %get3A_491 : vector<1x16xi32> to vector<16xi32>
        %shift_right_logical3A_493 = arith.constant 14 : i32
        %shift_right_logical3A_494 = vector.broadcast %shift_right_logical3A_493 : i32 to vector<16xi32>
        %shift_right_logical3A_495 = arith.shrui %get3A_492, %shift_right_logical3A_494 : vector<16xi32>
        %swap3A_496 = arith.constant 112 : index
        %swap3A_497 = tpu.vector_load %arg8[%swap3A_496] {strides = array<i32>} : memref<128xi32, #tpu.memory_space<vmem>>, vector<16xi32>,
        %swap3A_498 = vector.shape_cast %swap3A_497 : vector<16xi32> to vector<16xi32>
        %swap3A_499 = vector.shape_cast %shift_right_logical3A_495 : vector<16xi32> to vector<16xi32>
        tpu.vector_store %arg8[%swap3A_496], %swap3A_499 {strides = array<i32>} : memref<128xi32, #tpu.memory_space<vmem>>, vector<16xi32>,
        %dma_start3A_500 = arith.constant 0 : i32
        %dma_start3A_501 = arith.constant 0 : i32
        %dma_start3A_502 = tpu.memref_slice %arg2[%dma_start3A_500, %dma_start3A_501] : memref<10000x128xf32, #tpu.memory_space<hbm>> -> memref<10000x128xf32, #tpu.memory_space<hbm>>
        tpu.enqueue_indirect_dma source(%dma_start3A_502 : memref<10000x128xf32, #tpu.memory_space<hbm>>) target(%arg11 : memref<128x128xf32, #tpu.memory_space<vmem>>) offsets(%arg8 : memref<128xi32, #tpu.memory_space<vmem>>) semaphore(%arg14 : memref<!tpu.dma_semaphore, #tpu.memory_space<semaphore_mem>>)
      } else {
      }
    }
    %scan3A_204 = arith.constant 40 : i32
    %barrier3A_205 = arith.constant 0 : index
    tpu.barrier barrier_id(%barrier3A_205)
    %mul3A_206 = arith.constant 632 : i32
    %mul3A_207 = arith.muli %arg1, %mul3A_206 : i32
    %mul3A_208 = arith.constant 632 : i32
    %mul3A_209 = arith.muli %arg1, %mul3A_208 : i32
    "tpu.region"() ({
      %run_scoped3A = tpu.sem_alloc : memref<!tpu.dma_semaphore, #tpu.memory_space<semaphore_mem>>
      %dma_start3A_210 = arith.constant 0 : i32
      %dma_start3A_211 = tpu.memref_slice %arg5[%arg0, %mul3A_209, %dma_start3A_210] : memref<2x10112x128xf32, #tpu.memory_space<hbm>> -> memref<1x632x128xf32, #tpu.memory_space<hbm>>
      %dma_start3A_212 = tpu.memref_squeeze %dma_start3A_211 : memref<1x632x128xf32, #tpu.memory_space<hbm>> -> memref<632x128xf32, #tpu.memory_space<hbm>>
      %dma_start3A_213 = arith.constant 0 : i32
      %dma_start3A_214 = tpu.memref_slice %arg12[%mul3A_207, %dma_start3A_213] : memref<10112x128xf32, #tpu.memory_space<vmem_shared>> -> memref<632x128xf32, #tpu.memory_space<vmem_shared>>
      tpu.enqueue_dma source(%dma_start3A_214 : memref<632x128xf32, #tpu.memory_space<vmem_shared>>) target(%dma_start3A_212 : memref<632x128xf32, #tpu.memory_space<hbm>>) target_semaphore(%run_scoped3A : memref<!tpu.dma_semaphore, #tpu.memory_space<semaphore_mem>>)
      %dma_wait3A = arith.constant 0 : i32
      %dma_wait3A_215 = tpu.memref_slice %arg5[%arg0, %mul3A_209, %dma_wait3A] : memref<2x10112x128xf32, #tpu.memory_space<hbm>> -> memref<1x632x128xf32, #tpu.memory_space<hbm>>
      %dma_wait3A_216 = tpu.memref_squeeze %dma_wait3A_215 : memref<1x632x128xf32, #tpu.memory_space<hbm>> -> memref<632x128xf32, #tpu.memory_space<hbm>>
      %dma_wait3A_217 = arith.constant 0 : i32
      %dma_wait3A_218 = tpu.memref_slice %arg12[%mul3A_207, %dma_wait3A_217] : memref<10112x128xf32, #tpu.memory_space<vmem_shared>> -> memref<632x128xf32, #tpu.memory_space<vmem_shared>>
      tpu.wait_dma2 semaphore(%run_scoped3A : memref<!tpu.dma_semaphore, #tpu.memory_space<semaphore_mem>>) src(%dma_wait3A_218 : memref<632x128xf32, #tpu.memory_space<vmem_shared>>) dst(%dma_wait3A_216 : memref<632x128xf32, #tpu.memory_space<hbm>>)
      tpu.yield
    }) : () -> ()
    return
  }
}

#map = affine_map<(d0, d1) -> (0, 0)>
#map1 = affine_map<(d0, d1) -> (0, 0, 0)>
module attributes {stable_mosaic.version = 14 : i64} {
  func.func @_sc_seg_body(%arg0: i32, %arg1: i32, %arg2: memref<10000x128xf32, #tpu.memory_space<hbm>>, %arg3: memref<2560x128xi32, #tpu.memory_space<hbm>>, %arg4: memref<10112x128xf32, #tpu.memory_space<hbm>>, %arg5: memref<2x10112x128xf32, #tpu.memory_space<hbm>>, %arg6: memref<80x128xi32, #tpu.memory_space<vmem>>, %arg7: memref<128xi32, #tpu.memory_space<vmem>>, %arg8: memref<128xi32, #tpu.memory_space<vmem>>, %arg9: memref<128xi32, #tpu.memory_space<vmem>>, %arg10: memref<128x128xf32, #tpu.memory_space<vmem>>, %arg11: memref<128x128xf32, #tpu.memory_space<vmem>>, %arg12: memref<10112x128xf32, #tpu.memory_space<vmem_shared>>, %arg13: memref<!tpu.dma_semaphore, #tpu.memory_space<semaphore_mem>>, %arg14: memref<!tpu.dma_semaphore, #tpu.memory_space<semaphore_mem>>) attributes {dimension_semantics = [#tpu.dimension_semantics<core_parallel>, #tpu.dimension_semantics<subcore_parallel>], iteration_bounds = array<i64: 2, 16>, scalar_prefetch = 0 : i64, scratch_operands = 9 : i64, tpu.core_type = #tpu.core_type<sc_vector_subcore>, window_params = [{transform_indices = #map}, {transform_indices = #map}, {transform_indices = #map}, {transform_indices = #map1}]} {
    %mul3A = arith.constant 16 : i32
    %mul3A_0 = arith.muli %arg0, %mul3A : i32
    %add3A = arith.addi %mul3A_0, %arg1 : i32
    %mul3A_1 = arith.constant 632 : i32
    %mul3A_2 = arith.muli %arg1, %mul3A_1 : i32
    %mul3A_3 = arith.constant 632 : i32
    %mul3A_4 = arith.muli %arg1, %mul3A_3 : i32
    "tpu.region"() ({
      %run_scoped3A = tpu.sem_alloc : memref<!tpu.dma_semaphore, #tpu.memory_space<semaphore_mem>>
      %dma_start3A_210 = arith.constant 0 : i32
      %dma_start3A_211 = tpu.memref_slice %arg12[%mul3A_4, %dma_start3A_210] : memref<10112x128xf32, #tpu.memory_space<vmem_shared>> -> memref<632x128xf32, #tpu.memory_space<vmem_shared>>
      %dma_start3A_212 = arith.constant 0 : i32
      %dma_start3A_213 = tpu.memref_slice %arg4[%mul3A_2, %dma_start3A_212] : memref<10112x128xf32, #tpu.memory_space<hbm>> -> memref<632x128xf32, #tpu.memory_space<hbm>>
      tpu.enqueue_dma source(%dma_start3A_213 : memref<632x128xf32, #tpu.memory_space<hbm>>) target(%dma_start3A_211 : memref<632x128xf32, #tpu.memory_space<vmem_shared>>) target_semaphore(%run_scoped3A : memref<!tpu.dma_semaphore, #tpu.memory_space<semaphore_mem>>)
      %dma_wait3A = arith.constant 0 : i32
      %dma_wait3A_214 = tpu.memref_slice %arg12[%mul3A_4, %dma_wait3A] : memref<10112x128xf32, #tpu.memory_space<vmem_shared>> -> memref<632x128xf32, #tpu.memory_space<vmem_shared>>
      %dma_wait3A_215 = arith.constant 0 : i32
      %dma_wait3A_216 = tpu.memref_slice %arg4[%mul3A_2, %dma_wait3A_215] : memref<10112x128xf32, #tpu.memory_space<hbm>> -> memref<632x128xf32, #tpu.memory_space<hbm>>
      tpu.wait_dma2 semaphore(%run_scoped3A : memref<!tpu.dma_semaphore, #tpu.memory_space<semaphore_mem>>) src(%dma_wait3A_216 : memref<632x128xf32, #tpu.memory_space<hbm>>) dst(%dma_wait3A_214 : memref<632x128xf32, #tpu.memory_space<vmem_shared>>)
      tpu.yield
    }) : () -> ()
    %mul3A_5 = arith.constant 80 : i32
    %mul3A_6 = arith.muli %add3A, %mul3A_5 : i32
    "tpu.region"() ({
      %run_scoped3A = tpu.sem_alloc : memref<!tpu.dma_semaphore, #tpu.memory_space<semaphore_mem>>
      %dma_start3A_210 = arith.constant 0 : i32
      %dma_start3A_211 = tpu.memref_slice %arg3[%mul3A_6, %dma_start3A_210] : memref<2560x128xi32, #tpu.memory_space<hbm>> -> memref<80x128xi32, #tpu.memory_space<hbm>>
      %dma_start3A_212 = arith.constant 0 : i32
      %dma_start3A_213 = tpu.memref_slice %arg3[%mul3A_6, %dma_start3A_212] : memref<2560x128xi32, #tpu.memory_space<hbm>> -> memref<80x128xi32, #tpu.memory_space<hbm>>
      tpu.enqueue_dma source(%dma_start3A_213 : memref<80x128xi32, #tpu.memory_space<hbm>>) target(%arg6 : memref<80x128xi32, #tpu.memory_space<vmem>>) target_semaphore(%run_scoped3A : memref<!tpu.dma_semaphore, #tpu.memory_space<semaphore_mem>>)
      %dma_wait3A = arith.constant 0 : i32
      %dma_wait3A_214 = tpu.memref_slice %arg3[%mul3A_6, %dma_wait3A] : memref<2560x128xi32, #tpu.memory_space<hbm>> -> memref<80x128xi32, #tpu.memory_space<hbm>>
      %dma_wait3A_215 = arith.constant 0 : i32
      %dma_wait3A_216 = tpu.memref_slice %arg3[%mul3A_6, %dma_wait3A_215] : memref<2560x128xi32, #tpu.memory_space<hbm>> -> memref<80x128xi32, #tpu.memory_space<hbm>>
      tpu.wait_dma2 semaphore(%run_scoped3A : memref<!tpu.dma_semaphore, #tpu.memory_space<semaphore_mem>>) src(%dma_wait3A_216 : memref<80x128xi32, #tpu.memory_space<hbm>>) dst(%arg6 : memref<80x128xi32, #tpu.memory_space<vmem>>)
      tpu.yield
    }) : () -> ()
    %barrier3A = arith.constant 0 : index
    tpu.barrier barrier_id(%barrier3A)
    %get3A = arith.constant 0 : i32
    %get3A_7 = arith.index_cast %get3A : i32 to index
    %get3A_8 = arith.constant 0 : index
    %get3A_9 = tpu.vector_load %arg6[%get3A_7, %get3A_8] {strides = array<i32>} : memref<80x128xi32, #tpu.memory_space<vmem>>, vector<1x16xi32>,
    %get3A_10 = vector.shape_cast %get3A_9 : vector<1x16xi32> to vector<16xi32>
    %shift_right_logical3A = arith.constant 14 : i32
    %shift_right_logical3A_11 = vector.broadcast %shift_right_logical3A : i32 to vector<16xi32>
    %shift_right_logical3A_12 = arith.shrui %get3A_10, %shift_right_logical3A_11 : vector<16xi32>
    %swap3A = arith.constant 0 : index
    %swap3A_13 = tpu.vector_load %arg7[%swap3A] {strides = array<i32>} : memref<128xi32, #tpu.memory_space<vmem>>, vector<16xi32>,
    %swap3A_14 = vector.shape_cast %swap3A_13 : vector<16xi32> to vector<16xi32>
    %swap3A_15 = vector.shape_cast %shift_right_logical3A_12 : vector<16xi32> to vector<16xi32>
    tpu.vector_store %arg7[%swap3A], %swap3A_15 {strides = array<i32>} : memref<128xi32, #tpu.memory_space<vmem>>, vector<16xi32>,
    %get3A_16 = arith.constant 0 : i32
    %get3A_17 = arith.index_cast %get3A_16 : i32 to index
    %get3A_18 = arith.constant 16 : index
    %get3A_19 = tpu.vector_load %arg6[%get3A_17, %get3A_18] {strides = array<i32>} : memref<80x128xi32, #tpu.memory_space<vmem>>, vector<1x16xi32>,
    %get3A_20 = vector.shape_cast %get3A_19 : vector<1x16xi32> to vector<16xi32>
    %shift_right_logical3A_21 = arith.constant 14 : i32
    %shift_right_logical3A_22 = vector.broadcast %shift_right_logical3A_21 : i32 to vector<16xi32>
    %shift_right_logical3A_23 = arith.shrui %get3A_20, %shift_right_logical3A_22 : vector<16xi32>
    %swap3A_24 = arith.constant 16 : index
    %swap3A_25 = tpu.vector_load %arg7[%swap3A_24] {strides = array<i32>} : memref<128xi32, #tpu.memory_space<vmem>>, vector<16xi32>,
    %swap3A_26 = vector.shape_cast %swap3A_25 : vector<16xi32> to vector<16xi32>
    %swap3A_27 = vector.shape_cast %shift_right_logical3A_23 : vector<16xi32> to vector<16xi32>
    tpu.vector_store %arg7[%swap3A_24], %swap3A_27 {strides = array<i32>} : memref<128xi32, #tpu.memory_space<vmem>>, vector<16xi32>,
    %get3A_28 = arith.constant 0 : i32
    %get3A_29 = arith.index_cast %get3A_28 : i32 to index
    %get3A_30 = arith.constant 32 : index
    %get3A_31 = tpu.vector_load %arg6[%get3A_29, %get3A_30] {strides = array<i32>} : memref<80x128xi32, #tpu.memory_space<vmem>>, vector<1x16xi32>,
    %get3A_32 = vector.shape_cast %get3A_31 : vector<1x16xi32> to vector<16xi32>
    %shift_right_logical3A_33 = arith.constant 14 : i32
    %shift_right_logical3A_34 = vector.broadcast %shift_right_logical3A_33 : i32 to vector<16xi32>
    %shift_right_logical3A_35 = arith.shrui %get3A_32, %shift_right_logical3A_34 : vector<16xi32>
    %swap3A_36 = arith.constant 32 : index
    %swap3A_37 = tpu.vector_load %arg7[%swap3A_36] {strides = array<i32>} : memref<128xi32, #tpu.memory_space<vmem>>, vector<16xi32>,
    %swap3A_38 = vector.shape_cast %swap3A_37 : vector<16xi32> to vector<16xi32>
    %swap3A_39 = vector.shape_cast %shift_right_logical3A_35 : vector<16xi32> to vector<16xi32>
    tpu.vector_store %arg7[%swap3A_36], %swap3A_39 {strides = array<i32>} : memref<128xi32, #tpu.memory_space<vmem>>, vector<16xi32>,
    %get3A_40 = arith.constant 0 : i32
    %get3A_41 = arith.index_cast %get3A_40 : i32 to index
    %get3A_42 = arith.constant 48 : index
    %get3A_43 = tpu.vector_load %arg6[%get3A_41, %get3A_42] {strides = array<i32>} : memref<80x128xi32, #tpu.memory_space<vmem>>, vector<1x16xi32>,
    %get3A_44 = vector.shape_cast %get3A_43 : vector<1x16xi32> to vector<16xi32>
    %shift_right_logical3A_45 = arith.constant 14 : i32
    %shift_right_logical3A_46 = vector.broadcast %shift_right_logical3A_45 : i32 to vector<16xi32>
    %shift_right_logical3A_47 = arith.shrui %get3A_44, %shift_right_logical3A_46 : vector<16xi32>
    %swap3A_48 = arith.constant 48 : index
    %swap3A_49 = tpu.vector_load %arg7[%swap3A_48] {strides = array<i32>} : memref<128xi32, #tpu.memory_space<vmem>>, vector<16xi32>,
    %swap3A_50 = vector.shape_cast %swap3A_49 : vector<16xi32> to vector<16xi32>
    %swap3A_51 = vector.shape_cast %shift_right_logical3A_47 : vector<16xi32> to vector<16xi32>
    tpu.vector_store %arg7[%swap3A_48], %swap3A_51 {strides = array<i32>} : memref<128xi32, #tpu.memory_space<vmem>>, vector<16xi32>,
    %get3A_52 = arith.constant 0 : i32
    %get3A_53 = arith.index_cast %get3A_52 : i32 to index
    %get3A_54 = arith.constant 64 : index
    %get3A_55 = tpu.vector_load %arg6[%get3A_53, %get3A_54] {strides = array<i32>} : memref<80x128xi32, #tpu.memory_space<vmem>>, vector<1x16xi32>,
    %get3A_56 = vector.shape_cast %get3A_55 : vector<1x16xi32> to vector<16xi32>
    %shift_right_logical3A_57 = arith.constant 14 : i32
    %shift_right_logical3A_58 = vector.broadcast %shift_right_logical3A_57 : i32 to vector<16xi32>
    %shift_right_logical3A_59 = arith.shrui %get3A_56, %shift_right_logical3A_58 : vector<16xi32>
    %swap3A_60 = arith.constant 64 : index
    %swap3A_61 = tpu.vector_load %arg7[%swap3A_60] {strides = array<i32>} : memref<128xi32, #tpu.memory_space<vmem>>, vector<16xi32>,
    %swap3A_62 = vector.shape_cast %swap3A_61 : vector<16xi32> to vector<16xi32>
    %swap3A_63 = vector.shape_cast %shift_right_logical3A_59 : vector<16xi32> to vector<16xi32>
    tpu.vector_store %arg7[%swap3A_60], %swap3A_63 {strides = array<i32>} : memref<128xi32, #tpu.memory_space<vmem>>, vector<16xi32>,
    %get3A_64 = arith.constant 0 : i32
    %get3A_65 = arith.index_cast %get3A_64 : i32 to index
    %get3A_66 = arith.constant 80 : index
    %get3A_67 = tpu.vector_load %arg6[%get3A_65, %get3A_66] {strides = array<i32>} : memref<80x128xi32, #tpu.memory_space<vmem>>, vector<1x16xi32>,
    %get3A_68 = vector.shape_cast %get3A_67 : vector<1x16xi32> to vector<16xi32>
    %shift_right_logical3A_69 = arith.constant 14 : i32
    %shift_right_logical3A_70 = vector.broadcast %shift_right_logical3A_69 : i32 to vector<16xi32>
    %shift_right_logical3A_71 = arith.shrui %get3A_68, %shift_right_logical3A_70 : vector<16xi32>
    %swap3A_72 = arith.constant 80 : index
    %swap3A_73 = tpu.vector_load %arg7[%swap3A_72] {strides = array<i32>} : memref<128xi32, #tpu.memory_space<vmem>>, vector<16xi32>,
    %swap3A_74 = vector.shape_cast %swap3A_73 : vector<16xi32> to vector<16xi32>
    %swap3A_75 = vector.shape_cast %shift_right_logical3A_71 : vector<16xi32> to vector<16xi32>
    tpu.vector_store %arg7[%swap3A_72], %swap3A_75 {strides = array<i32>} : memref<128xi32, #tpu.memory_space<vmem>>, vector<16xi32>,
    %get3A_76 = arith.constant 0 : i32
    %get3A_77 = arith.index_cast %get3A_76 : i32 to index
    %get3A_78 = arith.constant 96 : index
    %get3A_79 = tpu.vector_load %arg6[%get3A_77, %get3A_78] {strides = array<i32>} : memref<80x128xi32, #tpu.memory_space<vmem>>, vector<1x16xi32>,
    %get3A_80 = vector.shape_cast %get3A_79 : vector<1x16xi32> to vector<16xi32>
    %shift_right_logical3A_81 = arith.constant 14 : i32
    %shift_right_logical3A_82 = vector.broadcast %shift_right_logical3A_81 : i32 to vector<16xi32>
    %shift_right_logical3A_83 = arith.shrui %get3A_80, %shift_right_logical3A_82 : vector<16xi32>
    %swap3A_84 = arith.constant 96 : index
    %swap3A_85 = tpu.vector_load %arg7[%swap3A_84] {strides = array<i32>} : memref<128xi32, #tpu.memory_space<vmem>>, vector<16xi32>,
    %swap3A_86 = vector.shape_cast %swap3A_85 : vector<16xi32> to vector<16xi32>
    %swap3A_87 = vector.shape_cast %shift_right_logical3A_83 : vector<16xi32> to vector<16xi32>
    tpu.vector_store %arg7[%swap3A_84], %swap3A_87 {strides = array<i32>} : memref<128xi32, #tpu.memory_space<vmem>>, vector<16xi32>,
    %get3A_88 = arith.constant 0 : i32
    %get3A_89 = arith.index_cast %get3A_88 : i32 to index
    %get3A_90 = arith.constant 112 : index
    %get3A_91 = tpu.vector_load %arg6[%get3A_89, %get3A_90] {strides = array<i32>} : memref<80x128xi32, #tpu.memory_space<vmem>>, vector<1x16xi32>,
    %get3A_92 = vector.shape_cast %get3A_91 : vector<1x16xi32> to vector<16xi32>
    %shift_right_logical3A_93 = arith.constant 14 : i32
    %shift_right_logical3A_94 = vector.broadcast %shift_right_logical3A_93 : i32 to vector<16xi32>
    %shift_right_logical3A_95 = arith.shrui %get3A_92, %shift_right_logical3A_94 : vector<16xi32>
    %swap3A_96 = arith.constant 112 : index
    %swap3A_97 = tpu.vector_load %arg7[%swap3A_96] {strides = array<i32>} : memref<128xi32, #tpu.memory_space<vmem>>, vector<16xi32>,
    %swap3A_98 = vector.shape_cast %swap3A_97 : vector<16xi32> to vector<16xi32>
    %swap3A_99 = vector.shape_cast %shift_right_logical3A_95 : vector<16xi32> to vector<16xi32>
    tpu.vector_store %arg7[%swap3A_96], %swap3A_99 {strides = array<i32>} : memref<128xi32, #tpu.memory_space<vmem>>, vector<16xi32>,
    %dma_start3A = arith.constant 0 : i32
    %dma_start3A_100 = arith.constant 0 : i32
    %dma_start3A_101 = tpu.memref_slice %arg2[%dma_start3A, %dma_start3A_100] : memref<10000x128xf32, #tpu.memory_space<hbm>> -> memref<10000x128xf32, #tpu.memory_space<hbm>>
    tpu.enqueue_indirect_dma source(%dma_start3A_101 : memref<10000x128xf32, #tpu.memory_space<hbm>>) target(%arg10 : memref<128x128xf32, #tpu.memory_space<vmem>>) offsets(%arg7 : memref<128xi32, #tpu.memory_space<vmem>>) semaphore(%arg13 : memref<!tpu.dma_semaphore, #tpu.memory_space<semaphore_mem>>)
    %get3A_102 = arith.constant 1 : i32
    %get3A_103 = arith.index_cast %get3A_102 : i32 to index
    %get3A_104 = arith.constant 0 : index
    %get3A_105 = tpu.vector_load %arg6[%get3A_103, %get3A_104] {strides = array<i32>} : memref<80x128xi32, #tpu.memory_space<vmem>>, vector<1x16xi32>,
    %get3A_106 = vector.shape_cast %get3A_105 : vector<1x16xi32> to vector<16xi32>
    %shift_right_logical3A_107 = arith.constant 14 : i32
    %shift_right_logical3A_108 = vector.broadcast %shift_right_logical3A_107 : i32 to vector<16xi32>
    %shift_right_logical3A_109 = arith.shrui %get3A_106, %shift_right_logical3A_108 : vector<16xi32>
    %swap3A_110 = arith.constant 0 : index
    %swap3A_111 = tpu.vector_load %arg8[%swap3A_110] {strides = array<i32>} : memref<128xi32, #tpu.memory_space<vmem>>, vector<16xi32>,
    %swap3A_112 = vector.shape_cast %swap3A_111 : vector<16xi32> to vector<16xi32>
    %swap3A_113 = vector.shape_cast %shift_right_logical3A_109 : vector<16xi32> to vector<16xi32>
    tpu.vector_store %arg8[%swap3A_110], %swap3A_113 {strides = array<i32>} : memref<128xi32, #tpu.memory_space<vmem>>, vector<16xi32>,
    %get3A_114 = arith.constant 1 : i32
    %get3A_115 = arith.index_cast %get3A_114 : i32 to index
    %get3A_116 = arith.constant 16 : index
    %get3A_117 = tpu.vector_load %arg6[%get3A_115, %get3A_116] {strides = array<i32>} : memref<80x128xi32, #tpu.memory_space<vmem>>, vector<1x16xi32>,
    %get3A_118 = vector.shape_cast %get3A_117 : vector<1x16xi32> to vector<16xi32>
    %shift_right_logical3A_119 = arith.constant 14 : i32
    %shift_right_logical3A_120 = vector.broadcast %shift_right_logical3A_119 : i32 to vector<16xi32>
    %shift_right_logical3A_121 = arith.shrui %get3A_118, %shift_right_logical3A_120 : vector<16xi32>
    %swap3A_122 = arith.constant 16 : index
    %swap3A_123 = tpu.vector_load %arg8[%swap3A_122] {strides = array<i32>} : memref<128xi32, #tpu.memory_space<vmem>>, vector<16xi32>,
    %swap3A_124 = vector.shape_cast %swap3A_123 : vector<16xi32> to vector<16xi32>
    %swap3A_125 = vector.shape_cast %shift_right_logical3A_121 : vector<16xi32> to vector<16xi32>
    tpu.vector_store %arg8[%swap3A_122], %swap3A_125 {strides = array<i32>} : memref<128xi32, #tpu.memory_space<vmem>>, vector<16xi32>,
    %get3A_126 = arith.constant 1 : i32
    %get3A_127 = arith.index_cast %get3A_126 : i32 to index
    %get3A_128 = arith.constant 32 : index
    %get3A_129 = tpu.vector_load %arg6[%get3A_127, %get3A_128] {strides = array<i32>} : memref<80x128xi32, #tpu.memory_space<vmem>>, vector<1x16xi32>,
    %get3A_130 = vector.shape_cast %get3A_129 : vector<1x16xi32> to vector<16xi32>
    %shift_right_logical3A_131 = arith.constant 14 : i32
    %shift_right_logical3A_132 = vector.broadcast %shift_right_logical3A_131 : i32 to vector<16xi32>
    %shift_right_logical3A_133 = arith.shrui %get3A_130, %shift_right_logical3A_132 : vector<16xi32>
    %swap3A_134 = arith.constant 32 : index
    %swap3A_135 = tpu.vector_load %arg8[%swap3A_134] {strides = array<i32>} : memref<128xi32, #tpu.memory_space<vmem>>, vector<16xi32>,
    %swap3A_136 = vector.shape_cast %swap3A_135 : vector<16xi32> to vector<16xi32>
    %swap3A_137 = vector.shape_cast %shift_right_logical3A_133 : vector<16xi32> to vector<16xi32>
    tpu.vector_store %arg8[%swap3A_134], %swap3A_137 {strides = array<i32>} : memref<128xi32, #tpu.memory_space<vmem>>, vector<16xi32>,
    %get3A_138 = arith.constant 1 : i32
    %get3A_139 = arith.index_cast %get3A_138 : i32 to index
    %get3A_140 = arith.constant 48 : index
    %get3A_141 = tpu.vector_load %arg6[%get3A_139, %get3A_140] {strides = array<i32>} : memref<80x128xi32, #tpu.memory_space<vmem>>, vector<1x16xi32>,
    %get3A_142 = vector.shape_cast %get3A_141 : vector<1x16xi32> to vector<16xi32>
    %shift_right_logical3A_143 = arith.constant 14 : i32
    %shift_right_logical3A_144 = vector.broadcast %shift_right_logical3A_143 : i32 to vector<16xi32>
    %shift_right_logical3A_145 = arith.shrui %get3A_142, %shift_right_logical3A_144 : vector<16xi32>
    %swap3A_146 = arith.constant 48 : index
    %swap3A_147 = tpu.vector_load %arg8[%swap3A_146] {strides = array<i32>} : memref<128xi32, #tpu.memory_space<vmem>>, vector<16xi32>,
    %swap3A_148 = vector.shape_cast %swap3A_147 : vector<16xi32> to vector<16xi32>
    %swap3A_149 = vector.shape_cast %shift_right_logical3A_145 : vector<16xi32> to vector<16xi32>
    tpu.vector_store %arg8[%swap3A_146], %swap3A_149 {strides = array<i32>} : memref<128xi32, #tpu.memory_space<vmem>>, vector<16xi32>,
    %get3A_150 = arith.constant 1 : i32
    %get3A_151 = arith.index_cast %get3A_150 : i32 to index
    %get3A_152 = arith.constant 64 : index
    %get3A_153 = tpu.vector_load %arg6[%get3A_151, %get3A_152] {strides = array<i32>} : memref<80x128xi32, #tpu.memory_space<vmem>>, vector<1x16xi32>,
    %get3A_154 = vector.shape_cast %get3A_153 : vector<1x16xi32> to vector<16xi32>
    %shift_right_logical3A_155 = arith.constant 14 : i32
    %shift_right_logical3A_156 = vector.broadcast %shift_right_logical3A_155 : i32 to vector<16xi32>
    %shift_right_logical3A_157 = arith.shrui %get3A_154, %shift_right_logical3A_156 : vector<16xi32>
    %swap3A_158 = arith.constant 64 : index
    %swap3A_159 = tpu.vector_load %arg8[%swap3A_158] {strides = array<i32>} : memref<128xi32, #tpu.memory_space<vmem>>, vector<16xi32>,
    %swap3A_160 = vector.shape_cast %swap3A_159 : vector<16xi32> to vector<16xi32>
    %swap3A_161 = vector.shape_cast %shift_right_logical3A_157 : vector<16xi32> to vector<16xi32>
    tpu.vector_store %arg8[%swap3A_158], %swap3A_161 {strides = array<i32>} : memref<128xi32, #tpu.memory_space<vmem>>, vector<16xi32>,
    %get3A_162 = arith.constant 1 : i32
    %get3A_163 = arith.index_cast %get3A_162 : i32 to index
    %get3A_164 = arith.constant 80 : index
    %get3A_165 = tpu.vector_load %arg6[%get3A_163, %get3A_164] {strides = array<i32>} : memref<80x128xi32, #tpu.memory_space<vmem>>, vector<1x16xi32>,
    %get3A_166 = vector.shape_cast %get3A_165 : vector<1x16xi32> to vector<16xi32>
    %shift_right_logical3A_167 = arith.constant 14 : i32
    %shift_right_logical3A_168 = vector.broadcast %shift_right_logical3A_167 : i32 to vector<16xi32>
    %shift_right_logical3A_169 = arith.shrui %get3A_166, %shift_right_logical3A_168 : vector<16xi32>
    %swap3A_170 = arith.constant 80 : index
    %swap3A_171 = tpu.vector_load %arg8[%swap3A_170] {strides = array<i32>} : memref<128xi32, #tpu.memory_space<vmem>>, vector<16xi32>,
    %swap3A_172 = vector.shape_cast %swap3A_171 : vector<16xi32> to vector<16xi32>
    %swap3A_173 = vector.shape_cast %shift_right_logical3A_169 : vector<16xi32> to vector<16xi32>
    tpu.vector_store %arg8[%swap3A_170], %swap3A_173 {strides = array<i32>} : memref<128xi32, #tpu.memory_space<vmem>>, vector<16xi32>,
    %get3A_174 = arith.constant 1 : i32
    %get3A_175 = arith.index_cast %get3A_174 : i32 to index
    %get3A_176 = arith.constant 96 : index
    %get3A_177 = tpu.vector_load %arg6[%get3A_175, %get3A_176] {strides = array<i32>} : memref<80x128xi32, #tpu.memory_space<vmem>>, vector<1x16xi32>,
    %get3A_178 = vector.shape_cast %get3A_177 : vector<1x16xi32> to vector<16xi32>
    %shift_right_logical3A_179 = arith.constant 14 : i32
    %shift_right_logical3A_180 = vector.broadcast %shift_right_logical3A_179 : i32 to vector<16xi32>
    %shift_right_logical3A_181 = arith.shrui %get3A_178, %shift_right_logical3A_180 : vector<16xi32>
    %swap3A_182 = arith.constant 96 : index
    %swap3A_183 = tpu.vector_load %arg8[%swap3A_182] {strides = array<i32>} : memref<128xi32, #tpu.memory_space<vmem>>, vector<16xi32>,
    %swap3A_184 = vector.shape_cast %swap3A_183 : vector<16xi32> to vector<16xi32>
    %swap3A_185 = vector.shape_cast %shift_right_logical3A_181 : vector<16xi32> to vector<16xi32>
    tpu.vector_store %arg8[%swap3A_182], %swap3A_185 {strides = array<i32>} : memref<128xi32, #tpu.memory_space<vmem>>, vector<16xi32>,
    %get3A_186 = arith.constant 1 : i32
    %get3A_187 = arith.index_cast %get3A_186 : i32 to index
    %get3A_188 = arith.constant 112 : index
    %get3A_189 = tpu.vector_load %arg6[%get3A_187, %get3A_188] {strides = array<i32>} : memref<80x128xi32, #tpu.memory_space<vmem>>, vector<1x16xi32>,
    %get3A_190 = vector.shape_cast %get3A_189 : vector<1x16xi32> to vector<16xi32>
    %shift_right_logical3A_191 = arith.constant 14 : i32
    %shift_right_logical3A_192 = vector.broadcast %shift_right_logical3A_191 : i32 to vector<16xi32>
    %shift_right_logical3A_193 = arith.shrui %get3A_190, %shift_right_logical3A_192 : vector<16xi32>
    %swap3A_194 = arith.constant 112 : index
    %swap3A_195 = tpu.vector_load %arg8[%swap3A_194] {strides = array<i32>} : memref<128xi32, #tpu.memory_space<vmem>>, vector<16xi32>,
    %swap3A_196 = vector.shape_cast %swap3A_195 : vector<16xi32> to vector<16xi32>
    %swap3A_197 = vector.shape_cast %shift_right_logical3A_193 : vector<16xi32> to vector<16xi32>
    tpu.vector_store %arg8[%swap3A_194], %swap3A_197 {strides = array<i32>} : memref<128xi32, #tpu.memory_space<vmem>>, vector<16xi32>,
    %dma_start3A_198 = arith.constant 0 : i32
    %dma_start3A_199 = arith.constant 0 : i32
    %dma_start3A_200 = tpu.memref_slice %arg2[%dma_start3A_198, %dma_start3A_199] : memref<10000x128xf32, #tpu.memory_space<hbm>> -> memref<10000x128xf32, #tpu.memory_space<hbm>>
    tpu.enqueue_indirect_dma source(%dma_start3A_200 : memref<10000x128xf32, #tpu.memory_space<hbm>>) target(%arg11 : memref<128x128xf32, #tpu.memory_space<vmem>>) offsets(%arg8 : memref<128xi32, #tpu.memory_space<vmem>>) semaphore(%arg14 : memref<!tpu.dma_semaphore, #tpu.memory_space<semaphore_mem>>)
    %scan3A = arith.constant 0 : i32
    %scan3A_201 = arith.constant 40 : i32
    %scan3A_202 = arith.addi %scan3A, %scan3A_201 : i32
    %scan3A_203 = arith.constant 1 : i32
    scf.for %scan3A_210 = %scan3A to %scan3A_202 step %scan3A_203  : i32 {
      %mul3A_211 = arith.constant 1 : i32
      %mul3A_212 = arith.muli %scan3A_210, %mul3A_211 : i32
      %add3A_213 = arith.constant 0 : i32
      %add3A_214 = arith.addi %add3A_213, %mul3A_212 : i32
      %mul3A_215 = arith.constant 2 : i32
      %mul3A_216 = arith.muli %mul3A_215, %add3A_214 : i32
      %dma_wait3A = arith.constant 0 : i32
      %dma_wait3A_217 = arith.constant 0 : i32
      %dma_wait3A_218 = tpu.memref_slice %arg2[%dma_wait3A, %dma_wait3A_217] : memref<10000x128xf32, #tpu.memory_space<hbm>> -> memref<10000x128xf32, #tpu.memory_space<hbm>>
      tpu.wait_indirect_dma semaphore(%arg13 : memref<!tpu.dma_semaphore, #tpu.memory_space<semaphore_mem>>) src(%dma_wait3A_218 : memref<10000x128xf32, #tpu.memory_space<hbm>>) dst(%arg10 : memref<128x128xf32, #tpu.memory_space<vmem>>)
      %get3A_219 = arith.index_cast %mul3A_216 : i32 to index
      %get3A_220 = arith.constant 0 : index
      %get3A_221 = tpu.vector_load %arg6[%get3A_219, %get3A_220] {strides = array<i32>} : memref<80x128xi32, #tpu.memory_space<vmem>>, vector<1x16xi32>,
      %get3A_222 = vector.shape_cast %get3A_221 : vector<1x16xi32> to vector<16xi32>
      %and3A = arith.constant 16383 : i32
      %and3A_223 = vector.broadcast %and3A : i32 to vector<16xi32>
      %and3A_224 = arith.andi %get3A_222, %and3A_223 : vector<16xi32>
      %swap3A_225 = arith.constant 0 : index
      %swap3A_226 = tpu.vector_load %arg9[%swap3A_225] {strides = array<i32>} : memref<128xi32, #tpu.memory_space<vmem>>, vector<16xi32>,
      %swap3A_227 = vector.shape_cast %swap3A_226 : vector<16xi32> to vector<16xi32>
      %swap3A_228 = vector.shape_cast %and3A_224 : vector<16xi32> to vector<16xi32>
      tpu.vector_store %arg9[%swap3A_225], %swap3A_228 {strides = array<i32>} : memref<128xi32, #tpu.memory_space<vmem>>, vector<16xi32>,
      %get3A_229 = arith.index_cast %mul3A_216 : i32 to index
      %get3A_230 = arith.constant 16 : index
      %get3A_231 = tpu.vector_load %arg6[%get3A_229, %get3A_230] {strides = array<i32>} : memref<80x128xi32, #tpu.memory_space<vmem>>, vector<1x16xi32>,
      %get3A_232 = vector.shape_cast %get3A_231 : vector<1x16xi32> to vector<16xi32>
      %and3A_233 = arith.constant 16383 : i32
      %and3A_234 = vector.broadcast %and3A_233 : i32 to vector<16xi32>
      %and3A_235 = arith.andi %get3A_232, %and3A_234 : vector<16xi32>
      %swap3A_236 = arith.constant 16 : index
      %swap3A_237 = tpu.vector_load %arg9[%swap3A_236] {strides = array<i32>} : memref<128xi32, #tpu.memory_space<vmem>>, vector<16xi32>,
      %swap3A_238 = vector.shape_cast %swap3A_237 : vector<16xi32> to vector<16xi32>
      %swap3A_239 = vector.shape_cast %and3A_235 : vector<16xi32> to vector<16xi32>
      tpu.vector_store %arg9[%swap3A_236], %swap3A_239 {strides = array<i32>} : memref<128xi32, #tpu.memory_space<vmem>>, vector<16xi32>,
      %get3A_240 = arith.index_cast %mul3A_216 : i32 to index
      %get3A_241 = arith.constant 32 : index
      %get3A_242 = tpu.vector_load %arg6[%get3A_240, %get3A_241] {strides = array<i32>} : memref<80x128xi32, #tpu.memory_space<vmem>>, vector<1x16xi32>,
      %get3A_243 = vector.shape_cast %get3A_242 : vector<1x16xi32> to vector<16xi32>
      %and3A_244 = arith.constant 16383 : i32
      %and3A_245 = vector.broadcast %and3A_244 : i32 to vector<16xi32>
      %and3A_246 = arith.andi %get3A_243, %and3A_245 : vector<16xi32>
      %swap3A_247 = arith.constant 32 : index
      %swap3A_248 = tpu.vector_load %arg9[%swap3A_247] {strides = array<i32>} : memref<128xi32, #tpu.memory_space<vmem>>, vector<16xi32>,
      %swap3A_249 = vector.shape_cast %swap3A_248 : vector<16xi32> to vector<16xi32>
      %swap3A_250 = vector.shape_cast %and3A_246 : vector<16xi32> to vector<16xi32>
      tpu.vector_store %arg9[%swap3A_247], %swap3A_250 {strides = array<i32>} : memref<128xi32, #tpu.memory_space<vmem>>, vector<16xi32>,
      %get3A_251 = arith.index_cast %mul3A_216 : i32 to index
      %get3A_252 = arith.constant 48 : index
      %get3A_253 = tpu.vector_load %arg6[%get3A_251, %get3A_252] {strides = array<i32>} : memref<80x128xi32, #tpu.memory_space<vmem>>, vector<1x16xi32>,
      %get3A_254 = vector.shape_cast %get3A_253 : vector<1x16xi32> to vector<16xi32>
      %and3A_255 = arith.constant 16383 : i32
      %and3A_256 = vector.broadcast %and3A_255 : i32 to vector<16xi32>
      %and3A_257 = arith.andi %get3A_254, %and3A_256 : vector<16xi32>
      %swap3A_258 = arith.constant 48 : index
      %swap3A_259 = tpu.vector_load %arg9[%swap3A_258] {strides = array<i32>} : memref<128xi32, #tpu.memory_space<vmem>>, vector<16xi32>,
      %swap3A_260 = vector.shape_cast %swap3A_259 : vector<16xi32> to vector<16xi32>
      %swap3A_261 = vector.shape_cast %and3A_257 : vector<16xi32> to vector<16xi32>
      tpu.vector_store %arg9[%swap3A_258], %swap3A_261 {strides = array<i32>} : memref<128xi32, #tpu.memory_space<vmem>>, vector<16xi32>,
      %get3A_262 = arith.index_cast %mul3A_216 : i32 to index
      %get3A_263 = arith.constant 64 : index
      %get3A_264 = tpu.vector_load %arg6[%get3A_262, %get3A_263] {strides = array<i32>} : memref<80x128xi32, #tpu.memory_space<vmem>>, vector<1x16xi32>,
      %get3A_265 = vector.shape_cast %get3A_264 : vector<1x16xi32> to vector<16xi32>
      %and3A_266 = arith.constant 16383 : i32
      %and3A_267 = vector.broadcast %and3A_266 : i32 to vector<16xi32>
      %and3A_268 = arith.andi %get3A_265, %and3A_267 : vector<16xi32>
      %swap3A_269 = arith.constant 64 : index
      %swap3A_270 = tpu.vector_load %arg9[%swap3A_269] {strides = array<i32>} : memref<128xi32, #tpu.memory_space<vmem>>, vector<16xi32>,
      %swap3A_271 = vector.shape_cast %swap3A_270 : vector<16xi32> to vector<16xi32>
      %swap3A_272 = vector.shape_cast %and3A_268 : vector<16xi32> to vector<16xi32>
      tpu.vector_store %arg9[%swap3A_269], %swap3A_272 {strides = array<i32>} : memref<128xi32, #tpu.memory_space<vmem>>, vector<16xi32>,
      %get3A_273 = arith.index_cast %mul3A_216 : i32 to index
      %get3A_274 = arith.constant 80 : index
      %get3A_275 = tpu.vector_load %arg6[%get3A_273, %get3A_274] {strides = array<i32>} : memref<80x128xi32, #tpu.memory_space<vmem>>, vector<1x16xi32>,
      %get3A_276 = vector.shape_cast %get3A_275 : vector<1x16xi32> to vector<16xi32>
      %and3A_277 = arith.constant 16383 : i32
      %and3A_278 = vector.broadcast %and3A_277 : i32 to vector<16xi32>
      %and3A_279 = arith.andi %get3A_276, %and3A_278 : vector<16xi32>
      %swap3A_280 = arith.constant 80 : index
      %swap3A_281 = tpu.vector_load %arg9[%swap3A_280] {strides = array<i32>} : memref<128xi32, #tpu.memory_space<vmem>>, vector<16xi32>,
      %swap3A_282 = vector.shape_cast %swap3A_281 : vector<16xi32> to vector<16xi32>
      %swap3A_283 = vector.shape_cast %and3A_279 : vector<16xi32> to vector<16xi32>
      tpu.vector_store %arg9[%swap3A_280], %swap3A_283 {strides = array<i32>} : memref<128xi32, #tpu.memory_space<vmem>>, vector<16xi32>,
      %get3A_284 = arith.index_cast %mul3A_216 : i32 to index
      %get3A_285 = arith.constant 96 : index
      %get3A_286 = tpu.vector_load %arg6[%get3A_284, %get3A_285] {strides = array<i32>} : memref<80x128xi32, #tpu.memory_space<vmem>>, vector<1x16xi32>,
      %get3A_287 = vector.shape_cast %get3A_286 : vector<1x16xi32> to vector<16xi32>
      %and3A_288 = arith.constant 16383 : i32
      %and3A_289 = vector.broadcast %and3A_288 : i32 to vector<16xi32>
      %and3A_290 = arith.andi %get3A_287, %and3A_289 : vector<16xi32>
      %swap3A_291 = arith.constant 96 : index
      %swap3A_292 = tpu.vector_load %arg9[%swap3A_291] {strides = array<i32>} : memref<128xi32, #tpu.memory_space<vmem>>, vector<16xi32>,
      %swap3A_293 = vector.shape_cast %swap3A_292 : vector<16xi32> to vector<16xi32>
      %swap3A_294 = vector.shape_cast %and3A_290 : vector<16xi32> to vector<16xi32>
      tpu.vector_store %arg9[%swap3A_291], %swap3A_294 {strides = array<i32>} : memref<128xi32, #tpu.memory_space<vmem>>, vector<16xi32>,
      %get3A_295 = arith.index_cast %mul3A_216 : i32 to index
      %get3A_296 = arith.constant 112 : index
      %get3A_297 = tpu.vector_load %arg6[%get3A_295, %get3A_296] {strides = array<i32>} : memref<80x128xi32, #tpu.memory_space<vmem>>, vector<1x16xi32>,
      %get3A_298 = vector.shape_cast %get3A_297 : vector<1x16xi32> to vector<16xi32>
      %and3A_299 = arith.constant 16383 : i32
      %and3A_300 = vector.broadcast %and3A_299 : i32 to vector<16xi32>
      %and3A_301 = arith.andi %get3A_298, %and3A_300 : vector<16xi32>
      %swap3A_302 = arith.constant 112 : index
      %swap3A_303 = tpu.vector_load %arg9[%swap3A_302] {strides = array<i32>} : memref<128xi32, #tpu.memory_space<vmem>>, vector<16xi32>,
      %swap3A_304 = vector.shape_cast %swap3A_303 : vector<16xi32> to vector<16xi32>
      %swap3A_305 = vector.shape_cast %and3A_301 : vector<16xi32> to vector<16xi32>
      tpu.vector_store %arg9[%swap3A_302], %swap3A_305 {strides = array<i32>} : memref<128xi32, #tpu.memory_space<vmem>>, vector<16xi32>,
      "tpu.region"() ({
        %run_scoped3A = tpu.sem_alloc : memref<!tpu.dma_semaphore, #tpu.memory_space<semaphore_mem>>
        %dma_start3A_410 = arith.constant 0 : i32
        %dma_start3A_411 = arith.constant 0 : i32
        %dma_start3A_412 = tpu.memref_slice %arg12[%dma_start3A_410, %dma_start3A_411] : memref<10112x128xf32, #tpu.memory_space<vmem_shared>> -> memref<10112x128xf32, #tpu.memory_space<vmem_shared>>
        tpu.enqueue_indirect_dma source(%arg10 : memref<128x128xf32, #tpu.memory_space<vmem>>) target(%dma_start3A_412 : memref<10112x128xf32, #tpu.memory_space<vmem_shared>>) offsets(%arg9 : memref<128xi32, #tpu.memory_space<vmem>>) semaphore(%run_scoped3A : memref<!tpu.dma_semaphore, #tpu.memory_space<semaphore_mem>>) {add = true}
        %dma_wait3A_413 = arith.constant 0 : i32
        %dma_wait3A_414 = arith.constant 0 : i32
        %dma_wait3A_415 = tpu.memref_slice %arg12[%dma_wait3A_413, %dma_wait3A_414] : memref<10112x128xf32, #tpu.memory_space<vmem_shared>> -> memref<10112x128xf32, #tpu.memory_space<vmem_shared>>
        tpu.wait_indirect_dma semaphore(%run_scoped3A : memref<!tpu.dma_semaphore, #tpu.memory_space<semaphore_mem>>) src(%arg10 : memref<128x128xf32, #tpu.memory_space<vmem>>) dst(%dma_wait3A_415 : memref<10112x128xf32, #tpu.memory_space<vmem_shared>>)
        tpu.yield
      }) : () -> ()
      %add3A_306 = arith.constant 2 : i32
      %add3A_307 = arith.addi %mul3A_216, %add3A_306 : i32
      %lt3A = arith.constant 80 : i32
      %lt3A_308 = arith.cmpi slt, %add3A_307, %lt3A : i32
      %convert_element_type3A = arith.extui %lt3A_308 : i1 to i32
      %cond3A = arith.constant 0 : i32
      %cond3A_309 = arith.cmpi ne, %convert_element_type3A, %cond3A : i32
      scf.if %cond3A_309 {
        %add3A_410 = arith.constant 2 : i32
        %add3A_411 = arith.addi %mul3A_216, %add3A_410 : i32
        %get3A_412 = arith.index_cast %add3A_411 : i32 to index
        %get3A_413 = arith.constant 0 : index
        %get3A_414 = tpu.vector_load %arg6[%get3A_412, %get3A_413] {strides = array<i32>} : memref<80x128xi32, #tpu.memory_space<vmem>>, vector<1x16xi32>,
        %get3A_415 = vector.shape_cast %get3A_414 : vector<1x16xi32> to vector<16xi32>
        %shift_right_logical3A_416 = arith.constant 14 : i32
        %shift_right_logical3A_417 = vector.broadcast %shift_right_logical3A_416 : i32 to vector<16xi32>
        %shift_right_logical3A_418 = arith.shrui %get3A_415, %shift_right_logical3A_417 : vector<16xi32>
        %swap3A_419 = arith.constant 0 : index
        %swap3A_420 = tpu.vector_load %arg7[%swap3A_419] {strides = array<i32>} : memref<128xi32, #tpu.memory_space<vmem>>, vector<16xi32>,
        %swap3A_421 = vector.shape_cast %swap3A_420 : vector<16xi32> to vector<16xi32>
        %swap3A_422 = vector.shape_cast %shift_right_logical3A_418 : vector<16xi32> to vector<16xi32>
        tpu.vector_store %arg7[%swap3A_419], %swap3A_422 {strides = array<i32>} : memref<128xi32, #tpu.memory_space<vmem>>, vector<16xi32>,
        %get3A_423 = arith.index_cast %add3A_411 : i32 to index
        %get3A_424 = arith.constant 16 : index
        %get3A_425 = tpu.vector_load %arg6[%get3A_423, %get3A_424] {strides = array<i32>} : memref<80x128xi32, #tpu.memory_space<vmem>>, vector<1x16xi32>,
        %get3A_426 = vector.shape_cast %get3A_425 : vector<1x16xi32> to vector<16xi32>
        %shift_right_logical3A_427 = arith.constant 14 : i32
        %shift_right_logical3A_428 = vector.broadcast %shift_right_logical3A_427 : i32 to vector<16xi32>
        %shift_right_logical3A_429 = arith.shrui %get3A_426, %shift_right_logical3A_428 : vector<16xi32>
        %swap3A_430 = arith.constant 16 : index
        %swap3A_431 = tpu.vector_load %arg7[%swap3A_430] {strides = array<i32>} : memref<128xi32, #tpu.memory_space<vmem>>, vector<16xi32>,
        %swap3A_432 = vector.shape_cast %swap3A_431 : vector<16xi32> to vector<16xi32>
        %swap3A_433 = vector.shape_cast %shift_right_logical3A_429 : vector<16xi32> to vector<16xi32>
        tpu.vector_store %arg7[%swap3A_430], %swap3A_433 {strides = array<i32>} : memref<128xi32, #tpu.memory_space<vmem>>, vector<16xi32>,
        %get3A_434 = arith.index_cast %add3A_411 : i32 to index
        %get3A_435 = arith.constant 32 : index
        %get3A_436 = tpu.vector_load %arg6[%get3A_434, %get3A_435] {strides = array<i32>} : memref<80x128xi32, #tpu.memory_space<vmem>>, vector<1x16xi32>,
        %get3A_437 = vector.shape_cast %get3A_436 : vector<1x16xi32> to vector<16xi32>
        %shift_right_logical3A_438 = arith.constant 14 : i32
        %shift_right_logical3A_439 = vector.broadcast %shift_right_logical3A_438 : i32 to vector<16xi32>
        %shift_right_logical3A_440 = arith.shrui %get3A_437, %shift_right_logical3A_439 : vector<16xi32>
        %swap3A_441 = arith.constant 32 : index
        %swap3A_442 = tpu.vector_load %arg7[%swap3A_441] {strides = array<i32>} : memref<128xi32, #tpu.memory_space<vmem>>, vector<16xi32>,
        %swap3A_443 = vector.shape_cast %swap3A_442 : vector<16xi32> to vector<16xi32>
        %swap3A_444 = vector.shape_cast %shift_right_logical3A_440 : vector<16xi32> to vector<16xi32>
        tpu.vector_store %arg7[%swap3A_441], %swap3A_444 {strides = array<i32>} : memref<128xi32, #tpu.memory_space<vmem>>, vector<16xi32>,
        %get3A_445 = arith.index_cast %add3A_411 : i32 to index
        %get3A_446 = arith.constant 48 : index
        %get3A_447 = tpu.vector_load %arg6[%get3A_445, %get3A_446] {strides = array<i32>} : memref<80x128xi32, #tpu.memory_space<vmem>>, vector<1x16xi32>,
        %get3A_448 = vector.shape_cast %get3A_447 : vector<1x16xi32> to vector<16xi32>
        %shift_right_logical3A_449 = arith.constant 14 : i32
        %shift_right_logical3A_450 = vector.broadcast %shift_right_logical3A_449 : i32 to vector<16xi32>
        %shift_right_logical3A_451 = arith.shrui %get3A_448, %shift_right_logical3A_450 : vector<16xi32>
        %swap3A_452 = arith.constant 48 : index
        %swap3A_453 = tpu.vector_load %arg7[%swap3A_452] {strides = array<i32>} : memref<128xi32, #tpu.memory_space<vmem>>, vector<16xi32>,
        %swap3A_454 = vector.shape_cast %swap3A_453 : vector<16xi32> to vector<16xi32>
        %swap3A_455 = vector.shape_cast %shift_right_logical3A_451 : vector<16xi32> to vector<16xi32>
        tpu.vector_store %arg7[%swap3A_452], %swap3A_455 {strides = array<i32>} : memref<128xi32, #tpu.memory_space<vmem>>, vector<16xi32>,
        %get3A_456 = arith.index_cast %add3A_411 : i32 to index
        %get3A_457 = arith.constant 64 : index
        %get3A_458 = tpu.vector_load %arg6[%get3A_456, %get3A_457] {strides = array<i32>} : memref<80x128xi32, #tpu.memory_space<vmem>>, vector<1x16xi32>,
        %get3A_459 = vector.shape_cast %get3A_458 : vector<1x16xi32> to vector<16xi32>
        %shift_right_logical3A_460 = arith.constant 14 : i32
        %shift_right_logical3A_461 = vector.broadcast %shift_right_logical3A_460 : i32 to vector<16xi32>
        %shift_right_logical3A_462 = arith.shrui %get3A_459, %shift_right_logical3A_461 : vector<16xi32>
        %swap3A_463 = arith.constant 64 : index
        %swap3A_464 = tpu.vector_load %arg7[%swap3A_463] {strides = array<i32>} : memref<128xi32, #tpu.memory_space<vmem>>, vector<16xi32>,
        %swap3A_465 = vector.shape_cast %swap3A_464 : vector<16xi32> to vector<16xi32>
        %swap3A_466 = vector.shape_cast %shift_right_logical3A_462 : vector<16xi32> to vector<16xi32>
        tpu.vector_store %arg7[%swap3A_463], %swap3A_466 {strides = array<i32>} : memref<128xi32, #tpu.memory_space<vmem>>, vector<16xi32>,
        %get3A_467 = arith.index_cast %add3A_411 : i32 to index
        %get3A_468 = arith.constant 80 : index
        %get3A_469 = tpu.vector_load %arg6[%get3A_467, %get3A_468] {strides = array<i32>} : memref<80x128xi32, #tpu.memory_space<vmem>>, vector<1x16xi32>,
        %get3A_470 = vector.shape_cast %get3A_469 : vector<1x16xi32> to vector<16xi32>
        %shift_right_logical3A_471 = arith.constant 14 : i32
        %shift_right_logical3A_472 = vector.broadcast %shift_right_logical3A_471 : i32 to vector<16xi32>
        %shift_right_logical3A_473 = arith.shrui %get3A_470, %shift_right_logical3A_472 : vector<16xi32>
        %swap3A_474 = arith.constant 80 : index
        %swap3A_475 = tpu.vector_load %arg7[%swap3A_474] {strides = array<i32>} : memref<128xi32, #tpu.memory_space<vmem>>, vector<16xi32>,
        %swap3A_476 = vector.shape_cast %swap3A_475 : vector<16xi32> to vector<16xi32>
        %swap3A_477 = vector.shape_cast %shift_right_logical3A_473 : vector<16xi32> to vector<16xi32>
        tpu.vector_store %arg7[%swap3A_474], %swap3A_477 {strides = array<i32>} : memref<128xi32, #tpu.memory_space<vmem>>, vector<16xi32>,
        %get3A_478 = arith.index_cast %add3A_411 : i32 to index
        %get3A_479 = arith.constant 96 : index
        %get3A_480 = tpu.vector_load %arg6[%get3A_478, %get3A_479] {strides = array<i32>} : memref<80x128xi32, #tpu.memory_space<vmem>>, vector<1x16xi32>,
        %get3A_481 = vector.shape_cast %get3A_480 : vector<1x16xi32> to vector<16xi32>
        %shift_right_logical3A_482 = arith.constant 14 : i32
        %shift_right_logical3A_483 = vector.broadcast %shift_right_logical3A_482 : i32 to vector<16xi32>
        %shift_right_logical3A_484 = arith.shrui %get3A_481, %shift_right_logical3A_483 : vector<16xi32>
        %swap3A_485 = arith.constant 96 : index
        %swap3A_486 = tpu.vector_load %arg7[%swap3A_485] {strides = array<i32>} : memref<128xi32, #tpu.memory_space<vmem>>, vector<16xi32>,
        %swap3A_487 = vector.shape_cast %swap3A_486 : vector<16xi32> to vector<16xi32>
        %swap3A_488 = vector.shape_cast %shift_right_logical3A_484 : vector<16xi32> to vector<16xi32>
        tpu.vector_store %arg7[%swap3A_485], %swap3A_488 {strides = array<i32>} : memref<128xi32, #tpu.memory_space<vmem>>, vector<16xi32>,
        %get3A_489 = arith.index_cast %add3A_411 : i32 to index
        %get3A_490 = arith.constant 112 : index
        %get3A_491 = tpu.vector_load %arg6[%get3A_489, %get3A_490] {strides = array<i32>} : memref<80x128xi32, #tpu.memory_space<vmem>>, vector<1x16xi32>,
        %get3A_492 = vector.shape_cast %get3A_491 : vector<1x16xi32> to vector<16xi32>
        %shift_right_logical3A_493 = arith.constant 14 : i32
        %shift_right_logical3A_494 = vector.broadcast %shift_right_logical3A_493 : i32 to vector<16xi32>
        %shift_right_logical3A_495 = arith.shrui %get3A_492, %shift_right_logical3A_494 : vector<16xi32>
        %swap3A_496 = arith.constant 112 : index
        %swap3A_497 = tpu.vector_load %arg7[%swap3A_496] {strides = array<i32>} : memref<128xi32, #tpu.memory_space<vmem>>, vector<16xi32>,
        %swap3A_498 = vector.shape_cast %swap3A_497 : vector<16xi32> to vector<16xi32>
        %swap3A_499 = vector.shape_cast %shift_right_logical3A_495 : vector<16xi32> to vector<16xi32>
        tpu.vector_store %arg7[%swap3A_496], %swap3A_499 {strides = array<i32>} : memref<128xi32, #tpu.memory_space<vmem>>, vector<16xi32>,
        %dma_start3A_500 = arith.constant 0 : i32
        %dma_start3A_501 = arith.constant 0 : i32
        %dma_start3A_502 = tpu.memref_slice %arg2[%dma_start3A_500, %dma_start3A_501] : memref<10000x128xf32, #tpu.memory_space<hbm>> -> memref<10000x128xf32, #tpu.memory_space<hbm>>
        tpu.enqueue_indirect_dma source(%dma_start3A_502 : memref<10000x128xf32, #tpu.memory_space<hbm>>) target(%arg10 : memref<128x128xf32, #tpu.memory_space<vmem>>) offsets(%arg7 : memref<128xi32, #tpu.memory_space<vmem>>) semaphore(%arg13 : memref<!tpu.dma_semaphore, #tpu.memory_space<semaphore_mem>>)
      } else {
      }
      %dma_wait3A_310 = arith.constant 0 : i32
      %dma_wait3A_311 = arith.constant 0 : i32
      %dma_wait3A_312 = tpu.memref_slice %arg2[%dma_wait3A_310, %dma_wait3A_311] : memref<10000x128xf32, #tpu.memory_space<hbm>> -> memref<10000x128xf32, #tpu.memory_space<hbm>>
      tpu.wait_indirect_dma semaphore(%arg14 : memref<!tpu.dma_semaphore, #tpu.memory_space<semaphore_mem>>) src(%dma_wait3A_312 : memref<10000x128xf32, #tpu.memory_space<hbm>>) dst(%arg11 : memref<128x128xf32, #tpu.memory_space<vmem>>)
      %add3A_313 = arith.constant 1 : i32
      %add3A_314 = arith.addi %mul3A_216, %add3A_313 : i32
      %get3A_315 = arith.index_cast %add3A_314 : i32 to index
      %get3A_316 = arith.constant 0 : index
      %get3A_317 = tpu.vector_load %arg6[%get3A_315, %get3A_316] {strides = array<i32>} : memref<80x128xi32, #tpu.memory_space<vmem>>, vector<1x16xi32>,
      %get3A_318 = vector.shape_cast %get3A_317 : vector<1x16xi32> to vector<16xi32>
      %and3A_319 = arith.constant 16383 : i32
      %and3A_320 = vector.broadcast %and3A_319 : i32 to vector<16xi32>
      %and3A_321 = arith.andi %get3A_318, %and3A_320 : vector<16xi32>
      %swap3A_322 = arith.constant 0 : index
      %swap3A_323 = tpu.vector_load %arg9[%swap3A_322] {strides = array<i32>} : memref<128xi32, #tpu.memory_space<vmem>>, vector<16xi32>,
      %swap3A_324 = vector.shape_cast %swap3A_323 : vector<16xi32> to vector<16xi32>
      %swap3A_325 = vector.shape_cast %and3A_321 : vector<16xi32> to vector<16xi32>
      tpu.vector_store %arg9[%swap3A_322], %swap3A_325 {strides = array<i32>} : memref<128xi32, #tpu.memory_space<vmem>>, vector<16xi32>,
      %get3A_326 = arith.index_cast %add3A_314 : i32 to index
      %get3A_327 = arith.constant 16 : index
      %get3A_328 = tpu.vector_load %arg6[%get3A_326, %get3A_327] {strides = array<i32>} : memref<80x128xi32, #tpu.memory_space<vmem>>, vector<1x16xi32>,
      %get3A_329 = vector.shape_cast %get3A_328 : vector<1x16xi32> to vector<16xi32>
      %and3A_330 = arith.constant 16383 : i32
      %and3A_331 = vector.broadcast %and3A_330 : i32 to vector<16xi32>
      %and3A_332 = arith.andi %get3A_329, %and3A_331 : vector<16xi32>
      %swap3A_333 = arith.constant 16 : index
      %swap3A_334 = tpu.vector_load %arg9[%swap3A_333] {strides = array<i32>} : memref<128xi32, #tpu.memory_space<vmem>>, vector<16xi32>,
      %swap3A_335 = vector.shape_cast %swap3A_334 : vector<16xi32> to vector<16xi32>
      %swap3A_336 = vector.shape_cast %and3A_332 : vector<16xi32> to vector<16xi32>
      tpu.vector_store %arg9[%swap3A_333], %swap3A_336 {strides = array<i32>} : memref<128xi32, #tpu.memory_space<vmem>>, vector<16xi32>,
      %get3A_337 = arith.index_cast %add3A_314 : i32 to index
      %get3A_338 = arith.constant 32 : index
      %get3A_339 = tpu.vector_load %arg6[%get3A_337, %get3A_338] {strides = array<i32>} : memref<80x128xi32, #tpu.memory_space<vmem>>, vector<1x16xi32>,
      %get3A_340 = vector.shape_cast %get3A_339 : vector<1x16xi32> to vector<16xi32>
      %and3A_341 = arith.constant 16383 : i32
      %and3A_342 = vector.broadcast %and3A_341 : i32 to vector<16xi32>
      %and3A_343 = arith.andi %get3A_340, %and3A_342 : vector<16xi32>
      %swap3A_344 = arith.constant 32 : index
      %swap3A_345 = tpu.vector_load %arg9[%swap3A_344] {strides = array<i32>} : memref<128xi32, #tpu.memory_space<vmem>>, vector<16xi32>,
      %swap3A_346 = vector.shape_cast %swap3A_345 : vector<16xi32> to vector<16xi32>
      %swap3A_347 = vector.shape_cast %and3A_343 : vector<16xi32> to vector<16xi32>
      tpu.vector_store %arg9[%swap3A_344], %swap3A_347 {strides = array<i32>} : memref<128xi32, #tpu.memory_space<vmem>>, vector<16xi32>,
      %get3A_348 = arith.index_cast %add3A_314 : i32 to index
      %get3A_349 = arith.constant 48 : index
      %get3A_350 = tpu.vector_load %arg6[%get3A_348, %get3A_349] {strides = array<i32>} : memref<80x128xi32, #tpu.memory_space<vmem>>, vector<1x16xi32>,
      %get3A_351 = vector.shape_cast %get3A_350 : vector<1x16xi32> to vector<16xi32>
      %and3A_352 = arith.constant 16383 : i32
      %and3A_353 = vector.broadcast %and3A_352 : i32 to vector<16xi32>
      %and3A_354 = arith.andi %get3A_351, %and3A_353 : vector<16xi32>
      %swap3A_355 = arith.constant 48 : index
      %swap3A_356 = tpu.vector_load %arg9[%swap3A_355] {strides = array<i32>} : memref<128xi32, #tpu.memory_space<vmem>>, vector<16xi32>,
      %swap3A_357 = vector.shape_cast %swap3A_356 : vector<16xi32> to vector<16xi32>
      %swap3A_358 = vector.shape_cast %and3A_354 : vector<16xi32> to vector<16xi32>
      tpu.vector_store %arg9[%swap3A_355], %swap3A_358 {strides = array<i32>} : memref<128xi32, #tpu.memory_space<vmem>>, vector<16xi32>,
      %get3A_359 = arith.index_cast %add3A_314 : i32 to index
      %get3A_360 = arith.constant 64 : index
      %get3A_361 = tpu.vector_load %arg6[%get3A_359, %get3A_360] {strides = array<i32>} : memref<80x128xi32, #tpu.memory_space<vmem>>, vector<1x16xi32>,
      %get3A_362 = vector.shape_cast %get3A_361 : vector<1x16xi32> to vector<16xi32>
      %and3A_363 = arith.constant 16383 : i32
      %and3A_364 = vector.broadcast %and3A_363 : i32 to vector<16xi32>
      %and3A_365 = arith.andi %get3A_362, %and3A_364 : vector<16xi32>
      %swap3A_366 = arith.constant 64 : index
      %swap3A_367 = tpu.vector_load %arg9[%swap3A_366] {strides = array<i32>} : memref<128xi32, #tpu.memory_space<vmem>>, vector<16xi32>,
      %swap3A_368 = vector.shape_cast %swap3A_367 : vector<16xi32> to vector<16xi32>
      %swap3A_369 = vector.shape_cast %and3A_365 : vector<16xi32> to vector<16xi32>
      tpu.vector_store %arg9[%swap3A_366], %swap3A_369 {strides = array<i32>} : memref<128xi32, #tpu.memory_space<vmem>>, vector<16xi32>,
      %get3A_370 = arith.index_cast %add3A_314 : i32 to index
      %get3A_371 = arith.constant 80 : index
      %get3A_372 = tpu.vector_load %arg6[%get3A_370, %get3A_371] {strides = array<i32>} : memref<80x128xi32, #tpu.memory_space<vmem>>, vector<1x16xi32>,
      %get3A_373 = vector.shape_cast %get3A_372 : vector<1x16xi32> to vector<16xi32>
      %and3A_374 = arith.constant 16383 : i32
      %and3A_375 = vector.broadcast %and3A_374 : i32 to vector<16xi32>
      %and3A_376 = arith.andi %get3A_373, %and3A_375 : vector<16xi32>
      %swap3A_377 = arith.constant 80 : index
      %swap3A_378 = tpu.vector_load %arg9[%swap3A_377] {strides = array<i32>} : memref<128xi32, #tpu.memory_space<vmem>>, vector<16xi32>,
      %swap3A_379 = vector.shape_cast %swap3A_378 : vector<16xi32> to vector<16xi32>
      %swap3A_380 = vector.shape_cast %and3A_376 : vector<16xi32> to vector<16xi32>
      tpu.vector_store %arg9[%swap3A_377], %swap3A_380 {strides = array<i32>} : memref<128xi32, #tpu.memory_space<vmem>>, vector<16xi32>,
      %get3A_381 = arith.index_cast %add3A_314 : i32 to index
      %get3A_382 = arith.constant 96 : index
      %get3A_383 = tpu.vector_load %arg6[%get3A_381, %get3A_382] {strides = array<i32>} : memref<80x128xi32, #tpu.memory_space<vmem>>, vector<1x16xi32>,
      %get3A_384 = vector.shape_cast %get3A_383 : vector<1x16xi32> to vector<16xi32>
      %and3A_385 = arith.constant 16383 : i32
      %and3A_386 = vector.broadcast %and3A_385 : i32 to vector<16xi32>
      %and3A_387 = arith.andi %get3A_384, %and3A_386 : vector<16xi32>
      %swap3A_388 = arith.constant 96 : index
      %swap3A_389 = tpu.vector_load %arg9[%swap3A_388] {strides = array<i32>} : memref<128xi32, #tpu.memory_space<vmem>>, vector<16xi32>,
      %swap3A_390 = vector.shape_cast %swap3A_389 : vector<16xi32> to vector<16xi32>
      %swap3A_391 = vector.shape_cast %and3A_387 : vector<16xi32> to vector<16xi32>
      tpu.vector_store %arg9[%swap3A_388], %swap3A_391 {strides = array<i32>} : memref<128xi32, #tpu.memory_space<vmem>>, vector<16xi32>,
      %get3A_392 = arith.index_cast %add3A_314 : i32 to index
      %get3A_393 = arith.constant 112 : index
      %get3A_394 = tpu.vector_load %arg6[%get3A_392, %get3A_393] {strides = array<i32>} : memref<80x128xi32, #tpu.memory_space<vmem>>, vector<1x16xi32>,
      %get3A_395 = vector.shape_cast %get3A_394 : vector<1x16xi32> to vector<16xi32>
      %and3A_396 = arith.constant 16383 : i32
      %and3A_397 = vector.broadcast %and3A_396 : i32 to vector<16xi32>
      %and3A_398 = arith.andi %get3A_395, %and3A_397 : vector<16xi32>
      %swap3A_399 = arith.constant 112 : index
      %swap3A_400 = tpu.vector_load %arg9[%swap3A_399] {strides = array<i32>} : memref<128xi32, #tpu.memory_space<vmem>>, vector<16xi32>,
      %swap3A_401 = vector.shape_cast %swap3A_400 : vector<16xi32> to vector<16xi32>
      %swap3A_402 = vector.shape_cast %and3A_398 : vector<16xi32> to vector<16xi32>
      tpu.vector_store %arg9[%swap3A_399], %swap3A_402 {strides = array<i32>} : memref<128xi32, #tpu.memory_space<vmem>>, vector<16xi32>,
      "tpu.region"() ({
        %run_scoped3A = tpu.sem_alloc : memref<!tpu.dma_semaphore, #tpu.memory_space<semaphore_mem>>
        %dma_start3A_410 = arith.constant 0 : i32
        %dma_start3A_411 = arith.constant 0 : i32
        %dma_start3A_412 = tpu.memref_slice %arg12[%dma_start3A_410, %dma_start3A_411] : memref<10112x128xf32, #tpu.memory_space<vmem_shared>> -> memref<10112x128xf32, #tpu.memory_space<vmem_shared>>
        tpu.enqueue_indirect_dma source(%arg11 : memref<128x128xf32, #tpu.memory_space<vmem>>) target(%dma_start3A_412 : memref<10112x128xf32, #tpu.memory_space<vmem_shared>>) offsets(%arg9 : memref<128xi32, #tpu.memory_space<vmem>>) semaphore(%run_scoped3A : memref<!tpu.dma_semaphore, #tpu.memory_space<semaphore_mem>>) {add = true}
        %dma_wait3A_413 = arith.constant 0 : i32
        %dma_wait3A_414 = arith.constant 0 : i32
        %dma_wait3A_415 = tpu.memref_slice %arg12[%dma_wait3A_413, %dma_wait3A_414] : memref<10112x128xf32, #tpu.memory_space<vmem_shared>> -> memref<10112x128xf32, #tpu.memory_space<vmem_shared>>
        tpu.wait_indirect_dma semaphore(%run_scoped3A : memref<!tpu.dma_semaphore, #tpu.memory_space<semaphore_mem>>) src(%arg11 : memref<128x128xf32, #tpu.memory_space<vmem>>) dst(%dma_wait3A_415 : memref<10112x128xf32, #tpu.memory_space<vmem_shared>>)
        tpu.yield
      }) : () -> ()
      %add3A_403 = arith.constant 3 : i32
      %add3A_404 = arith.addi %mul3A_216, %add3A_403 : i32
      %lt3A_405 = arith.constant 80 : i32
      %lt3A_406 = arith.cmpi slt, %add3A_404, %lt3A_405 : i32
      %convert_element_type3A_407 = arith.extui %lt3A_406 : i1 to i32
      %cond3A_408 = arith.constant 0 : i32
      %cond3A_409 = arith.cmpi ne, %convert_element_type3A_407, %cond3A_408 : i32
      scf.if %cond3A_409 {
        %add3A_410 = arith.constant 3 : i32
        %add3A_411 = arith.addi %mul3A_216, %add3A_410 : i32
        %get3A_412 = arith.index_cast %add3A_411 : i32 to index
        %get3A_413 = arith.constant 0 : index
        %get3A_414 = tpu.vector_load %arg6[%get3A_412, %get3A_413] {strides = array<i32>} : memref<80x128xi32, #tpu.memory_space<vmem>>, vector<1x16xi32>,
        %get3A_415 = vector.shape_cast %get3A_414 : vector<1x16xi32> to vector<16xi32>
        %shift_right_logical3A_416 = arith.constant 14 : i32
        %shift_right_logical3A_417 = vector.broadcast %shift_right_logical3A_416 : i32 to vector<16xi32>
        %shift_right_logical3A_418 = arith.shrui %get3A_415, %shift_right_logical3A_417 : vector<16xi32>
        %swap3A_419 = arith.constant 0 : index
        %swap3A_420 = tpu.vector_load %arg8[%swap3A_419] {strides = array<i32>} : memref<128xi32, #tpu.memory_space<vmem>>, vector<16xi32>,
        %swap3A_421 = vector.shape_cast %swap3A_420 : vector<16xi32> to vector<16xi32>
        %swap3A_422 = vector.shape_cast %shift_right_logical3A_418 : vector<16xi32> to vector<16xi32>
        tpu.vector_store %arg8[%swap3A_419], %swap3A_422 {strides = array<i32>} : memref<128xi32, #tpu.memory_space<vmem>>, vector<16xi32>,
        %get3A_423 = arith.index_cast %add3A_411 : i32 to index
        %get3A_424 = arith.constant 16 : index
        %get3A_425 = tpu.vector_load %arg6[%get3A_423, %get3A_424] {strides = array<i32>} : memref<80x128xi32, #tpu.memory_space<vmem>>, vector<1x16xi32>,
        %get3A_426 = vector.shape_cast %get3A_425 : vector<1x16xi32> to vector<16xi32>
        %shift_right_logical3A_427 = arith.constant 14 : i32
        %shift_right_logical3A_428 = vector.broadcast %shift_right_logical3A_427 : i32 to vector<16xi32>
        %shift_right_logical3A_429 = arith.shrui %get3A_426, %shift_right_logical3A_428 : vector<16xi32>
        %swap3A_430 = arith.constant 16 : index
        %swap3A_431 = tpu.vector_load %arg8[%swap3A_430] {strides = array<i32>} : memref<128xi32, #tpu.memory_space<vmem>>, vector<16xi32>,
        %swap3A_432 = vector.shape_cast %swap3A_431 : vector<16xi32> to vector<16xi32>
        %swap3A_433 = vector.shape_cast %shift_right_logical3A_429 : vector<16xi32> to vector<16xi32>
        tpu.vector_store %arg8[%swap3A_430], %swap3A_433 {strides = array<i32>} : memref<128xi32, #tpu.memory_space<vmem>>, vector<16xi32>,
        %get3A_434 = arith.index_cast %add3A_411 : i32 to index
        %get3A_435 = arith.constant 32 : index
        %get3A_436 = tpu.vector_load %arg6[%get3A_434, %get3A_435] {strides = array<i32>} : memref<80x128xi32, #tpu.memory_space<vmem>>, vector<1x16xi32>,
        %get3A_437 = vector.shape_cast %get3A_436 : vector<1x16xi32> to vector<16xi32>
        %shift_right_logical3A_438 = arith.constant 14 : i32
        %shift_right_logical3A_439 = vector.broadcast %shift_right_logical3A_438 : i32 to vector<16xi32>
        %shift_right_logical3A_440 = arith.shrui %get3A_437, %shift_right_logical3A_439 : vector<16xi32>
        %swap3A_441 = arith.constant 32 : index
        %swap3A_442 = tpu.vector_load %arg8[%swap3A_441] {strides = array<i32>} : memref<128xi32, #tpu.memory_space<vmem>>, vector<16xi32>,
        %swap3A_443 = vector.shape_cast %swap3A_442 : vector<16xi32> to vector<16xi32>
        %swap3A_444 = vector.shape_cast %shift_right_logical3A_440 : vector<16xi32> to vector<16xi32>
        tpu.vector_store %arg8[%swap3A_441], %swap3A_444 {strides = array<i32>} : memref<128xi32, #tpu.memory_space<vmem>>, vector<16xi32>,
        %get3A_445 = arith.index_cast %add3A_411 : i32 to index
        %get3A_446 = arith.constant 48 : index
        %get3A_447 = tpu.vector_load %arg6[%get3A_445, %get3A_446] {strides = array<i32>} : memref<80x128xi32, #tpu.memory_space<vmem>>, vector<1x16xi32>,
        %get3A_448 = vector.shape_cast %get3A_447 : vector<1x16xi32> to vector<16xi32>
        %shift_right_logical3A_449 = arith.constant 14 : i32
        %shift_right_logical3A_450 = vector.broadcast %shift_right_logical3A_449 : i32 to vector<16xi32>
        %shift_right_logical3A_451 = arith.shrui %get3A_448, %shift_right_logical3A_450 : vector<16xi32>
        %swap3A_452 = arith.constant 48 : index
        %swap3A_453 = tpu.vector_load %arg8[%swap3A_452] {strides = array<i32>} : memref<128xi32, #tpu.memory_space<vmem>>, vector<16xi32>,
        %swap3A_454 = vector.shape_cast %swap3A_453 : vector<16xi32> to vector<16xi32>
        %swap3A_455 = vector.shape_cast %shift_right_logical3A_451 : vector<16xi32> to vector<16xi32>
        tpu.vector_store %arg8[%swap3A_452], %swap3A_455 {strides = array<i32>} : memref<128xi32, #tpu.memory_space<vmem>>, vector<16xi32>,
        %get3A_456 = arith.index_cast %add3A_411 : i32 to index
        %get3A_457 = arith.constant 64 : index
        %get3A_458 = tpu.vector_load %arg6[%get3A_456, %get3A_457] {strides = array<i32>} : memref<80x128xi32, #tpu.memory_space<vmem>>, vector<1x16xi32>,
        %get3A_459 = vector.shape_cast %get3A_458 : vector<1x16xi32> to vector<16xi32>
        %shift_right_logical3A_460 = arith.constant 14 : i32
        %shift_right_logical3A_461 = vector.broadcast %shift_right_logical3A_460 : i32 to vector<16xi32>
        %shift_right_logical3A_462 = arith.shrui %get3A_459, %shift_right_logical3A_461 : vector<16xi32>
        %swap3A_463 = arith.constant 64 : index
        %swap3A_464 = tpu.vector_load %arg8[%swap3A_463] {strides = array<i32>} : memref<128xi32, #tpu.memory_space<vmem>>, vector<16xi32>,
        %swap3A_465 = vector.shape_cast %swap3A_464 : vector<16xi32> to vector<16xi32>
        %swap3A_466 = vector.shape_cast %shift_right_logical3A_462 : vector<16xi32> to vector<16xi32>
        tpu.vector_store %arg8[%swap3A_463], %swap3A_466 {strides = array<i32>} : memref<128xi32, #tpu.memory_space<vmem>>, vector<16xi32>,
        %get3A_467 = arith.index_cast %add3A_411 : i32 to index
        %get3A_468 = arith.constant 80 : index
        %get3A_469 = tpu.vector_load %arg6[%get3A_467, %get3A_468] {strides = array<i32>} : memref<80x128xi32, #tpu.memory_space<vmem>>, vector<1x16xi32>,
        %get3A_470 = vector.shape_cast %get3A_469 : vector<1x16xi32> to vector<16xi32>
        %shift_right_logical3A_471 = arith.constant 14 : i32
        %shift_right_logical3A_472 = vector.broadcast %shift_right_logical3A_471 : i32 to vector<16xi32>
        %shift_right_logical3A_473 = arith.shrui %get3A_470, %shift_right_logical3A_472 : vector<16xi32>
        %swap3A_474 = arith.constant 80 : index
        %swap3A_475 = tpu.vector_load %arg8[%swap3A_474] {strides = array<i32>} : memref<128xi32, #tpu.memory_space<vmem>>, vector<16xi32>,
        %swap3A_476 = vector.shape_cast %swap3A_475 : vector<16xi32> to vector<16xi32>
        %swap3A_477 = vector.shape_cast %shift_right_logical3A_473 : vector<16xi32> to vector<16xi32>
        tpu.vector_store %arg8[%swap3A_474], %swap3A_477 {strides = array<i32>} : memref<128xi32, #tpu.memory_space<vmem>>, vector<16xi32>,
        %get3A_478 = arith.index_cast %add3A_411 : i32 to index
        %get3A_479 = arith.constant 96 : index
        %get3A_480 = tpu.vector_load %arg6[%get3A_478, %get3A_479] {strides = array<i32>} : memref<80x128xi32, #tpu.memory_space<vmem>>, vector<1x16xi32>,
        %get3A_481 = vector.shape_cast %get3A_480 : vector<1x16xi32> to vector<16xi32>
        %shift_right_logical3A_482 = arith.constant 14 : i32
        %shift_right_logical3A_483 = vector.broadcast %shift_right_logical3A_482 : i32 to vector<16xi32>
        %shift_right_logical3A_484 = arith.shrui %get3A_481, %shift_right_logical3A_483 : vector<16xi32>
        %swap3A_485 = arith.constant 96 : index
        %swap3A_486 = tpu.vector_load %arg8[%swap3A_485] {strides = array<i32>} : memref<128xi32, #tpu.memory_space<vmem>>, vector<16xi32>,
        %swap3A_487 = vector.shape_cast %swap3A_486 : vector<16xi32> to vector<16xi32>
        %swap3A_488 = vector.shape_cast %shift_right_logical3A_484 : vector<16xi32> to vector<16xi32>
        tpu.vector_store %arg8[%swap3A_485], %swap3A_488 {strides = array<i32>} : memref<128xi32, #tpu.memory_space<vmem>>, vector<16xi32>,
        %get3A_489 = arith.index_cast %add3A_411 : i32 to index
        %get3A_490 = arith.constant 112 : index
        %get3A_491 = tpu.vector_load %arg6[%get3A_489, %get3A_490] {strides = array<i32>} : memref<80x128xi32, #tpu.memory_space<vmem>>, vector<1x16xi32>,
        %get3A_492 = vector.shape_cast %get3A_491 : vector<1x16xi32> to vector<16xi32>
        %shift_right_logical3A_493 = arith.constant 14 : i32
        %shift_right_logical3A_494 = vector.broadcast %shift_right_logical3A_493 : i32 to vector<16xi32>
        %shift_right_logical3A_495 = arith.shrui %get3A_492, %shift_right_logical3A_494 : vector<16xi32>
        %swap3A_496 = arith.constant 112 : index
        %swap3A_497 = tpu.vector_load %arg8[%swap3A_496] {strides = array<i32>} : memref<128xi32, #tpu.memory_space<vmem>>, vector<16xi32>,
        %swap3A_498 = vector.shape_cast %swap3A_497 : vector<16xi32> to vector<16xi32>
        %swap3A_499 = vector.shape_cast %shift_right_logical3A_495 : vector<16xi32> to vector<16xi32>
        tpu.vector_store %arg8[%swap3A_496], %swap3A_499 {strides = array<i32>} : memref<128xi32, #tpu.memory_space<vmem>>, vector<16xi32>,
        %dma_start3A_500 = arith.constant 0 : i32
        %dma_start3A_501 = arith.constant 0 : i32
        %dma_start3A_502 = tpu.memref_slice %arg2[%dma_start3A_500, %dma_start3A_501] : memref<10000x128xf32, #tpu.memory_space<hbm>> -> memref<10000x128xf32, #tpu.memory_space<hbm>>
        tpu.enqueue_indirect_dma source(%dma_start3A_502 : memref<10000x128xf32, #tpu.memory_space<hbm>>) target(%arg11 : memref<128x128xf32, #tpu.memory_space<vmem>>) offsets(%arg8 : memref<128xi32, #tpu.memory_space<vmem>>) semaphore(%arg14 : memref<!tpu.dma_semaphore, #tpu.memory_space<semaphore_mem>>)
      } else {
      }
    }
    %scan3A_204 = arith.constant 40 : i32
    %barrier3A_205 = arith.constant 0 : index
    tpu.barrier barrier_id(%barrier3A_205)
    %mul3A_206 = arith.constant 632 : i32
    %mul3A_207 = arith.muli %arg1, %mul3A_206 : i32
    %mul3A_208 = arith.constant 632 : i32
    %mul3A_209 = arith.muli %arg1, %mul3A_208 : i32
    "tpu.region"() ({
      %run_scoped3A = tpu.sem_alloc : memref<!tpu.dma_semaphore, #tpu.memory_space<semaphore_mem>>
      %dma_start3A_210 = arith.constant 0 : i32
      %dma_start3A_211 = tpu.memref_slice %arg5[%arg0, %mul3A_209, %dma_start3A_210] : memref<2x10112x128xf32, #tpu.memory_space<hbm>> -> memref<1x632x128xf32, #tpu.memory_space<hbm>>
      %dma_start3A_212 = tpu.memref_squeeze %dma_start3A_211 : memref<1x632x128xf32, #tpu.memory_space<hbm>> -> memref<632x128xf32, #tpu.memory_space<hbm>>
      %dma_start3A_213 = arith.constant 0 : i32
      %dma_start3A_214 = tpu.memref_slice %arg12[%mul3A_207, %dma_start3A_213] : memref<10112x128xf32, #tpu.memory_space<vmem_shared>> -> memref<632x128xf32, #tpu.memory_space<vmem_shared>>
      tpu.enqueue_dma source(%dma_start3A_214 : memref<632x128xf32, #tpu.memory_space<vmem_shared>>) target(%dma_start3A_212 : memref<632x128xf32, #tpu.memory_space<hbm>>) target_semaphore(%run_scoped3A : memref<!tpu.dma_semaphore, #tpu.memory_space<semaphore_mem>>)
      %dma_wait3A = arith.constant 0 : i32
      %dma_wait3A_215 = tpu.memref_slice %arg5[%arg0, %mul3A_209, %dma_wait3A] : memref<2x10112x128xf32, #tpu.memory_space<hbm>> -> memref<1x632x128xf32, #tpu.memory_space<hbm>>
      %dma_wait3A_216 = tpu.memref_squeeze %dma_wait3A_215 : memref<1x632x128xf32, #tpu.memory_space<hbm>> -> memref<632x128xf32, #tpu.memory_space<hbm>>
      %dma_wait3A_217 = arith.constant 0 : i32
      %dma_wait3A_218 = tpu.memref_slice %arg12[%mul3A_207, %dma_wait3A_217] : memref<10112x128xf32, #tpu.memory_space<vmem_shared>> -> memref<632x128xf32, #tpu.memory_space<vmem_shared>>
      tpu.wait_dma2 semaphore(%run_scoped3A : memref<!tpu.dma_semaphore, #tpu.memory_space<semaphore_mem>>) src(%dma_wait3A_218 : memref<632x128xf32, #tpu.memory_space<vmem_shared>>) dst(%dma_wait3A_216 : memref<632x128xf32, #tpu.memory_space<hbm>>)
      tpu.yield
    }) : () -> ()
    return
  }
}

#map = affine_map<(d0, d1) -> (0, 0)>
#map1 = affine_map<(d0, d1) -> (0)>
module attributes {stable_mosaic.version = 14 : i64} {
  func.func @_sc_deg_body(%arg0: i32, %arg1: i32, %arg2: memref<2560x128xi32, #tpu.memory_space<hbm>>, %arg3: memref<10112xf32, #tpu.memory_space<hbm>>, %arg4: memref<20224xf32, #tpu.memory_space<hbm>>, %arg5: memref<80x128xi32, #tpu.memory_space<vmem>>, %arg6: memref<128xf32, #tpu.memory_space<vmem>>, %arg7: memref<10112xf32, #tpu.memory_space<vmem_shared>>) attributes {dimension_semantics = [#tpu.dimension_semantics<core_parallel>, #tpu.dimension_semantics<subcore_parallel>], iteration_bounds = array<i64: 2, 16>, scalar_prefetch = 0 : i64, scratch_operands = 3 : i64, tpu.core_type = #tpu.core_type<sc_vector_subcore>, window_params = [{transform_indices = #map}, {transform_indices = #map1}, {transform_indices = #map1}]} {
    %mul3A = arith.constant 16 : i32
    %mul3A_0 = arith.muli %arg0, %mul3A : i32
    %add3A = arith.addi %mul3A_0, %arg1 : i32
    %broadcast_in_dim3A = arith.constant 1.000000e+00 : f32
    %broadcast_in_dim3A_1 = vector.broadcast %broadcast_in_dim3A : f32 to vector<16xf32>
    %swap3A = arith.constant 0 : index
    %swap3A_2 = tpu.vector_load %arg6[%swap3A] {strides = array<i32>} : memref<128xf32, #tpu.memory_space<vmem>>, vector<16xf32>,
    %swap3A_3 = vector.shape_cast %swap3A_2 : vector<16xf32> to vector<16xf32>
    %swap3A_4 = vector.shape_cast %broadcast_in_dim3A_1 : vector<16xf32> to vector<16xf32>
    tpu.vector_store %arg6[%swap3A], %swap3A_4 {strides = array<i32>} : memref<128xf32, #tpu.memory_space<vmem>>, vector<16xf32>,
    %broadcast_in_dim3A_5 = arith.constant 1.000000e+00 : f32
    %broadcast_in_dim3A_6 = vector.broadcast %broadcast_in_dim3A_5 : f32 to vector<16xf32>
    %swap3A_7 = arith.constant 16 : index
    %swap3A_8 = tpu.vector_load %arg6[%swap3A_7] {strides = array<i32>} : memref<128xf32, #tpu.memory_space<vmem>>, vector<16xf32>,
    %swap3A_9 = vector.shape_cast %swap3A_8 : vector<16xf32> to vector<16xf32>
    %swap3A_10 = vector.shape_cast %broadcast_in_dim3A_6 : vector<16xf32> to vector<16xf32>
    tpu.vector_store %arg6[%swap3A_7], %swap3A_10 {strides = array<i32>} : memref<128xf32, #tpu.memory_space<vmem>>, vector<16xf32>,
    %broadcast_in_dim3A_11 = arith.constant 1.000000e+00 : f32
    %broadcast_in_dim3A_12 = vector.broadcast %broadcast_in_dim3A_11 : f32 to vector<16xf32>
    %swap3A_13 = arith.constant 32 : index
    %swap3A_14 = tpu.vector_load %arg6[%swap3A_13] {strides = array<i32>} : memref<128xf32, #tpu.memory_space<vmem>>, vector<16xf32>,
    %swap3A_15 = vector.shape_cast %swap3A_14 : vector<16xf32> to vector<16xf32>
    %swap3A_16 = vector.shape_cast %broadcast_in_dim3A_12 : vector<16xf32> to vector<16xf32>
    tpu.vector_store %arg6[%swap3A_13], %swap3A_16 {strides = array<i32>} : memref<128xf32, #tpu.memory_space<vmem>>, vector<16xf32>,
    %broadcast_in_dim3A_17 = arith.constant 1.000000e+00 : f32
    %broadcast_in_dim3A_18 = vector.broadcast %broadcast_in_dim3A_17 : f32 to vector<16xf32>
    %swap3A_19 = arith.constant 48 : index
    %swap3A_20 = tpu.vector_load %arg6[%swap3A_19] {strides = array<i32>} : memref<128xf32, #tpu.memory_space<vmem>>, vector<16xf32>,
    %swap3A_21 = vector.shape_cast %swap3A_20 : vector<16xf32> to vector<16xf32>
    %swap3A_22 = vector.shape_cast %broadcast_in_dim3A_18 : vector<16xf32> to vector<16xf32>
    tpu.vector_store %arg6[%swap3A_19], %swap3A_22 {strides = array<i32>} : memref<128xf32, #tpu.memory_space<vmem>>, vector<16xf32>,
    %broadcast_in_dim3A_23 = arith.constant 1.000000e+00 : f32
    %broadcast_in_dim3A_24 = vector.broadcast %broadcast_in_dim3A_23 : f32 to vector<16xf32>
    %swap3A_25 = arith.constant 64 : index
    %swap3A_26 = tpu.vector_load %arg6[%swap3A_25] {strides = array<i32>} : memref<128xf32, #tpu.memory_space<vmem>>, vector<16xf32>,
    %swap3A_27 = vector.shape_cast %swap3A_26 : vector<16xf32> to vector<16xf32>
    %swap3A_28 = vector.shape_cast %broadcast_in_dim3A_24 : vector<16xf32> to vector<16xf32>
    tpu.vector_store %arg6[%swap3A_25], %swap3A_28 {strides = array<i32>} : memref<128xf32, #tpu.memory_space<vmem>>, vector<16xf32>,
    %broadcast_in_dim3A_29 = arith.constant 1.000000e+00 : f32
    %broadcast_in_dim3A_30 = vector.broadcast %broadcast_in_dim3A_29 : f32 to vector<16xf32>
    %swap3A_31 = arith.constant 80 : index
    %swap3A_32 = tpu.vector_load %arg6[%swap3A_31] {strides = array<i32>} : memref<128xf32, #tpu.memory_space<vmem>>, vector<16xf32>,
    %swap3A_33 = vector.shape_cast %swap3A_32 : vector<16xf32> to vector<16xf32>
    %swap3A_34 = vector.shape_cast %broadcast_in_dim3A_30 : vector<16xf32> to vector<16xf32>
    tpu.vector_store %arg6[%swap3A_31], %swap3A_34 {strides = array<i32>} : memref<128xf32, #tpu.memory_space<vmem>>, vector<16xf32>,
    %broadcast_in_dim3A_35 = arith.constant 1.000000e+00 : f32
    %broadcast_in_dim3A_36 = vector.broadcast %broadcast_in_dim3A_35 : f32 to vector<16xf32>
    %swap3A_37 = arith.constant 96 : index
    %swap3A_38 = tpu.vector_load %arg6[%swap3A_37] {strides = array<i32>} : memref<128xf32, #tpu.memory_space<vmem>>, vector<16xf32>,
    %swap3A_39 = vector.shape_cast %swap3A_38 : vector<16xf32> to vector<16xf32>
    %swap3A_40 = vector.shape_cast %broadcast_in_dim3A_36 : vector<16xf32> to vector<16xf32>
    tpu.vector_store %arg6[%swap3A_37], %swap3A_40 {strides = array<i32>} : memref<128xf32, #tpu.memory_space<vmem>>, vector<16xf32>,
    %broadcast_in_dim3A_41 = arith.constant 1.000000e+00 : f32
    %broadcast_in_dim3A_42 = vector.broadcast %broadcast_in_dim3A_41 : f32 to vector<16xf32>
    %swap3A_43 = arith.constant 112 : index
    %swap3A_44 = tpu.vector_load %arg6[%swap3A_43] {strides = array<i32>} : memref<128xf32, #tpu.memory_space<vmem>>, vector<16xf32>,
    %swap3A_45 = vector.shape_cast %swap3A_44 : vector<16xf32> to vector<16xf32>
    %swap3A_46 = vector.shape_cast %broadcast_in_dim3A_42 : vector<16xf32> to vector<16xf32>
    tpu.vector_store %arg6[%swap3A_43], %swap3A_46 {strides = array<i32>} : memref<128xf32, #tpu.memory_space<vmem>>, vector<16xf32>,
    %eq3A = arith.constant 0 : i32
    %eq3A_47 = arith.cmpi eq, %arg1, %eq3A : i32
    %convert_element_type3A = arith.extui %eq3A_47 : i1 to i32
    %cond3A = arith.constant 0 : i32
    %cond3A_48 = arith.cmpi ne, %convert_element_type3A, %cond3A : i32
    scf.if %cond3A_48 {
      "tpu.region"() ({
        %run_scoped3A = tpu.sem_alloc : memref<!tpu.dma_semaphore, #tpu.memory_space<semaphore_mem>>
        tpu.enqueue_dma source(%arg3 : memref<10112xf32, #tpu.memory_space<hbm>>) target(%arg7 : memref<10112xf32, #tpu.memory_space<vmem_shared>>) target_semaphore(%run_scoped3A : memref<!tpu.dma_semaphore, #tpu.memory_space<semaphore_mem>>)
        tpu.wait_dma2 semaphore(%run_scoped3A : memref<!tpu.dma_semaphore, #tpu.memory_space<semaphore_mem>>) src(%arg3 : memref<10112xf32, #tpu.memory_space<hbm>>) dst(%arg7 : memref<10112xf32, #tpu.memory_space<vmem_shared>>)
        tpu.yield
      }) : () -> ()
    } else {
    }
    %mul3A_49 = arith.constant 80 : i32
    %mul3A_50 = arith.muli %add3A, %mul3A_49 : i32
    "tpu.region"() ({
      %run_scoped3A = tpu.sem_alloc : memref<!tpu.dma_semaphore, #tpu.memory_space<semaphore_mem>>
      %dma_start3A = arith.constant 0 : i32
      %dma_start3A_61 = tpu.memref_slice %arg2[%mul3A_50, %dma_start3A] : memref<2560x128xi32, #tpu.memory_space<hbm>> -> memref<80x128xi32, #tpu.memory_space<hbm>>
      %dma_start3A_62 = arith.constant 0 : i32
      %dma_start3A_63 = tpu.memref_slice %arg2[%mul3A_50, %dma_start3A_62] : memref<2560x128xi32, #tpu.memory_space<hbm>> -> memref<80x128xi32, #tpu.memory_space<hbm>>
      tpu.enqueue_dma source(%dma_start3A_63 : memref<80x128xi32, #tpu.memory_space<hbm>>) target(%arg5 : memref<80x128xi32, #tpu.memory_space<vmem>>) target_semaphore(%run_scoped3A : memref<!tpu.dma_semaphore, #tpu.memory_space<semaphore_mem>>)
      %dma_wait3A = arith.constant 0 : i32
      %dma_wait3A_64 = tpu.memref_slice %arg2[%mul3A_50, %dma_wait3A] : memref<2560x128xi32, #tpu.memory_space<hbm>> -> memref<80x128xi32, #tpu.memory_space<hbm>>
      %dma_wait3A_65 = arith.constant 0 : i32
      %dma_wait3A_66 = tpu.memref_slice %arg2[%mul3A_50, %dma_wait3A_65] : memref<2560x128xi32, #tpu.memory_space<hbm>> -> memref<80x128xi32, #tpu.memory_space<hbm>>
      tpu.wait_dma2 semaphore(%run_scoped3A : memref<!tpu.dma_semaphore, #tpu.memory_space<semaphore_mem>>) src(%dma_wait3A_66 : memref<80x128xi32, #tpu.memory_space<hbm>>) dst(%arg5 : memref<80x128xi32, #tpu.memory_space<vmem>>)
      tpu.yield
    }) : () -> ()
    %barrier3A = arith.constant 0 : index
    tpu.barrier barrier_id(%barrier3A)
    %scan3A = arith.constant 0 : i32
    %scan3A_51 = arith.constant 80 : i32
    %scan3A_52 = arith.addi %scan3A, %scan3A_51 : i32
    %scan3A_53 = arith.constant 1 : i32
    scf.for %scan3A_61 = %scan3A to %scan3A_52 step %scan3A_53  : i32 {
      %mul3A_62 = arith.constant 1 : i32
      %mul3A_63 = arith.muli %scan3A_61, %mul3A_62 : i32
      %add3A_64 = arith.constant 0 : i32
      %add3A_65 = arith.addi %add3A_64, %mul3A_63 : i32
      "tpu.region"() ({
        %run_scoped3A = tpu.sem_alloc : memref<!tpu.dma_semaphore, #tpu.memory_space<semaphore_mem>>
        %dma_start3A = arith.constant 0 : i32
        %dma_start3A_66 = tpu.memref_slice %arg5[%add3A_65, %dma_start3A] : memref<80x128xi32, #tpu.memory_space<vmem>> -> memref<1x128xi32, #tpu.memory_space<vmem>>
        %dma_start3A_67 = tpu.memref_squeeze %dma_start3A_66 : memref<1x128xi32, #tpu.memory_space<vmem>> -> memref<128xi32, #tpu.memory_space<vmem>>
        %dma_start3A_68 = arith.constant 0 : i32
        %dma_start3A_69 = tpu.memref_slice %arg7[%dma_start3A_68] : memref<10112xf32, #tpu.memory_space<vmem_shared>> -> memref<10112xf32, #tpu.memory_space<vmem_shared>>
        tpu.enqueue_indirect_dma source(%arg6 : memref<128xf32, #tpu.memory_space<vmem>>) target(%dma_start3A_69 : memref<10112xf32, #tpu.memory_space<vmem_shared>>) offsets(%dma_start3A_67 : memref<128xi32, #tpu.memory_space<vmem>>) semaphore(%run_scoped3A : memref<!tpu.dma_semaphore, #tpu.memory_space<semaphore_mem>>) {add = true}
        %dma_wait3A = arith.constant 0 : i32
        %dma_wait3A_70 = tpu.memref_slice %arg5[%add3A_65, %dma_wait3A] : memref<80x128xi32, #tpu.memory_space<vmem>> -> memref<1x128xi32, #tpu.memory_space<vmem>>
        %dma_wait3A_71 = tpu.memref_squeeze %dma_wait3A_70 : memref<1x128xi32, #tpu.memory_space<vmem>> -> memref<128xi32, #tpu.memory_space<vmem>>
        %dma_wait3A_72 = arith.constant 0 : i32
        %dma_wait3A_73 = tpu.memref_slice %arg7[%dma_wait3A_72] : memref<10112xf32, #tpu.memory_space<vmem_shared>> -> memref<10112xf32, #tpu.memory_space<vmem_shared>>
        tpu.wait_indirect_dma semaphore(%run_scoped3A : memref<!tpu.dma_semaphore, #tpu.memory_space<semaphore_mem>>) src(%arg6 : memref<128xf32, #tpu.memory_space<vmem>>) dst(%dma_wait3A_73 : memref<10112xf32, #tpu.memory_space<vmem_shared>>)
        tpu.yield
      }) : () -> ()
    }
    %scan3A_54 = arith.constant 80 : i32
    %barrier3A_55 = arith.constant 0 : index
    tpu.barrier barrier_id(%barrier3A_55)
    %eq3A_56 = arith.constant 0 : i32
    %eq3A_57 = arith.cmpi eq, %arg1, %eq3A_56 : i32
    %convert_element_type3A_58 = arith.extui %eq3A_57 : i1 to i32
    %cond3A_59 = arith.constant 0 : i32
    %cond3A_60 = arith.cmpi ne, %convert_element_type3A_58, %cond3A_59 : i32
    scf.if %cond3A_60 {
      %mul3A_61 = arith.constant 10112 : i32
      %mul3A_62 = arith.muli %arg0, %mul3A_61 : i32
      "tpu.region"() ({
        %run_scoped3A = tpu.sem_alloc : memref<!tpu.dma_semaphore, #tpu.memory_space<semaphore_mem>>
        %dma_start3A = tpu.memref_slice %arg4[%mul3A_62] : memref<20224xf32, #tpu.memory_space<hbm>> -> memref<10112xf32, #tpu.memory_space<hbm>>
        tpu.enqueue_dma source(%arg7 : memref<10112xf32, #tpu.memory_space<vmem_shared>>) target(%dma_start3A : memref<10112xf32, #tpu.memory_space<hbm>>) target_semaphore(%run_scoped3A : memref<!tpu.dma_semaphore, #tpu.memory_space<semaphore_mem>>)
        %dma_wait3A = tpu.memref_slice %arg4[%mul3A_62] : memref<20224xf32, #tpu.memory_space<hbm>> -> memref<10112xf32, #tpu.memory_space<hbm>>
        tpu.wait_dma2 semaphore(%run_scoped3A : memref<!tpu.dma_semaphore, #tpu.memory_space<semaphore_mem>>) src(%arg7 : memref<10112xf32, #tpu.memory_space<vmem_shared>>) dst(%dma_wait3A : memref<10112xf32, #tpu.memory_space<hbm>>)
        tpu.yield
      }) : () -> ()
    } else {
    }
    return
  }
}

module attributes {stable_mosaic.version = 14 : i64} {
  func.func @_tc_scale_body(%arg0: i32, %arg1: memref<1000x1xf32, #tpu.memory_space<vmem>>, %arg2: memref<1000x128xf32, #tpu.memory_space<vmem>>, %arg3: memref<1000x128xf32, #tpu.memory_space<vmem>>) attributes {dimension_semantics = [#tpu.dimension_semantics<arbitrary>], iteration_bounds = array<i64: 10>, scalar_prefetch = 0 : i64, scratch_operands = 0 : i64, tpu.core_type = #tpu.core_type<tc>, window_params = [{transform_indices = @transform_0, window_bounds = array<i64: 1000, 1>}, {transform_indices = @transform_1, window_bounds = array<i64: 1000, 128>}, {transform_indices = @transform_2, window_bounds = array<i64: 1000, 128>}]} {
    %get3A = arith.constant 0 : index
    %get3A_0 = arith.constant 0 : index
    %get3A_1 = vector.load %arg1[%get3A, %get3A_0] : memref<1000x1xf32, #tpu.memory_space<vmem>>, vector<1000x1xf32>
    %get3A_2 = arith.constant 0 : index
    %get3A_3 = arith.constant 0 : index
    %get3A_4 = vector.load %arg2[%get3A_2, %get3A_3] : memref<1000x128xf32, #tpu.memory_space<vmem>>, vector<1000x128xf32>
    %mul3A = vector.broadcast %get3A_1 : vector<1000x1xf32> to vector<1000x128xf32>
    %mul3A_5 = arith.mulf %mul3A, %get3A_4 : vector<1000x128xf32>
    %swap3A = arith.constant 0 : index
    %swap3A_6 = arith.constant 0 : index
    %swap3A_7 = vector.load %arg3[%swap3A, %swap3A_6] : memref<1000x128xf32, #tpu.memory_space<vmem>>, vector<1000x128xf32>
    tpu.vector_store %arg3[%swap3A, %swap3A_6], %mul3A_5 {strides = array<i32>} : memref<1000x128xf32, #tpu.memory_space<vmem>>, vector<1000x128xf32>,
    return
  }
  func.func @transform_0(%arg0: i32) -> (i32, i32) {
    %c0_i32 = arith.constant 0 : i32
    %c0_i32_0 = arith.constant 0 : i32
    return %arg0, %c0_i32 : i32, i32
  }
  func.func @transform_1(%arg0: i32) -> (i32, i32) {
    %c0_i32 = arith.constant 0 : i32
    %c0_i32_0 = arith.constant 0 : i32
    return %arg0, %c0_i32 : i32, i32
  }
  func.func @transform_2(%arg0: i32) -> (i32, i32) {
    %c0_i32 = arith.constant 0 : i32
    %c0_i32_0 = arith.constant 0 : i32
    return %arg0, %c0_i32 : i32, i32
  }
}

module attributes {stable_mosaic.version = 14 : i64} {
  func.func @_tc_mid_body(%arg0: i32, %arg1: memref<2x1000x128xf32, #tpu.memory_space<vmem>>, %arg2: memref<1000x1xf32, #tpu.memory_space<vmem>>, %arg3: memref<1000x128xf32, #tpu.memory_space<vmem>>, %arg4: memref<1000x128xf32, #tpu.memory_space<vmem>>) attributes {dimension_semantics = [#tpu.dimension_semantics<arbitrary>], iteration_bounds = array<i64: 10>, scalar_prefetch = 0 : i64, scratch_operands = 0 : i64, tpu.core_type = #tpu.core_type<tc>, window_params = [{transform_indices = @transform_0, window_bounds = array<i64: 2, 1000, 128>}, {transform_indices = @transform_1, window_bounds = array<i64: 1000, 1>}, {transform_indices = @transform_2, window_bounds = array<i64: 1000, 128>}, {transform_indices = @transform_3, window_bounds = array<i64: 1000, 128>}]} {
    %get3A = arith.constant 0 : index
    %get3A_0 = arith.constant 0 : index
    %get3A_1 = arith.constant 0 : index
    %get3A_2 = vector.load %arg1[%get3A, %get3A_0, %get3A_1] : memref<2x1000x128xf32, #tpu.memory_space<vmem>>, vector<1x1000x128xf32>
    %get3A_3 = vector.shape_cast %get3A_2 : vector<1x1000x128xf32> to vector<1000x128xf32>
    %get3A_4 = arith.constant 1 : index
    %get3A_5 = arith.constant 0 : index
    %get3A_6 = arith.constant 0 : index
    %get3A_7 = vector.load %arg1[%get3A_4, %get3A_5, %get3A_6] : memref<2x1000x128xf32, #tpu.memory_space<vmem>>, vector<1x1000x128xf32>
    %get3A_8 = vector.shape_cast %get3A_7 : vector<1x1000x128xf32> to vector<1000x128xf32>
    %add3A = arith.addf %get3A_3, %get3A_8 : vector<1000x128xf32>
    %get3A_9 = arith.constant 0 : index
    %get3A_10 = arith.constant 0 : index
    %get3A_11 = vector.load %arg2[%get3A_9, %get3A_10] : memref<1000x1xf32, #tpu.memory_space<vmem>>, vector<1000x1xf32>
    %neg3A = arith.constant 0.000000e+00 : f32
    %neg3A_12 = vector.broadcast %neg3A : f32 to vector<1000x1xf32>
    %neg3A_13 = arith.subf %neg3A_12, %get3A_11 : vector<1000x1xf32>
    %mul3A = vector.broadcast %neg3A_13 : vector<1000x1xf32> to vector<1000x128xf32>
    %mul3A_14 = arith.mulf %mul3A, %add3A : vector<1000x128xf32>
    %swap3A = arith.constant 0 : index
    %swap3A_15 = arith.constant 0 : index
    %swap3A_16 = vector.load %arg3[%swap3A, %swap3A_15] : memref<1000x128xf32, #tpu.memory_space<vmem>>, vector<1000x128xf32>
    tpu.vector_store %arg3[%swap3A, %swap3A_15], %mul3A_14 {strides = array<i32>} : memref<1000x128xf32, #tpu.memory_space<vmem>>, vector<1000x128xf32>,
    %mul3A_17 = vector.broadcast %get3A_11 : vector<1000x1xf32> to vector<1000x128xf32>
    %mul3A_18 = arith.mulf %mul3A_17, %mul3A_14 : vector<1000x128xf32>
    %swap3A_19 = arith.constant 0 : index
    %swap3A_20 = arith.constant 0 : index
    %swap3A_21 = vector.load %arg4[%swap3A_19, %swap3A_20] : memref<1000x128xf32, #tpu.memory_space<vmem>>, vector<1000x128xf32>
    tpu.vector_store %arg4[%swap3A_19, %swap3A_20], %mul3A_18 {strides = array<i32>} : memref<1000x128xf32, #tpu.memory_space<vmem>>, vector<1000x128xf32>,
    return
  }
  func.func @transform_0(%arg0: i32) -> (i32, i32, i32) {
    %c0_i32 = arith.constant 0 : i32
    %c0_i32_0 = arith.constant 0 : i32
    %c0_i32_1 = arith.constant 0 : i32
    return %c0_i32, %arg0, %c0_i32_0 : i32, i32, i32
  }
  func.func @transform_1(%arg0: i32) -> (i32, i32) {
    %c0_i32 = arith.constant 0 : i32
    %c0_i32_0 = arith.constant 0 : i32
    return %arg0, %c0_i32 : i32, i32
  }
  func.func @transform_2(%arg0: i32) -> (i32, i32) {
    %c0_i32 = arith.constant 0 : i32
    %c0_i32_0 = arith.constant 0 : i32
    return %arg0, %c0_i32 : i32, i32
  }
  func.func @transform_3(%arg0: i32) -> (i32, i32) {
    %c0_i32 = arith.constant 0 : i32
    %c0_i32_0 = arith.constant 0 : i32
    return %arg0, %c0_i32 : i32, i32
  }
}

module attributes {stable_mosaic.version = 14 : i64} {
  func.func @_tc_gate_body(%arg0: i32, %arg1: memref<1000x128xf32, #tpu.memory_space<vmem>>, %arg2: memref<1000x128xf32, #tpu.memory_space<vmem>>, %arg3: memref<2x1000x128xf32, #tpu.memory_space<vmem>>, %arg4: memref<1000x1xf32, #tpu.memory_space<vmem>>, %arg5: memref<128x128xf32, #tpu.memory_space<vmem>>, %arg6: memref<128x128xf32, #tpu.memory_space<vmem>>, %arg7: memref<128x128xf32, #tpu.memory_space<vmem>>, %arg8: memref<3x128xf32, #tpu.memory_space<vmem>>, %arg9: memref<32x128xf32, #tpu.memory_space<vmem>>, %arg10: memref<1000x128xf32, #tpu.memory_space<vmem>>) attributes {dimension_semantics = [#tpu.dimension_semantics<arbitrary>], iteration_bounds = array<i64: 10>, scalar_prefetch = 0 : i64, scratch_operands = 0 : i64, tpu.core_type = #tpu.core_type<tc>, window_params = [{transform_indices = @transform_0, window_bounds = array<i64: 1000, 128>}, {transform_indices = @transform_1, window_bounds = array<i64: 1000, 128>}, {transform_indices = @transform_2, window_bounds = array<i64: 2, 1000, 128>}, {transform_indices = @transform_3, window_bounds = array<i64: 1000, 1>}, {pipeline_mode = #tpu.pipeline_mode<synchronous>, transform_indices = @transform_4, window_bounds = array<i64: 128, 128>}, {pipeline_mode = #tpu.pipeline_mode<synchronous>, transform_indices = @transform_5, window_bounds = array<i64: 128, 128>}, {pipeline_mode = #tpu.pipeline_mode<synchronous>, transform_indices = @transform_6, window_bounds = array<i64: 128, 128>}, {pipeline_mode = #tpu.pipeline_mode<synchronous>, transform_indices = @transform_7, window_bounds = array<i64: 3, 128>}, {pipeline_mode = #tpu.pipeline_mode<synchronous>, transform_indices = @transform_8, window_bounds = array<i64: 32, 128>}, {transform_indices = @transform_9, window_bounds = array<i64: 1000, 128>}]} {
    %get3A = arith.constant 0 : index
    %get3A_0 = arith.constant 0 : index
    %get3A_1 = vector.load %arg1[%get3A, %get3A_0] : memref<1000x128xf32, #tpu.memory_space<vmem>>, vector<1000x128xf32>
    %get3A_2 = arith.constant 0 : index
    %get3A_3 = arith.constant 0 : index
    %get3A_4 = vector.load %arg4[%get3A_2, %get3A_3] : memref<1000x1xf32, #tpu.memory_space<vmem>>, vector<1000x1xf32>
    %mul3A = arith.constant -2.000000e+00 : f32
    %mul3A_5 = vector.broadcast %mul3A : f32 to vector<1000x1xf32>
    %mul3A_6 = arith.mulf %mul3A_5, %get3A_4 : vector<1000x1xf32>
    %get3A_7 = arith.constant 0 : index
    %get3A_8 = arith.constant 0 : index
    %get3A_9 = arith.constant 0 : index
    %get3A_10 = vector.load %arg3[%get3A_7, %get3A_8, %get3A_9] : memref<2x1000x128xf32, #tpu.memory_space<vmem>>, vector<1x1000x128xf32>
    %get3A_11 = vector.shape_cast %get3A_10 : vector<1x1000x128xf32> to vector<1000x128xf32>
    %get3A_12 = arith.constant 1 : index
    %get3A_13 = arith.constant 0 : index
    %get3A_14 = arith.constant 0 : index
    %get3A_15 = vector.load %arg3[%get3A_12, %get3A_13, %get3A_14] : memref<2x1000x128xf32, #tpu.memory_space<vmem>>, vector<1x1000x128xf32>
    %get3A_16 = vector.shape_cast %get3A_15 : vector<1x1000x128xf32> to vector<1000x128xf32>
    %add3A = arith.addf %get3A_11, %get3A_16 : vector<1000x128xf32>
    %mul3A_17 = vector.broadcast %mul3A_6 : vector<1000x1xf32> to vector<1000x128xf32>
    %mul3A_18 = arith.mulf %mul3A_17, %add3A : vector<1000x128xf32>
    %sub3A = arith.subf %mul3A_18, %get3A_1 : vector<1000x128xf32>
    %get3A_19 = arith.constant 0 : index
    %get3A_20 = arith.constant 0 : index
    %get3A_21 = vector.load %arg5[%get3A_19, %get3A_20] : memref<128x128xf32, #tpu.memory_space<vmem>>, vector<128x128xf32>
    %dot_general3A = arith.constant dense<0.000000e+00> : vector<1000x128xf32>
    %dot_general3A_22 = tpu.matmul %get3A_1, %get3A_21, %dot_general3A {dimension_numbers = #tpu.dot_dimension_numbers<[1], [0], [0], [1], [0, 0, 1, 1], [], []>, transpose_lhs_hint = false} : vector<1000x128xf32>, vector<128x128xf32>, vector<1000x128xf32> -> vector<1000x128xf32>
    %get3A_23 = arith.constant 0 : index
    %get3A_24 = arith.constant 0 : index
    %get3A_25 = vector.load %arg2[%get3A_23, %get3A_24] : memref<1000x128xf32, #tpu.memory_space<vmem>>, vector<1000x128xf32>
    %get3A_26 = arith.constant 0 : index
    %get3A_27 = arith.constant 0 : index
    %get3A_28 = vector.load %arg6[%get3A_26, %get3A_27] : memref<128x128xf32, #tpu.memory_space<vmem>>, vector<128x128xf32>
    %dot_general3A_29 = arith.constant dense<0.000000e+00> : vector<1000x128xf32>
    %dot_general3A_30 = tpu.matmul %get3A_25, %get3A_28, %dot_general3A_29 {dimension_numbers = #tpu.dot_dimension_numbers<[1], [0], [0], [1], [0, 0, 1, 1], [], []>, transpose_lhs_hint = false} : vector<1000x128xf32>, vector<128x128xf32>, vector<1000x128xf32> -> vector<1000x128xf32>
    %add3A_31 = arith.addf %dot_general3A_22, %dot_general3A_30 : vector<1000x128xf32>
    %get3A_32 = arith.constant 0 : index
    %get3A_33 = arith.constant 0 : index
    %get3A_34 = vector.load %arg7[%get3A_32, %get3A_33] : memref<128x128xf32, #tpu.memory_space<vmem>>, vector<128x128xf32>
    %dot_general3A_35 = arith.constant dense<0.000000e+00> : vector<1000x128xf32>
    %dot_general3A_36 = tpu.matmul %sub3A, %get3A_34, %dot_general3A_35 {dimension_numbers = #tpu.dot_dimension_numbers<[1], [0], [0], [1], [0, 0, 1, 1], [], []>, transpose_lhs_hint = false} : vector<1000x128xf32>, vector<128x128xf32>, vector<1000x128xf32> -> vector<1000x128xf32>
    %add3A_37 = arith.addf %add3A_31, %dot_general3A_36 : vector<1000x128xf32>
    %get3A_38 = arith.constant 0 : index
    %get3A_39 = arith.constant 0 : index
    %get3A_40 = vector.load %arg8[%get3A_38, %get3A_39] : memref<3x128xf32, #tpu.memory_space<vmem>>, vector<1x128xf32>
    %add3A_41 = vector.broadcast %get3A_40 : vector<1x128xf32> to vector<1000x128xf32>
    %add3A_42 = arith.addf %add3A_37, %add3A_41 : vector<1000x128xf32>
    %slice3A = vector.extract_strided_slice %add3A_42 {offsets = [0, 0], sizes = [1000, 32], strides = [1, 1]} : vector<1000x128xf32> to vector<1000x32xf32>
    %neg3A = arith.constant 0.000000e+00 : f32
    %neg3A_43 = vector.broadcast %neg3A : f32 to vector<1000x32xf32>
    %neg3A_44 = arith.subf %neg3A_43, %slice3A : vector<1000x32xf32>
    %exp3A = math.exp %neg3A_44 : vector<1000x32xf32>
    %add3A_45 = arith.constant 1.000000e+00 : f32
    %add3A_46 = vector.broadcast %add3A_45 : f32 to vector<1000x32xf32>
    %add3A_47 = arith.addf %add3A_46, %exp3A : vector<1000x32xf32>
    %div3A = arith.constant 1.000000e+00 : f32
    %div3A_48 = vector.broadcast %div3A : f32 to vector<1000x32xf32>
    %div3A_49 = arith.divf %div3A_48, %add3A_47 : vector<1000x32xf32>
    %slice3A_50 = vector.extract_strided_slice %add3A_42 {offsets = [0, 32], sizes = [1000, 32], strides = [1, 1]} : vector<1000x128xf32> to vector<1000x32xf32>
    %tanh3A = math.tanh %slice3A_50 : vector<1000x32xf32>
    %mul3A_51 = arith.mulf %div3A_49, %tanh3A : vector<1000x32xf32>
    %slice3A_52 = vector.extract_strided_slice %add3A_42 {offsets = [0, 64], sizes = [1000, 32], strides = [1, 1]} : vector<1000x128xf32> to vector<1000x32xf32>
    %get3A_53 = arith.constant 1 : index
    %get3A_54 = arith.constant 64 : index
    %get3A_55 = vector.load %arg8[%get3A_53, %get3A_54] : memref<3x128xf32, #tpu.memory_space<vmem>>, vector<1x32xf32>
    %mul3A_56 = vector.broadcast %get3A_55 : vector<1x32xf32> to vector<1000x32xf32>
    %mul3A_57 = arith.mulf %mul3A_56, %mul3A_51 : vector<1000x32xf32>
    %add3A_58 = arith.addf %slice3A_52, %mul3A_57 : vector<1000x32xf32>
    %neg3A_59 = arith.constant 0.000000e+00 : f32
    %neg3A_60 = vector.broadcast %neg3A_59 : f32 to vector<1000x32xf32>
    %neg3A_61 = arith.subf %neg3A_60, %add3A_58 : vector<1000x32xf32>
    %exp3A_62 = math.exp %neg3A_61 : vector<1000x32xf32>
    %add3A_63 = arith.constant 1.000000e+00 : f32
    %add3A_64 = vector.broadcast %add3A_63 : f32 to vector<1000x32xf32>
    %add3A_65 = arith.addf %add3A_64, %exp3A_62 : vector<1000x32xf32>
    %div3A_66 = arith.constant 1.000000e+00 : f32
    %div3A_67 = vector.broadcast %div3A_66 : f32 to vector<1000x32xf32>
    %div3A_68 = arith.divf %div3A_67, %add3A_65 : vector<1000x32xf32>
    %tanh3A_69 = math.tanh %mul3A_51 : vector<1000x32xf32>
    %mul3A_70 = arith.mulf %div3A_68, %tanh3A_69 : vector<1000x32xf32>
    %max3A = arith.constant 0.000000e+00 : f32
    %max3A_71 = vector.broadcast %max3A : f32 to vector<1000x32xf32>
    %max3A_72 = arith.maximumf %mul3A_70, %max3A_71 : vector<1000x32xf32>
    %get3A_73 = arith.constant 0 : index
    %get3A_74 = arith.constant 0 : index
    %get3A_75 = vector.load %arg9[%get3A_73, %get3A_74] : memref<32x128xf32, #tpu.memory_space<vmem>>, vector<32x128xf32>
    %dot_general3A_76 = arith.constant dense<0.000000e+00> : vector<1000x128xf32>
    %dot_general3A_77 = tpu.matmul %max3A_72, %get3A_75, %dot_general3A_76 {dimension_numbers = #tpu.dot_dimension_numbers<[1], [0], [0], [1], [0, 0, 1, 1], [], []>, transpose_lhs_hint = false} : vector<1000x32xf32>, vector<32x128xf32>, vector<1000x128xf32> -> vector<1000x128xf32>
    %get3A_78 = arith.constant 2 : index
    %get3A_79 = arith.constant 0 : index
    %get3A_80 = vector.load %arg8[%get3A_78, %get3A_79] : memref<3x128xf32, #tpu.memory_space<vmem>>, vector<1x128xf32>
    %add3A_81 = vector.broadcast %get3A_80 : vector<1x128xf32> to vector<1000x128xf32>
    %add3A_82 = arith.addf %dot_general3A_77, %add3A_81 : vector<1000x128xf32>
    %max3A_83 = arith.constant 0.000000e+00 : f32
    %max3A_84 = vector.broadcast %max3A_83 : f32 to vector<1000x128xf32>
    %max3A_85 = arith.maximumf %add3A_82, %max3A_84 : vector<1000x128xf32>
    %swap3A = arith.constant 0 : index
    %swap3A_86 = arith.constant 0 : index
    %swap3A_87 = vector.load %arg10[%swap3A, %swap3A_86] : memref<1000x128xf32, #tpu.memory_space<vmem>>, vector<1000x128xf32>
    tpu.vector_store %arg10[%swap3A, %swap3A_86], %max3A_85 {strides = array<i32>} : memref<1000x128xf32, #tpu.memory_space<vmem>>, vector<1000x128xf32>,
    return
  }
  func.func @transform_0(%arg0: i32) -> (i32, i32) {
    %c0_i32 = arith.constant 0 : i32
    %c0_i32_0 = arith.constant 0 : i32
    return %arg0, %c0_i32 : i32, i32
  }
  func.func @transform_1(%arg0: i32) -> (i32, i32) {
    %c0_i32 = arith.constant 0 : i32
    %c0_i32_0 = arith.constant 0 : i32
    return %arg0, %c0_i32 : i32, i32
  }
  func.func @transform_2(%arg0: i32) -> (i32, i32, i32) {
    %c0_i32 = arith.constant 0 : i32
    %c0_i32_0 = arith.constant 0 : i32
    %c0_i32_1 = arith.constant 0 : i32
    return %c0_i32, %arg0, %c0_i32_0 : i32, i32, i32
  }
  func.func @transform_3(%arg0: i32) -> (i32, i32) {
    %c0_i32 = arith.constant 0 : i32
    %c0_i32_0 = arith.constant 0 : i32
    return %arg0, %c0_i32 : i32, i32
  }
  func.func @transform_4(%arg0: i32) -> (i32, i32) {
    %c0_i32 = arith.constant 0 : i32
    %c0_i32_0 = arith.constant 0 : i32
    %c0_i32_1 = arith.constant 0 : i32
    return %c0_i32, %c0_i32_0 : i32, i32
  }
  func.func @transform_5(%arg0: i32) -> (i32, i32) {
    %c0_i32 = arith.constant 0 : i32
    %c0_i32_0 = arith.constant 0 : i32
    %c0_i32_1 = arith.constant 0 : i32
    return %c0_i32, %c0_i32_0 : i32, i32
  }
  func.func @transform_6(%arg0: i32) -> (i32, i32) {
    %c0_i32 = arith.constant 0 : i32
    %c0_i32_0 = arith.constant 0 : i32
    %c0_i32_1 = arith.constant 0 : i32
    return %c0_i32, %c0_i32_0 : i32, i32
  }
  func.func @transform_7(%arg0: i32) -> (i32, i32) {
    %c0_i32 = arith.constant 0 : i32
    %c0_i32_0 = arith.constant 0 : i32
    %c0_i32_1 = arith.constant 0 : i32
    return %c0_i32, %c0_i32_0 : i32, i32
  }
  func.func @transform_8(%arg0: i32) -> (i32, i32) {
    %c0_i32 = arith.constant 0 : i32
    %c0_i32_0 = arith.constant 0 : i32
    %c0_i32_1 = arith.constant 0 : i32
    return %c0_i32, %c0_i32_0 : i32, i32
  }
  func.func @transform_9(%arg0: i32) -> (i32, i32) {
    %c0_i32 = arith.constant 0 : i32
    %c0_i32_0 = arith.constant 0 : i32
    return %arg0, %c0_i32 : i32, i32
  }
}

module attributes {stable_mosaic.version = 14 : i64} {
  func.func @_tc_head_body(%arg0: i32, %arg1: memref<2048x128xf32, #tpu.memory_space<vmem>>, %arg2: memref<2048x128xf32, #tpu.memory_space<vmem>>, %arg3: memref<16x128xf32, #tpu.memory_space<vmem>>, %arg4: memref<16x128xf32, #tpu.memory_space<vmem>>, %arg5: memref<16x128xf32, #tpu.memory_space<vmem>>, %arg6: memref<8x128xf32, #tpu.memory_space<vmem>>, %arg7: memref<8x128xf32, #tpu.memory_space<vmem>>, %arg8: memref<4x128xf32, #tpu.memory_space<vmem>>, %arg9: memref<2048x1xf32, #tpu.memory_space<vmem>>, %arg10: memref<2048x49xf32, #tpu.memory_space<vmem>>) attributes {dimension_semantics = [#tpu.dimension_semantics<arbitrary>], iteration_bounds = array<i64: 4>, scalar_prefetch = 0 : i64, scratch_operands = 0 : i64, tpu.core_type = #tpu.core_type<tc>, window_params = [{transform_indices = @transform_0, window_bounds = array<i64: 2048, 128>}, {transform_indices = @transform_1, window_bounds = array<i64: 2048, 128>}, {pipeline_mode = #tpu.pipeline_mode<synchronous>, transform_indices = @transform_2, window_bounds = array<i64: 16, 128>}, {pipeline_mode = #tpu.pipeline_mode<synchronous>, transform_indices = @transform_3, window_bounds = array<i64: 16, 128>}, {pipeline_mode = #tpu.pipeline_mode<synchronous>, transform_indices = @transform_4, window_bounds = array<i64: 16, 128>}, {pipeline_mode = #tpu.pipeline_mode<synchronous>, transform_indices = @transform_5, window_bounds = array<i64: 8, 128>}, {pipeline_mode = #tpu.pipeline_mode<synchronous>, transform_indices = @transform_6, window_bounds = array<i64: 8, 128>}, {pipeline_mode = #tpu.pipeline_mode<synchronous>, transform_indices = @transform_7, window_bounds = array<i64: 4, 128>}, {transform_indices = @transform_8, window_bounds = array<i64: 2048, 1>}, {transform_indices = @transform_9, window_bounds = array<i64: 2048, 49>}]} {
    %get3A = arith.constant 0 : index
    %get3A_0 = arith.constant 0 : index
    %get3A_1 = vector.load %arg1[%get3A, %get3A_0] : memref<2048x128xf32, #tpu.memory_space<vmem>>, vector<2048x16xf32>
    %get3A_2 = arith.constant 0 : index
    %get3A_3 = arith.constant 0 : index
    %get3A_4 = vector.load %arg3[%get3A_2, %get3A_3] : memref<16x128xf32, #tpu.memory_space<vmem>>, vector<16x128xf32>
    %dot_general3A = arith.constant dense<0.000000e+00> : vector<2048x128xf32>
    %dot_general3A_5 = tpu.matmul %get3A_1, %get3A_4, %dot_general3A {dimension_numbers = #tpu.dot_dimension_numbers<[1], [0], [0], [1], [0, 0, 1, 1], [], []>, transpose_lhs_hint = false} : vector<2048x16xf32>, vector<16x128xf32>, vector<2048x128xf32> -> vector<2048x128xf32>
    %get3A_6 = arith.constant 0 : index
    %get3A_7 = arith.constant 0 : index
    %get3A_8 = vector.load %arg2[%get3A_6, %get3A_7] : memref<2048x128xf32, #tpu.memory_space<vmem>>, vector<2048x16xf32>
    %get3A_9 = arith.constant 0 : index
    %get3A_10 = arith.constant 0 : index
    %get3A_11 = vector.load %arg4[%get3A_9, %get3A_10] : memref<16x128xf32, #tpu.memory_space<vmem>>, vector<16x128xf32>
    %dot_general3A_12 = arith.constant dense<0.000000e+00> : vector<2048x128xf32>
    %dot_general3A_13 = tpu.matmul %get3A_8, %get3A_11, %dot_general3A_12 {dimension_numbers = #tpu.dot_dimension_numbers<[1], [0], [0], [1], [0, 0, 1, 1], [], []>, transpose_lhs_hint = false} : vector<2048x16xf32>, vector<16x128xf32>, vector<2048x128xf32> -> vector<2048x128xf32>
    %add3A = arith.addf %dot_general3A_5, %dot_general3A_13 : vector<2048x128xf32>
    %get3A_14 = arith.constant 0 : index
    %get3A_15 = arith.constant 0 : index
    %get3A_16 = vector.load %arg8[%get3A_14, %get3A_15] : memref<4x128xf32, #tpu.memory_space<vmem>>, vector<1x128xf32>
    %add3A_17 = vector.broadcast %get3A_16 : vector<1x128xf32> to vector<2048x128xf32>
    %add3A_18 = arith.addf %add3A, %add3A_17 : vector<2048x128xf32>
    %max3A = arith.constant 0.000000e+00 : f32
    %max3A_19 = vector.broadcast %max3A : f32 to vector<2048x128xf32>
    %max3A_20 = arith.maximumf %add3A_18, %max3A_19 : vector<2048x128xf32>
    %slice3A = vector.extract_strided_slice %max3A_20 {offsets = [0, 0], sizes = [2048, 16], strides = [1, 1]} : vector<2048x128xf32> to vector<2048x16xf32>
    %get3A_21 = arith.constant 0 : index
    %get3A_22 = arith.constant 0 : index
    %get3A_23 = vector.load %arg5[%get3A_21, %get3A_22] : memref<16x128xf32, #tpu.memory_space<vmem>>, vector<16x128xf32>
    %dot_general3A_24 = arith.constant dense<0.000000e+00> : vector<2048x128xf32>
    %dot_general3A_25 = tpu.matmul %slice3A, %get3A_23, %dot_general3A_24 {dimension_numbers = #tpu.dot_dimension_numbers<[1], [0], [0], [1], [0, 0, 1, 1], [], []>, transpose_lhs_hint = false} : vector<2048x16xf32>, vector<16x128xf32>, vector<2048x128xf32> -> vector<2048x128xf32>
    %get3A_26 = arith.constant 1 : index
    %get3A_27 = arith.constant 0 : index
    %get3A_28 = vector.load %arg8[%get3A_26, %get3A_27] : memref<4x128xf32, #tpu.memory_space<vmem>>, vector<1x128xf32>
    %add3A_29 = vector.broadcast %get3A_28 : vector<1x128xf32> to vector<2048x128xf32>
    %add3A_30 = arith.addf %dot_general3A_25, %add3A_29 : vector<2048x128xf32>
    %max3A_31 = arith.constant 0.000000e+00 : f32
    %max3A_32 = vector.broadcast %max3A_31 : f32 to vector<2048x128xf32>
    %max3A_33 = arith.maximumf %add3A_30, %max3A_32 : vector<2048x128xf32>
    %slice3A_34 = vector.extract_strided_slice %max3A_33 {offsets = [0, 0], sizes = [2048, 8], strides = [1, 1]} : vector<2048x128xf32> to vector<2048x8xf32>
    %get3A_35 = arith.constant 0 : index
    %get3A_36 = arith.constant 0 : index
    %get3A_37 = vector.load %arg6[%get3A_35, %get3A_36] : memref<8x128xf32, #tpu.memory_space<vmem>>, vector<8x128xf32>
    %dot_general3A_38 = arith.constant dense<0.000000e+00> : vector<2048x128xf32>
    %dot_general3A_39 = tpu.matmul %slice3A_34, %get3A_37, %dot_general3A_38 {dimension_numbers = #tpu.dot_dimension_numbers<[1], [0], [0], [1], [0, 0, 1, 1], [], []>, transpose_lhs_hint = false} : vector<2048x8xf32>, vector<8x128xf32>, vector<2048x128xf32> -> vector<2048x128xf32>
    %get3A_40 = arith.constant 2 : index
    %get3A_41 = arith.constant 0 : index
    %get3A_42 = vector.load %arg8[%get3A_40, %get3A_41] : memref<4x128xf32, #tpu.memory_space<vmem>>, vector<1x128xf32>
    %add3A_43 = vector.broadcast %get3A_42 : vector<1x128xf32> to vector<2048x128xf32>
    %add3A_44 = arith.addf %dot_general3A_39, %add3A_43 : vector<2048x128xf32>
    %slice3A_45 = vector.extract_strided_slice %add3A_44 {offsets = [0, 0], sizes = [2048, 1], strides = [1, 1]} : vector<2048x128xf32> to vector<2048x1xf32>
    %neg3A = arith.constant 0.000000e+00 : f32
    %neg3A_46 = vector.broadcast %neg3A : f32 to vector<2048x1xf32>
    %neg3A_47 = arith.subf %neg3A_46, %slice3A_45 : vector<2048x1xf32>
    %exp3A = math.exp %neg3A_47 : vector<2048x1xf32>
    %add3A_48 = arith.constant 1.000000e+00 : f32
    %add3A_49 = vector.broadcast %add3A_48 : f32 to vector<2048x1xf32>
    %add3A_50 = arith.addf %add3A_49, %exp3A : vector<2048x1xf32>
    %div3A = arith.constant 1.000000e+00 : f32
    %div3A_51 = vector.broadcast %div3A : f32 to vector<2048x1xf32>
    %div3A_52 = arith.divf %div3A_51, %add3A_50 : vector<2048x1xf32>
    %swap3A = arith.constant 0 : index
    %swap3A_53 = arith.constant 0 : index
    %swap3A_54 = vector.load %arg9[%swap3A, %swap3A_53] : memref<2048x1xf32, #tpu.memory_space<vmem>>, vector<2048x1xf32>
    tpu.vector_store %arg9[%swap3A, %swap3A_53], %div3A_52 {strides = array<i32>} : memref<2048x1xf32, #tpu.memory_space<vmem>>, vector<2048x1xf32>,
    %get3A_55 = arith.constant 0 : index
    %get3A_56 = arith.constant 0 : index
    %get3A_57 = vector.load %arg7[%get3A_55, %get3A_56] : memref<8x128xf32, #tpu.memory_space<vmem>>, vector<8x128xf32>
    %dot_general3A_58 = arith.constant dense<0.000000e+00> : vector<2048x128xf32>
    %dot_general3A_59 = tpu.matmul %slice3A_34, %get3A_57, %dot_general3A_58 {dimension_numbers = #tpu.dot_dimension_numbers<[1], [0], [0], [1], [0, 0, 1, 1], [], []>, transpose_lhs_hint = false} : vector<2048x8xf32>, vector<8x128xf32>, vector<2048x128xf32> -> vector<2048x128xf32>
    %get3A_60 = arith.constant 3 : index
    %get3A_61 = arith.constant 0 : index
    %get3A_62 = vector.load %arg8[%get3A_60, %get3A_61] : memref<4x128xf32, #tpu.memory_space<vmem>>, vector<1x128xf32>
    %add3A_63 = vector.broadcast %get3A_62 : vector<1x128xf32> to vector<2048x128xf32>
    %add3A_64 = arith.addf %dot_general3A_59, %add3A_63 : vector<2048x128xf32>
    %reduce_max3A = arith.constant dense<0xFF800000> : vector<2048xf32>
    %reduce_max3A_65 = vector.multi_reduction <maximumf>, %add3A_64, %reduce_max3A [1] : vector<2048x128xf32> to vector<2048xf32>
    %broadcast_in_dim3A = vector.shape_cast %reduce_max3A_65 : vector<2048xf32> to vector<2048x1xf32>
    %sub3A = vector.broadcast %broadcast_in_dim3A : vector<2048x1xf32> to vector<2048x128xf32>
    %sub3A_66 = arith.subf %add3A_64, %sub3A : vector<2048x128xf32>
    %exp3A_67 = math.exp %sub3A_66 : vector<2048x128xf32>
    %reduce_sum3A = arith.constant dense<0.000000e+00> : vector<2048xf32>
    %reduce_sum3A_68 = vector.multi_reduction <add>, %exp3A_67, %reduce_sum3A [1] : vector<2048x128xf32> to vector<2048xf32>
    %broadcast_in_dim3A_69 = vector.shape_cast %reduce_sum3A_68 : vector<2048xf32> to vector<2048x1xf32>
    %log3A = math.log %broadcast_in_dim3A_69 : vector<2048x1xf32>
    %add3A_70 = arith.addf %log3A, %broadcast_in_dim3A : vector<2048x1xf32>
    %sub3A_71 = vector.broadcast %add3A_70 : vector<2048x1xf32> to vector<2048x128xf32>
    %sub3A_72 = arith.subf %add3A_64, %sub3A_71 : vector<2048x128xf32>
    %slice3A_73 = vector.extract_strided_slice %sub3A_72 {offsets = [0, 0], sizes = [2048, 49], strides = [1, 1]} : vector<2048x128xf32> to vector<2048x49xf32>
    %swap3A_74 = arith.constant 0 : index
    %swap3A_75 = arith.constant 0 : index
    %swap3A_76 = vector.load %arg10[%swap3A_74, %swap3A_75] : memref<2048x49xf32, #tpu.memory_space<vmem>>, vector<2048x49xf32>
    tpu.vector_store %arg10[%swap3A_74, %swap3A_75], %slice3A_73 {strides = array<i32>} : memref<2048x49xf32, #tpu.memory_space<vmem>>, vector<2048x49xf32>,
    return
  }
  func.func @transform_0(%arg0: i32) -> (i32, i32) {
    %c0_i32 = arith.constant 0 : i32
    %c0_i32_0 = arith.constant 0 : i32
    return %arg0, %c0_i32 : i32, i32
  }
  func.func @transform_1(%arg0: i32) -> (i32, i32) {
    %c0_i32 = arith.constant 0 : i32
    %c0_i32_0 = arith.constant 0 : i32
    return %arg0, %c0_i32 : i32, i32
  }
  func.func @transform_2(%arg0: i32) -> (i32, i32) {
    %c0_i32 = arith.constant 0 : i32
    %c0_i32_0 = arith.constant 0 : i32
    %c0_i32_1 = arith.constant 0 : i32
    return %c0_i32, %c0_i32_0 : i32, i32
  }
  func.func @transform_3(%arg0: i32) -> (i32, i32) {
    %c0_i32 = arith.constant 0 : i32
    %c0_i32_0 = arith.constant 0 : i32
    %c0_i32_1 = arith.constant 0 : i32
    return %c0_i32, %c0_i32_0 : i32, i32
  }
  func.func @transform_4(%arg0: i32) -> (i32, i32) {
    %c0_i32 = arith.constant 0 : i32
    %c0_i32_0 = arith.constant 0 : i32
    %c0_i32_1 = arith.constant 0 : i32
    return %c0_i32, %c0_i32_0 : i32, i32
  }
  func.func @transform_5(%arg0: i32) -> (i32, i32) {
    %c0_i32 = arith.constant 0 : i32
    %c0_i32_0 = arith.constant 0 : i32
    %c0_i32_1 = arith.constant 0 : i32
    return %c0_i32, %c0_i32_0 : i32, i32
  }
  func.func @transform_6(%arg0: i32) -> (i32, i32) {
    %c0_i32 = arith.constant 0 : i32
    %c0_i32_0 = arith.constant 0 : i32
    %c0_i32_1 = arith.constant 0 : i32
    return %c0_i32, %c0_i32_0 : i32, i32
  }
  func.func @transform_7(%arg0: i32) -> (i32, i32) {
    %c0_i32 = arith.constant 0 : i32
    %c0_i32_0 = arith.constant 0 : i32
    %c0_i32_1 = arith.constant 0 : i32
    return %c0_i32, %c0_i32_0 : i32, i32
  }
  func.func @transform_8(%arg0: i32) -> (i32, i32) {
    %c0_i32 = arith.constant 0 : i32
    %c0_i32_0 = arith.constant 0 : i32
    return %arg0, %c0_i32 : i32, i32
  }
  func.func @transform_9(%arg0: i32) -> (i32, i32) {
    %c0_i32 = arith.constant 0 : i32
    %c0_i32_0 = arith.constant 0 : i32
    return %arg0, %c0_i32 : i32, i32
  }
}

</mosaic_0001>

<sc_bundles>
// kernel: kernel.10.cloned.1.call-start
scs
__scs_entry_jumppad:
0x0: {  	(pc) =	sbr.rel $0x88, $3  }
0x1: {  	(tag) =	ssettag $0x0;
	lr =	simm.s32 $0x1  }
0x2: {  	[smem:$0x3F86] =	sst lr;
	_ =	strace $0xD0000000  }
0x3: {  	_ = 	snop  }
0x4: {  	_ = 	snop  }
0x5: {  	_ = 	snop  }
0x6: {  	_ = 	snop  }
0x7: {  	_ = 	snop  }
__scs_overlays_trampoline_lowered:
0x8: {  	[smem:$0x3F95] =	sst s0  }
0x9: {  	[smem:$0x3F96] =	sst s1  }
0xa: {  	[smem:$0x3F97] =	sst s2  }
0xb: {  	[smem:$0x3F98] =	sst s3  }
0xc: {  	[smem:$0x3F99] =	sst s4  }
0xd: {  	[smem:$0x3F9A] =	sst s5  }
0xe: {  	[smem:$0x3F9B] =	sst s6  }
0xf: {  	[smem:$0x3F9C] =	sst s7  }
0x10: {  	[smem:$0x3F9D] =	sst s8  }
0x11: {  	[smem:$0x3F9E] =	sst s9;
	s0 =	simm.s32 @!p0 $0x0  }
0x12: {  	s1 =	sld [smem:$0x3F84];
	s0 =	simm.s32 @p0 $0x1  }
0x13: {  	[smem:$0x3F9F] =	sst s0;
	s0 =	simm.s32 @!p1 $0x0  }
0x14: {  	s2 =	sld [smem:$0x3F83];
	s0 =	simm.s32 @p1 $0x1  }
0x15: {  	[smem:$0x3FA0] =	sst s0;
	s0 =	simm.s32 @!p2 $0x0  }
0x16: {  	s3 =	sld [smem:$0x3FDB];
	s0 =	simm.s32 @p2 $0x1  }
0x17: {  	s4 =	simm.s32 $0x1BF5;
	[smem:$0x3FA2] =	sst s0  }
0x18: {  	s0 =	sld [smem:$0x3F85];
	_ =	swait.ge [sflag:s4], $0x0  }
0x19: {  	s7 =	sld [smem:$0x3F86]  }
0x1a: {  	s8 =	sadd.s32 $0xFFFFE003, lr  }
0x1b: {  	s9 =	sadd.s32 $0xFFFFFEF7, lr;
	s5 =	simm.s32 $0xFFFFFFFF;
	p2 =	slt.u32 s8, $0xFFFFF086  }
0x1c: {  	p1 =	slt.u32 s9, $0xF7A;
	s5 =	simm.s32 @!p2 $0x0  }
0x1d: {  	s5 =	simm.s32 @p1 $0x1;
	p0 =	seq.s32 s7, s2  }
0x1e: {  	s7 =	smul.u32 @!p0 $0xF7A, s2;
	p2 =	seq.s32 @!p0 s5, $0x0  }
0x1f: {  	s9 =	smul.u32 $0xF7A, s1;
	s8 =	simm.s32 @!p0 $0x1BF5;
	p2 =	por !p2, p0  }
0x20: {  	[sflag:s8] =	ssyncset.s32 @!p0 $0xFFFFF086;
	s6 =	sadd.s32 @!p0 s3, s7;
	s7 =	simm.s32 @!p0 $0x108  }
0x21: {  	s3 =	sadd.s32 s3, s9;
	s6 =	sadd.s32 @!p0 $0x88, s6;
	s7 =	simm.s32 @p2 $0x1082  }
0x22: {  	[simem:s7], [sflag:s8] =	dma.local @!p0 [hbm:s6], $0xF7A  }
0x23: {  	s9 =	sor.u32 $0xD0000000, s2;
	s6 =	simm.s32 $0x108;
	_ =	swait.ge @!p0 [sflag:s8], $0x0  }
0x24: {  	s3 =	sadd.s32 $0x88, s3;
	s6 =	simm.s32 @!p1 $0x1082;
	[sflag:s4] =	ssyncset.s32 $0xFFFFF086  }
0x25: {  	[simem:s6], [sflag:s4] =	dma.local [hbm:s3], $0xF7A  }
0x26: {  	[smem:$0x3F86] =	sst s1;
	(tag) =	ssettag s2;
	_ =	strace s9  }
0x27: {  	s1 =	sld [smem:$0x3F96]  }
0x28: {  	s2 =	sld [smem:$0x3F97]  }
0x29: {  	s4 =	sld [smem:$0x3F99]  }
0x2a: {  	p0 =	seq.s32 s5, $0x0;
	s5 =	sld [smem:$0x3F9A]  }
0x2b: {  	s6 =	sld [smem:$0x3F9B]  }
0x2c: {  	s7 =	sld [smem:$0x3F9C]  }
0x2d: {  	s3 =	simm.s32 $0x108;
	s8 =	sld [smem:$0x3F9D]  }
0x2e: {  	s3 =	simm.s32 @!p0 $0x1082;
	s9 =	sld [smem:$0x3F9E]  }
0x2f: {  	lr =	sadd.s32 s0, s3;
	s0 =	sld [smem:$0x3F95]  }
0x30: {  	s3 =	sld [smem:$0x3F98]  }
0x31: {  	[smem:$0x3FA1] =	sst s10  }
0x32: {  	s10 =	sld [smem:$0x3F9F];
	_ =	sdelay $0x3  }
0x33: {  	p0 =	seq.s32 s10, $0x1;
	s10 =	sld [smem:$0x3FA1];
	_ =	sdelay $0x3  }
0x34: {  	[smem:$0x3FA1] =	sst s10  }
0x35: {  	s10 =	sld [smem:$0x3FA0];
	_ =	sdelay $0x3  }
0x36: {  	p1 =	seq.s32 s10, $0x1;
	s10 =	sld [smem:$0x3FA1];
	_ =	sdelay $0x3  }
0x37: {  	[smem:$0x3FA1] =	sst s10  }
0x38: {  	s10 =	sld [smem:$0x3FA2]  }
0x39: {  	_ = 	snop;
	(pc) =	sbr.ind lr, $3  }
0x3a: {  	_ = 	snop  }
0x3b: {  	_ = 	snop  }
0x3c: {  	p2 =	seq.s32 s10, $0x1;
	s10 =	sld [smem:$0x3FA1]  }
0x3d: {  	_ =	shalt  }
0x3e: {  	_ =	shalt  }
0x3f: {  	_ =	shalt  }
0x40: {  	_ =	shalt  }
0x41: {  	_ =	shalt  }
0x42: {  	_ =	shalt  }
0x43: {  	_ =	shalt  }
0x44: {  	_ =	shalt  }
0x45: {  	_ =	shalt  }
0x46: {  	_ =	shalt  }
0x47: {  	_ =	shalt  }
0x48: {  	_ =	shalt  }
0x49: {  	_ =	shalt  }
0x4a: {  	_ =	shalt  }
0x4b: {  	_ =	shalt  }
0x4c: {  	_ =	shalt  }
0x4d: {  	_ =	shalt  }
0x4e: {  	_ =	shalt  }
0x4f: {  	_ =	shalt  }
0x50: {  	_ =	shalt  }
0x51: {  	_ =	shalt  }
0x52: {  	_ =	shalt  }
0x53: {  	_ =	shalt  }
0x54: {  	_ =	shalt  }
0x55: {  	_ =	shalt  }
0x56: {  	_ =	shalt  }
0x57: {  	_ =	shalt  }
0x58: {  	_ =	shalt  }
0x59: {  	_ =	shalt  }
0x5a: {  	_ =	shalt  }
0x5b: {  	_ =	shalt  }
0x5c: {  	_ =	shalt  }
0x5d: {  	_ =	shalt  }
0x5e: {  	_ =	shalt  }
0x5f: {  	_ =	shalt  }
0x60: {  	_ =	shalt  }
0x61: {  	_ =	shalt  }
0x62: {  	_ =	shalt  }
0x63: {  	_ =	shalt  }
0x64: {  	_ =	shalt  }
0x65: {  	_ =	shalt  }
0x66: {  	_ =	shalt  }
0x67: {  	_ =	shalt  }
0x68: {  	_ =	shalt  }
0x69: {  	_ =	shalt  }
0x6a: {  	_ =	shalt  }
0x6b: {  	_ =	shalt  }
0x6c: {  	_ =	shalt  }
0x6d: {  	_ =	shalt  }
0x6e: {  	_ =	shalt  }
0x6f: {  	_ =	shalt  }
0x70: {  	_ =	shalt  }
0x71: {  	_ =	shalt  }
0x72: {  	_ =	shalt  }
0x73: {  	_ =	shalt  }
0x74: {  	_ =	shalt  }
0x75: {  	_ =	shalt  }
0x76: {  	_ =	shalt  }
0x77: {  	_ =	shalt  }
0x78: {  	_ =	shalt  }
0x79: {  	_ =	shalt  }
0x7a: {  	_ =	shalt  }
0x7b: {  	_ =	shalt  }
0x7c: {  	_ =	shalt  }
0x7d: {  	_ =	shalt  }
0x7e: {  	_ =	shalt  }
0x7f: {  	_ =	shalt  }
0x80: {  	_ =	shalt  }
0x81: {  	_ =	shalt  }
0x82: {  	_ =	shalt  }
0x83: {  	_ =	shalt  }
0x84: {  	_ =	shalt  }
0x85: {  	_ =	shalt  }
0x86: {  	_ =	shalt  }
0x87: {  	_ =	shalt  }
.Lfunc_end0:
.L_simem_size_0:
called_computation_lowered:
.L_overlay_start_0:
0x88: {  	s2 =	sld [smem:$0x3FD9]  }
0x89: {  	s3 =	sld [smem:$0x3FFE];
	_ =	sdelay $0x1  }
0x8a: {  	s1 =	srdreg.scid  }
0x8b: {  	s0 =	sand.u32 $0x1, s1  }
0x8c: {  	s16 =	sshll.u32 s0, $0xA;
	s2 =	sadd.s32 s3, s2  }
0x8d: {  	s2 =	sadd.s32 s2, s16  }
0x8e: {  	[smem:$0x3FAD] =	sst s2  }
0x8f: {  	_ = 	snop  }
0x90: {  	(tm) =	ssettm $0x1  }
0x91: {  	s17 =	sld [smem:$0x3FFB];
	_ =	sdelay $0x3  }
0x92: {  	_ =	strace s17  }
0x93: {  	s2 =	sld [smem:$0x3FFC];
	_ =	sdelay $0x3  }
0x94: {  	_ =	strace s2  }
0x95: {  	s2 =	sld [smem:$0x3FFD];
	_ =	sdelay $0x3  }
0x96: {  	_ =	strace s2  }
0x97: {  	_ =	strace $0x8FFFFFFF  }
0x98: {  	s18 =	sld [smem:$0x3FDB];
	_ =	sdelay $0x1  }
0x99: {  	s19 =	simm.s32 $_scs_section_size  }
0x9a: {  	s4 =	simm.s32 $_size__tile_overlayer_lowered;
	s5 =	simm.s32 $_tile_overlayer_lowered  }
0x9b: {  	s22 =	simm.s32 $0x1BFF;
	s21 =	sshll.u32 s5, $0x1;
	s2 =	sadd.s32 s19, s18  }
0x9c: {  	s6 =	simm.s32 $0x0;
	s20 =	sshll.u32 s4, $0x1;
	s4 =	sadd.s32 s21, s2  }
0x9d: {  	[timem:s6], [sflag:s22] =	dma.local [hbm:s4], s20  }
0x9e: {  	_ =	swait.ge [sflag:s22], s20  }
0x9f: {  	s3 =	ssub.s32 $0x0, s20;
	[sflag:s22] =	ssyncset.done $0x0  }
0xa0: {  	[sflag:s22] =	ssyncadd.s32 s3;
	_ =	sdelay $0x1  }
0xa1: {  	s23 =	simm.s32 $0x1B8B  }
0xa2: {  	_ =	swait.ge [sflag:s23], $0x1  }
0xa3: {  	[sflag:s23] =	ssyncset.done $0x0  }
0xa4: {  	s25 =	simm.s32 $0x1B8E;
	s24 =	sld [smem:$0x3FFE];
	[sflag:s23] =	ssyncadd.s32 $0xFFFFFFFF  }
0xa5: {  	s26 =	simm.s32 $execute0_lowered;
	[smem:$0x3FD2] =	sst s25  }
0xa6: {  	s4 =	sshll.u32 s26, $0x1;
	_ =	strace $0x80000046;
	[dreg:$0x1] =	wrdreg $0xFFFFFFFF  }
0xa7: {  	s28 =	simm.s32 $_size_execute0_lowered;
	s2 =	sadd.s32 s2, s4;
	[dreg:$0x0] =	wrdreg $0x0  }
0xa8: {  	s4 =	sshll.u32 s28, $0x1;
	[dreg:$0x2] =	wrdreg s2  }
0xa9: {  	[dreg:$0x3] =	wrdreg s4  }
0xaa: {  	[dreg:$0x4] =	wrdreg $0xC0  }
0xab: {  	_ =	task [dreg:s6], $0x5FFFF  }
0xac: {  	[dreg:$0x1] =	wrdreg $0xFFFFFFFF  }
0xad: {  	[dreg:$0x0] =	wrdreg $0x60  }
0xae: {  	[dreg:$0x2] =	wrdreg s24  }
0xaf: {  	[dreg:$0x3] =	wrdreg $0x28800  }
0xb0: {  	[dreg:$0x4] =	wrdreg $0x9  }
0xb1: {  	_ =	task.clear_ibuf [dreg:s6], $0x5FFFF;
	_ =	strace $0x90000046  }
0xb2: {  	s29 =	simm.s32 $0x9;
	_ =	strace $0x80000048  }
0xb3: {  	_ =	swait.ge [sflag:s29], $0x1  }
0xb4: {  	[sflag:s29] =	ssyncadd.s32 $0xFFFFFFFF  }
0xb5: {  	_ =	strace $0x90000048  }
0xb6: {  	_ =	sfence  }
0xb7: {  	s30 =	sld [smem:$0x0];
	_ =	sdelay $0x2  }
0xb8: {  	s31 =	sshll.u32 s1, $0xD;
	s1 =	sshrl.u32 s1, $0x2  }
0xb9: {  	s3 =	sand.u32 $0x4000, s31;
	s1 =	sadd.s32 s1, s30  }
0xba: {  	s0 =	sor.u32 s3, s0;
	s1 =	sshll.u32 s1, $0x11  }
0xbb: {  	s0 =	sor.u32 s1, s0  }
0xbc: {  	s0 =	sadd.s32 $0x8F2B, s0  }
0xbd: {  	[sflag:s0] =	ssyncadd.remote.s32 $0x1  }
0xbe: {  	_ =	sfence.sel $0xFFFF  }
0xbf: {  	[dreg:$0x0] =	wrdreg $0xFFFFFFFF;
	(pc) =	sbr.abs _section_cstart, $3  }
0xc0: {  	[dreg:$0x1] =	wrdreg $0xFFFFFFFF  }
0xc1: {  	_ =	task.clear_ibuf [dreg:s6], $0x2FFFF;
	_ =	strace $0x9FFFFFFF  }
0xc2: {  	(tm) =	ssettm $0x7FFFFFFF  }
0xc3: {  	_ =	shalt  }
tec
execute0_lowered:
.L_overlay_start_1:
0x0: {  	(tag) =	ssettag $0x1  }
0x1: {  	s0 =	srdreg.scid;
	s4 =	rddreg [dreg:$0x0]  }
0x2: {  	s6 =	stileid.u32;
	s1 =	rddreg [dreg:$0x1]  }
0x3: {  	s2 =	simm.s32 $0x0;
	s10 =	simm.s32 $0x2800;
	s11 =	simm.s32 $0x0  }
0x4: {  	s3 =	sand.u32 $0x1, s0;
	[smem:$0x7FF] =	sst s2;
	p0 =	sne.s32 s6, $0x0  }
0x5: {  	s0 =	sshll.u32 s3, $0x4;
	s7 =	smul.u32 $0x4F0, s3;
	s8 =	ssub.s32 $0x2, s3  }
0x6: {  	s3 =	sadd.s32 $0x10000, s4;
	s5 =	sor.u32 s6, s0;
	s0 =	rddreg [dreg:$0x2]  }
0x7: {  	_ =	strace $0x80000047;
	s9 =	sshrl.u32 s8, $0x1;
	s5 =	smul.u32 $0x500, s5  }
0x8: {  	s7 =	sadd.s32 s7, s4;
	s8 =	ssub.s32 s8, s9;
	s9 =	simm.s32 $0x80  }
0x9: {  	s6 =	smax.u32 s8, $0x1;
	s8 =	simm.s32 $0x1;
	s5 =	sadd.s32 s5, s4  }
0xa: {  	v0 =	vimm.f32 $1.000000000e+00;
	s4 =	sadd.s32 $0x6000, s5;
	s5 =	sadd.s32 $0x10600, s7;
	s7 =	sshrl.u32 @!p0 s1, $0x3  }
.LBB2_1:
0xb: {  	[tilespmem:$0x2800] =	vst v0  }
0xc: {  	[tilespmem:$0x2810] =	vst v0  }
0xd: {  	[tilespmem:$0x2820] =	vst v0  }
0xe: {  	[tilespmem:$0x2830] =	vst v0  }
0xf: {  	[tilespmem:$0x2840] =	vst v0  }
0x10: {  	[tilespmem:$0x2850] =	vst v0  }
0x11: {  	[tilespmem:$0x2860] =	vst v0  }
0x12: {  	[tilespmem:$0x2870] =	vst v0;
	s12 =	simm.s32 @!p0 $0x1C01  }
0x13: {  	[spmem:s7], [sflag:s12] =	dma.local @!p0 [hbm:s3], $0x4F0  }
0x14: {  	s12 =	simm.s32 @!p0 $0x1  }
0x15: {  	_ =	swait.ge @!p0 [sflag:s12], $0x4F0  }
0x16: {  	[sflag:s12] =	ssyncset.done @!p0 $0x0  }
0x17: {  	[sflag:s12] =	ssyncadd.s32 @!p0 $0xFFFFFB10  }
0x18: {  	[tilespmem:s2], [sflag:$0x1] =	stream.linear.gather [hbm4b:s4+s2], $0x2800, $0x38;
	[tilespmem:$0x2AF8] =	vst v63  }
0x19: {  	_ =	swait.ge [sflag:s8], $0x2800  }
0x1a: {  	[sflag:s8] =	ssyncset.done $0x0  }
0x1b: {  	[sflag:s8] =	ssyncadd.s32 $0xFFFFD800  }
0x1c: {  	s31 =	simm.s32 $0x0;
	[bflag:$0x0] =	sbarrier.arrive $0xFFFF  }
0x1d: {  	[spmem:s1] =	stream.indirect.scatter.add.f32 [tilespmem:s10], [sflag:$0x1], $0x1, s31, s9, $0xb8;
	[tilespmem:$0x2AF8] =	vst v63  }
0x1e: {  	_ =	swait.ge [sflag:s8], $0x80  }
0x1f: {  	s12 =	simm.s32 $0x200;
	[sflag:s8] =	ssyncset.done $0x0  }
.LBB2_2:
0x20: {  	s13 =	sshra.s32 s12, $0x2;
	[sflag:s8] =	ssyncadd.s32 $0xFFFFFF80;
	p1 =	sne.s32 s12, $0x9E00  }
0x21: {  	[spmem:s1] =	stream.indirect.scatter.add.f32 [tilespmem:s10], [sflag:$0x1], $0x1, s13, s9, $0xb8;
	[tilespmem:$0x2AF8] =	vst v63  }
.Ltmp0:
0x22: {  	_ = 	snop;
	(pc) =	sbr.rel @p1 .LBB2_2-.Ltmp0, $4  }
0x23: {  	_ = 	snop  }
0x24: {  	s12 =	sadd.s32 $0x200, s12  }
0x25: {  	_ =	swait.ge [sflag:s8], $0x80  }
0x26: {  	[sflag:s8] =	ssyncset.done $0x0  }
0x27: {  	[sflag:s8] =	ssyncadd.s32 $0xFFFFFF80;
	s11 =	sadd.s32 $0x1, s11  }
0x28: {  	s12 =	simm.s32 @!p0 $0x1C01;
	[bflag:$0x0] =	sbarrier.arrive $0xFFFF;
	p1 =	sne.s32 s11, s6  }
0x29: {  	[hbm:s5], [sflag:s12] =	dma.local @!p0 [spmem:s7], $0x4F0  }
.Ltmp1:
0x2a: {  	_ = 	snop;
	(pc) =	sbr.rel @p1 .LBB2_1-.Ltmp1, $4  }
0x2b: {  	s12 =	simm.s32 @!p0 $0x1  }
0x2c: {  	_ =	swait.ge @!p0 [sflag:s12], $0x4F0  }
0x2d: {  	[sflag:s12] =	ssyncset.done @!p0 $0x0  }
0x2e: {  	[sflag:s12] =	ssyncadd.s32 @!p0 $0xFFFFFB10  }
0x2f: {  	_ =	sfence.sel $0x180000  }
0x30: {  	[bflag:$0x0] =	sbarrier.arrive $0xFFFF  }
0x31: {  	_ =	strace $0x90000047  }
0x32: {  	s0 =	sadd.s32 @!p0 $0x100000, s0;
	[bflag:$0x2] =	sbarrier.arrive $0xFFFF  }
0x33: {  	[sflag:s0] =	ssyncadd.tile.s32 @!p0 $0x1;
	_ =	shalt  }
.Lfunc_end2:
_tile_overlayer_lowered:
.L_overlay_start_2:
0x34: {  	(tag) =	ssettag $0x2  }
0x35: {  	s0 =	rddreg [dreg:$0x0];
	s2 =	stileid.u32  }
0x36: {  	s1 =	rddreg [dreg:$0x1];
	p0 =	sne.s32 s2, $0x0  }
0x37: {  	s3 =	rddreg [dreg:$0x2];
	[bflag:$0x3] =	sbarrier.arrive $0xFFFF;
	s2 =	simm.s32 @!p0 $0x1C01  }
0x38: {  	[timem:s3], [sflag:s2] =	dma.local @!p0 [hbm:s0], s1  }
0x39: {  	s0 =	simm.s32 @!p0 $0x1  }
0x3a: {  	_ =	swait.ge @!p0 [sflag:s0], s1  }
0x3b: {  	s1 =	ssub.s32 @!p0 $0x0, s1;
	[sflag:s0] =	ssyncset.done @!p0 $0x0  }
0x3c: {  	[sflag:s0] =	ssyncadd.s32 @!p0 s1  }
0x3d: {  	[bflag:$0x3] =	sbarrier.arrive $0xFFFF  }
0x3e: {  	_ =	shalt  }

// kernel: kernel.13.cloned.1.call-start
scs
__scs_entry_jumppad:
0x0: {  	(pc) =	sbr.rel $0x88, $3  }
0x1: {  	(tag) =	ssettag $0x0;
	lr =	simm.s32 $0x1  }
0x2: {  	[smem:$0x3F86] =	sst lr;
	_ =	strace $0xD0000000  }
0x3: {  	_ = 	snop  }
0x4: {  	_ = 	snop  }
0x5: {  	_ = 	snop  }
0x6: {  	_ = 	snop  }
0x7: {  	_ = 	snop  }
__scs_overlays_trampoline_lowered:
0x8: {  	[smem:$0x3F95] =	sst s0  }
0x9: {  	[smem:$0x3F96] =	sst s1  }
0xa: {  	[smem:$0x3F97] =	sst s2  }
0xb: {  	[smem:$0x3F98] =	sst s3  }
0xc: {  	[smem:$0x3F99] =	sst s4  }
0xd: {  	[smem:$0x3F9A] =	sst s5  }
0xe: {  	[smem:$0x3F9B] =	sst s6  }
0xf: {  	[smem:$0x3F9C] =	sst s7  }
0x10: {  	[smem:$0x3F9D] =	sst s8  }
0x11: {  	[smem:$0x3F9E] =	sst s9;
	s0 =	simm.s32 @!p0 $0x0  }
0x12: {  	s1 =	sld [smem:$0x3F84];
	s0 =	simm.s32 @p0 $0x1  }
0x13: {  	[smem:$0x3F9F] =	sst s0;
	s0 =	simm.s32 @!p1 $0x0  }
0x14: {  	s2 =	sld [smem:$0x3F83];
	s0 =	simm.s32 @p1 $0x1  }
0x15: {  	[smem:$0x3FA0] =	sst s0;
	s0 =	simm.s32 @!p2 $0x0  }
0x16: {  	s3 =	sld [smem:$0x3FDB];
	s0 =	simm.s32 @p2 $0x1  }
0x17: {  	s4 =	simm.s32 $0x1BF5;
	[smem:$0x3FA2] =	sst s0  }
0x18: {  	s0 =	sld [smem:$0x3F85];
	_ =	swait.ge [sflag:s4], $0x0  }
0x19: {  	s7 =	sld [smem:$0x3F86]  }
0x1a: {  	s8 =	sadd.s32 $0xFFFFE003, lr  }
0x1b: {  	s9 =	sadd.s32 $0xFFFFFEF7, lr;
	s5 =	simm.s32 $0xFFFFFFFF;
	p2 =	slt.u32 s8, $0xFFFFF086  }
0x1c: {  	p1 =	slt.u32 s9, $0xF7A;
	s5 =	simm.s32 @!p2 $0x0  }
0x1d: {  	s5 =	simm.s32 @p1 $0x1;
	p0 =	seq.s32 s7, s2  }
0x1e: {  	s7 =	smul.u32 @!p0 $0xF7A, s2;
	p2 =	seq.s32 @!p0 s5, $0x0  }
0x1f: {  	s9 =	smul.u32 $0xF7A, s1;
	s8 =	simm.s32 @!p0 $0x1BF5;
	p2 =	por !p2, p0  }
0x20: {  	[sflag:s8] =	ssyncset.s32 @!p0 $0xFFFFF086;
	s6 =	sadd.s32 @!p0 s3, s7;
	s7 =	simm.s32 @!p0 $0x108  }
0x21: {  	s3 =	sadd.s32 s3, s9;
	s6 =	sadd.s32 @!p0 $0x88, s6;
	s7 =	simm.s32 @p2 $0x1082  }
0x22: {  	[simem:s7], [sflag:s8] =	dma.local @!p0 [hbm:s6], $0xF7A  }
0x23: {  	s9 =	sor.u32 $0xD0000000, s2;
	s6 =	simm.s32 $0x108;
	_ =	swait.ge @!p0 [sflag:s8], $0x0  }
0x24: {  	s3 =	sadd.s32 $0x88, s3;
	s6 =	simm.s32 @!p1 $0x1082;
	[sflag:s4] =	ssyncset.s32 $0xFFFFF086  }
0x25: {  	[simem:s6], [sflag:s4] =	dma.local [hbm:s3], $0xF7A  }
0x26: {  	[smem:$0x3F86] =	sst s1;
	(tag) =	ssettag s2;
	_ =	strace s9  }
0x27: {  	s1 =	sld [smem:$0x3F96]  }
0x28: {  	s2 =	sld [smem:$0x3F97]  }
0x29: {  	s4 =	sld [smem:$0x3F99]  }
0x2a: {  	p0 =	seq.s32 s5, $0x0;
	s5 =	sld [smem:$0x3F9A]  }
0x2b: {  	s6 =	sld [smem:$0x3F9B]  }
0x2c: {  	s7 =	sld [smem:$0x3F9C]  }
0x2d: {  	s3 =	simm.s32 $0x108;
	s8 =	sld [smem:$0x3F9D]  }
0x2e: {  	s3 =	simm.s32 @!p0 $0x1082;
	s9 =	sld [smem:$0x3F9E]  }
0x2f: {  	lr =	sadd.s32 s0, s3;
	s0 =	sld [smem:$0x3F95]  }
0x30: {  	s3 =	sld [smem:$0x3F98]  }
0x31: {  	[smem:$0x3FA1] =	sst s10  }
0x32: {  	s10 =	sld [smem:$0x3F9F];
	_ =	sdelay $0x3  }
0x33: {  	p0 =	seq.s32 s10, $0x1;
	s10 =	sld [smem:$0x3FA1];
	_ =	sdelay $0x3  }
0x34: {  	[smem:$0x3FA1] =	sst s10  }
0x35: {  	s10 =	sld [smem:$0x3FA0];
	_ =	sdelay $0x3  }
0x36: {  	p1 =	seq.s32 s10, $0x1;
	s10 =	sld [smem:$0x3FA1];
	_ =	sdelay $0x3  }
0x37: {  	[smem:$0x3FA1] =	sst s10  }
0x38: {  	s10 =	sld [smem:$0x3FA2]  }
0x39: {  	_ = 	snop;
	(pc) =	sbr.ind lr, $3  }
0x3a: {  	_ = 	snop  }
0x3b: {  	_ = 	snop  }
0x3c: {  	p2 =	seq.s32 s10, $0x1;
	s10 =	sld [smem:$0x3FA1]  }
0x3d: {  	_ =	shalt  }
0x3e: {  	_ =	shalt  }
0x3f: {  	_ =	shalt  }
0x40: {  	_ =	shalt  }
0x41: {  	_ =	shalt  }
0x42: {  	_ =	shalt  }
0x43: {  	_ =	shalt  }
0x44: {  	_ =	shalt  }
0x45: {  	_ =	shalt  }
0x46: {  	_ =	shalt  }
0x47: {  	_ =	shalt  }
0x48: {  	_ =	shalt  }
0x49: {  	_ =	shalt  }
0x4a: {  	_ =	shalt  }
0x4b: {  	_ =	shalt  }
0x4c: {  	_ =	shalt  }
0x4d: {  	_ =	shalt  }
0x4e: {  	_ =	shalt  }
0x4f: {  	_ =	shalt  }
0x50: {  	_ =	shalt  }
0x51: {  	_ =	shalt  }
0x52: {  	_ =	shalt  }
0x53: {  	_ =	shalt  }
0x54: {  	_ =	shalt  }
0x55: {  	_ =	shalt  }
0x56: {  	_ =	shalt  }
0x57: {  	_ =	shalt  }
0x58: {  	_ =	shalt  }
0x59: {  	_ =	shalt  }
0x5a: {  	_ =	shalt  }
0x5b: {  	_ =	shalt  }
0x5c: {  	_ =	shalt  }
0x5d: {  	_ =	shalt  }
0x5e: {  	_ =	shalt  }
0x5f: {  	_ =	shalt  }
0x60: {  	_ =	shalt  }
0x61: {  	_ =	shalt  }
0x62: {  	_ =	shalt  }
0x63: {  	_ =	shalt  }
0x64: {  	_ =	shalt  }
0x65: {  	_ =	shalt  }
0x66: {  	_ =	shalt  }
0x67: {  	_ =	shalt  }
0x68: {  	_ =	shalt  }
0x69: {  	_ =	shalt  }
0x6a: {  	_ =	shalt  }
0x6b: {  	_ =	shalt  }
0x6c: {  	_ =	shalt  }
0x6d: {  	_ =	shalt  }
0x6e: {  	_ =	shalt  }
0x6f: {  	_ =	shalt  }
0x70: {  	_ =	shalt  }
0x71: {  	_ =	shalt  }
0x72: {  	_ =	shalt  }
0x73: {  	_ =	shalt  }
0x74: {  	_ =	shalt  }
0x75: {  	_ =	shalt  }
0x76: {  	_ =	shalt  }
0x77: {  	_ =	shalt  }
0x78: {  	_ =	shalt  }
0x79: {  	_ =	shalt  }
0x7a: {  	_ =	shalt  }
0x7b: {  	_ =	shalt  }
0x7c: {  	_ =	shalt  }
0x7d: {  	_ =	shalt  }
0x7e: {  	_ =	shalt  }
0x7f: {  	_ =	shalt  }
0x80: {  	_ =	shalt  }
0x81: {  	_ =	shalt  }
0x82: {  	_ =	shalt  }
0x83: {  	_ =	shalt  }
0x84: {  	_ =	shalt  }
0x85: {  	_ =	shalt  }
0x86: {  	_ =	shalt  }
0x87: {  	_ =	shalt  }
.Lfunc_end0:
.L_simem_size_0:
called_computation.1_lowered:
.L_overlay_start_0:
0x88: {  	s2 =	sld [smem:$0x3FD9]  }
0x89: {  	s3 =	sld [smem:$0x3FFE];
	_ =	sdelay $0x1  }
0x8a: {  	s1 =	srdreg.scid  }
0x8b: {  	s0 =	sand.u32 $0x1, s1  }
0x8c: {  	s14 =	sshll.u32 s0, $0xA;
	s2 =	sadd.s32 s3, s2  }
0x8d: {  	s2 =	sadd.s32 s2, s14  }
0x8e: {  	[smem:$0x3FAD] =	sst s2  }
0x8f: {  	_ = 	snop  }
0x90: {  	s2 =	sld [smem:$0x3FD0];
	_ =	sdelay $0x2  }
0x91: {  	s15 =	simm.s32 $0xA;
	s4 =	simm.s32 $0x10  }
0x92: {  	[smem:s4], [sflag:s15] =	dma.local [hbm:s2], $0x1  }
0x93: {  	_ =	swait.eq [sflag:s15], $0x1  }
0x94: {  	[sflag:s15] =	ssyncset.done $0x0  }
0x95: {  	[sflag:s15] =	ssyncadd.s32 $0xFFFFFFFF  }
0x96: {  	s16 =	sld [smem:$0x11];
	(tm) =	ssettm $0x1  }
0x97: {  	s17 =	sld [smem:$0x3FFB];
	_ =	sdelay $0x3  }
0x98: {  	_ =	strace s17  }
0x99: {  	s3 =	sld [smem:$0x3FFC];
	_ =	sdelay $0x3  }
0x9a: {  	_ =	strace s3  }
0x9b: {  	s3 =	sld [smem:$0x3FFD];
	_ =	sdelay $0x3  }
0x9c: {  	_ =	strace s3  }
0x9d: {  	_ =	strace $0x8FFFFFFF  }
0x9e: {  	s18 =	sld [smem:$0x3FDB];
	_ =	sdelay $0x1  }
0x9f: {  	s19 =	simm.s32 $_scs_section_size  }
0xa0: {  	s5 =	simm.s32 $_size__tile_overlayer_lowered;
	s6 =	simm.s32 $_tile_overlayer_lowered  }
0xa1: {  	s22 =	simm.s32 $0x1BFF;
	s21 =	sshll.u32 s6, $0x1;
	s3 =	sadd.s32 s19, s18  }
0xa2: {  	s7 =	simm.s32 $0x0;
	s20 =	sshll.u32 s5, $0x1;
	s5 =	sadd.s32 s21, s3  }
0xa3: {  	[timem:s7], [sflag:s22] =	dma.local [hbm:s5], s20  }
0xa4: {  	_ =	swait.ge [sflag:s22], s20  }
0xa5: {  	s4 =	ssub.s32 $0x0, s20;
	[sflag:s22] =	ssyncset.done $0x0  }
0xa6: {  	[sflag:s22] =	ssyncadd.s32 s4;
	_ =	sdelay $0x1  }
0xa7: {  	s23 =	simm.s32 $0x1B8B  }
0xa8: {  	_ =	swait.ge [sflag:s23], $0x1  }
0xa9: {  	[sflag:s23] =	ssyncset.done $0x0  }
0xaa: {  	s25 =	simm.s32 $0x1B8E;
	s24 =	sld [smem:$0x3FFE];
	[sflag:s23] =	ssyncadd.s32 $0xFFFFFFFF  }
0xab: {  	s26 =	simm.s32 $execute0_lowered;
	[smem:$0x3FD2] =	sst s25  }
0xac: {  	s5 =	sshll.u32 s26, $0x1;
	_ =	strace $0x80000049;
	[dreg:$0x1] =	wrdreg $0xFFFFFFFF  }
0xad: {  	s28 =	simm.s32 $_size_execute0_lowered;
	s3 =	sadd.s32 s3, s5;
	[dreg:$0x0] =	wrdreg $0x0  }
0xae: {  	s5 =	sshll.u32 s28, $0x1;
	[dreg:$0x2] =	wrdreg s3  }
0xaf: {  	[dreg:$0x3] =	wrdreg s5  }
0xb0: {  	[dreg:$0x4] =	wrdreg $0xC0  }
0xb1: {  	_ =	task [dreg:s7], $0x5FFFF  }
0xb2: {  	[dreg:$0x1] =	wrdreg $0xFFFFFFFF  }
0xb3: {  	[dreg:$0x0] =	wrdreg $0x60  }
0xb4: {  	[dreg:$0x2] =	wrdreg s24  }
0xb5: {  	[dreg:$0x3] =	wrdreg s16  }
0xb6: {  	[dreg:$0x4] =	wrdreg $0xA9800  }
0xb7: {  	[dreg:$0x5] =	wrdreg $0x9  }
0xb8: {  	_ =	task.clear_ibuf [dreg:s7], $0x6FFFF;
	_ =	strace $0x90000049  }
0xb9: {  	s29 =	simm.s32 $0x9;
	_ =	strace $0x8000004B  }
0xba: {  	_ =	swait.ge [sflag:s29], $0x1  }
0xbb: {  	[sflag:s29] =	ssyncadd.s32 $0xFFFFFFFF  }
0xbc: {  	_ =	strace $0x9000004B  }
0xbd: {  	_ =	sfence  }
0xbe: {  	s30 =	sld [smem:$0x0];
	_ =	sdelay $0x2  }
0xbf: {  	s31 =	sshll.u32 s1, $0xD;
	s1 =	sshrl.u32 s1, $0x2  }
0xc0: {  	s3 =	sand.u32 $0x4000, s31;
	s1 =	sadd.s32 s1, s30  }
0xc1: {  	s0 =	sor.u32 s3, s0;
	s1 =	sshll.u32 s1, $0x11  }
0xc2: {  	s0 =	sor.u32 s1, s0  }
0xc3: {  	s0 =	sadd.s32 $0x8F2B, s0  }
0xc4: {  	[sflag:s0] =	ssyncadd.remote.s32 $0x1  }
0xc5: {  	_ =	sfence.sel $0xFFFF  }
0xc6: {  	[dreg:$0x0] =	wrdreg $0xFFFFFFFF;
	(pc) =	sbr.abs _section_cstart, $3  }
0xc7: {  	[dreg:$0x1] =	wrdreg $0xFFFFFFFF  }
0xc8: {  	_ =	task.clear_ibuf [dreg:s7], $0x2FFFF;
	_ =	strace $0x9FFFFFFF  }
0xc9: {  	(tm) =	ssettm $0x7FFFFFFF  }
tec
execute0_lowered:
.L_overlay_start_1:
0x0: {  	(tag) =	ssettag $0x1  }
0x1: {  	s5 =	rddreg [dreg:$0x0]  }
0x2: {  	s7 =	rddreg [dreg:$0x1];
	s0 =	stileid.u32  }
0x3: {  	s1 =	srdreg.scid;
	s2 =	rddreg [dreg:$0x2];
	s3 =	simm.s32 $0x0  }
0x4: {  	s13 =	simm.s32 $0x2800;
	s14 =	simm.s32 $0x2980;
	s15 =	simm.s32 $0x2880  }
0x5: {  	s16 =	simm.s32 $0x6980;
	s17 =	simm.s32 $0x1;
	s18 =	simm.s32 $0x2900  }
0x6: {  	s19 =	simm.s32 $0x2;
	s20 =	simm.s32 $0x0;
	s4 =	smul.u32 $0x13C00, s0  }
0x7: {  	s6 =	sand.u32 $0x1, s1;
	s1 =	rddreg [dreg:$0x3];
	s11 =	smul.u32 $0x4F000, s0  }
0x8: {  	[smem:$0x7FF] =	sst s3;
	s31 =	sshll.u32 s0, $0x6;
	s8 =	smul.u32 $0x13C000, s6  }
0x9: {  	_ =	strace $0x8000004A;
	s10 =	ssub.s32 $0x2, s6;
	s6 =	sshll.u32 s6, $0x4  }
0xa: {  	s9 =	sshrl.u32 s4, $0x3;
	s28 =	sshrl.u32 s10, $0x1;
	s6 =	sor.u32 s0, s6  }
0xb: {  	s29 =	sshrl.u32 s11, $0x2;
	s11 =	simm.s32 $0x3;
	s8 =	sadd.s32 s4, s8  }
.Ltmp0:
0xc: {  	s4 =	sadd.s32 $0x6000, s5;
	s9 =	sadd.s32 s9, s5;
	(pc) =	sbr.rel .LBB2_1-.Ltmp0, $4  }
0xd: {  	s10 =	ssub.s32 s10, s28;
	s30 =	smul.u32 $0x500, s6;
	s8 =	sshrl.u32 s8, $0x3  }
0xe: {  	s12 =	sadd.s32 s29, s2;
	s6 =	sor.u32 $0x1C03, s31;
	s8 =	sadd.s32 s8, s5  }
0xf: {  	s5 =	sadd.s32 $0x2D200, s9;
	s7 =	sadd.s32 s7, s30;
	s9 =	smax.u32 s10, $0x1  }
0x10: {  	s10 =	sshrl.u32 s12, $0x3;
	s12 =	simm.s32 $0x80;
	s8 =	sadd.s32 $0x54A00, s8  }
.LBB2_4:
0x11: {  	s20 =	sadd.s32 $0x1, s20  }
0x12: {  	p0 =	sne.s32 s20, s9  }
.Ltmp1:
0x13: {  	[bflag:$0x0] =	sbarrier.arrive $0xFFFF;
	(pc) =	sbr.rel @!p0 .LBB2_5-.Ltmp1, $4  }
0x14: {  	[hbm:s8], [sflag:s6] =	dma.local [spmem:s10], $0x2780  }
0x15: {  	_ =	swait.ge [sflag:s11], $0x2780  }
0x16: {  	[sflag:s11] =	ssyncset.done $0x0  }
0x17: {  	[sflag:s11] =	ssyncadd.s32 $0xFFFFD880  }
.LBB2_1:
0x18: {  	[spmem:s10], [sflag:s6] =	dma.local [hbm:s5], $0x2780  }
0x19: {  	_ =	swait.ge [sflag:s11], $0x2780  }
0x1a: {  	[sflag:s11] =	ssyncset.done $0x0  }
0x1b: {  	[sflag:s11] =	ssyncadd.s32 $0xFFFFD880  }
0x1c: {  	[tilespmem:s3], [sflag:$0x3] =	stream.linear.gather [hbm4b:s7+s3], $0x2800, $0x38;
	[tilespmem:$0x1E580] =	vst v63  }
0x1d: {  	_ =	swait.ge [sflag:s11], $0x2800  }
0x1e: {  	[sflag:s11] =	ssyncset.done $0x0  }
0x1f: {  	[sflag:s11] =	ssyncadd.s32 $0xFFFFD800  }
0x20: {  	[bflag:$0x0] =	sbarrier.arrive $0xFFFF  }
0x21: {  	v0 =	vld [tilespmem:$0x0]  }
0x22: {  	v1 =	vld [tilespmem:$0x10]  }
0x23: {  	v2 =	vld [tilespmem:$0x20]  }
0x24: {  	v3 =	vld [tilespmem:$0x30]  }
0x25: {  	v4 =	vld [tilespmem:$0x40]  }
0x26: {  	v5 =	vld [tilespmem:$0x50];
	v0 =	vshrl.u32 v0, $0xE  }
0x27: {  	v41 =	vld [tilespmem:$0x60];
	v40 =	vshrl.u32 v1, $0xE;
	[tilespmem:$0x2800] =	vst v0  }
0x28: {  	v43 =	vld [tilespmem:$0x70];
	v42 =	vshrl.u32 v2, $0xE;
	[tilespmem:$0x2810] =	vst v40  }
0x29: {  	v44 =	vshrl.u32 v3, $0xE;
	[tilespmem:$0x2820] =	vst v42  }
0x2a: {  	v45 =	vshrl.u32 v4, $0xE;
	[tilespmem:$0x2830] =	vst v44  }
0x2b: {  	v46 =	vshrl.u32 v5, $0xE;
	[tilespmem:$0x2840] =	vst v45  }
0x2c: {  	v47 =	vshrl.u32 v41, $0xE;
	[tilespmem:$0x2850] =	vst v46  }
0x2d: {  	v48 =	vshrl.u32 v43, $0xE;
	[tilespmem:$0x2860] =	vst v47  }
0x2e: {  	[tilespmem:$0x2870] =	vst v48  }
0x2f: {  	[tilespmem:s14], [sflag:$0x1] =	stream.indirect.gather [hbm4b:s4+s12], $0x80, s13, s12, $0xb8;
	[tilespmem:$0x1E580] =	vst v63  }
0x30: {  	v49 =	vld [tilespmem:$0x80]  }
0x31: {  	v50 =	vld [tilespmem:$0x90]  }
0x32: {  	v51 =	vld [tilespmem:$0xA0]  }
0x33: {  	v52 =	vld [tilespmem:$0xB0]  }
0x34: {  	v53 =	vld [tilespmem:$0xC0]  }
0x35: {  	v54 =	vld [tilespmem:$0xD0];
	v0 =	vshrl.u32 v49, $0xE  }
0x36: {  	v56 =	vld [tilespmem:$0xE0];
	v55 =	vshrl.u32 v50, $0xE;
	[tilespmem:$0x2880] =	vst v0  }
0x37: {  	v58 =	vld [tilespmem:$0xF0];
	v57 =	vshrl.u32 v51, $0xE;
	[tilespmem:$0x2890] =	vst v55  }
0x38: {  	v59 =	vshrl.u32 v52, $0xE;
	[tilespmem:$0x28A0] =	vst v57  }
0x39: {  	v60 =	vshrl.u32 v53, $0xE;
	[tilespmem:$0x28B0] =	vst v59  }
0x3a: {  	v61 =	vshrl.u32 v54, $0xE;
	[tilespmem:$0x28C0] =	vst v60  }
0x3b: {  	v62 =	vshrl.u32 v56, $0xE;
	[tilespmem:$0x28D0] =	vst v61  }
0x3c: {  	v63 =	vshrl.u32 v58, $0xE;
	[tilespmem:$0x28E0] =	vst v62  }
0x3d: {  	s21 =	simm.s32 $0x0;
	[tilespmem:$0x28F0] =	vst v63  }
0x3e: {  	[tilespmem:s16], [sflag:$0x2] =	stream.indirect.gather [hbm4b:s4+s12], $0x80, s15, s12, $0xb8;
	[tilespmem:$0x1E580] =	vst v63  }
.LBB2_2:
0x3f: {  	_ =	swait.ge [sflag:s17], $0x4000  }
0x40: {  	[sflag:s17] =	ssyncset.done $0x0  }
0x41: {  	s22 =	sshra.s32 s21, $0x2;
	[sflag:s17] =	ssyncadd.s32 $0xFFFFC000  }
0x42: {  	v0 =	vld [tilespmem:s22+$0x0];
	_ =	sdelay $0x4  }
0x43: {  	v0 =	vand.u32 $0x3FFF, v0  }
0x44: {  	[tilespmem:$0x2900] =	vst v0  }
0x45: {  	v0 =	vld [tilespmem:s22+$0x10];
	_ =	sdelay $0x4  }
0x46: {  	v0 =	vand.u32 $0x3FFF, v0  }
0x47: {  	[tilespmem:$0x2910] =	vst v0  }
0x48: {  	v0 =	vld [tilespmem:s22+$0x20];
	_ =	sdelay $0x4  }
0x49: {  	v0 =	vand.u32 $0x3FFF, v0  }
0x4a: {  	[tilespmem:$0x2920] =	vst v0  }
0x4b: {  	v0 =	vld [tilespmem:s22+$0x30];
	_ =	sdelay $0x4  }
0x4c: {  	v0 =	vand.u32 $0x3FFF, v0  }
0x4d: {  	[tilespmem:$0x2930] =	vst v0  }
0x4e: {  	v0 =	vld [tilespmem:s22+$0x40];
	_ =	sdelay $0x4  }
0x4f: {  	v0 =	vand.u32 $0x3FFF, v0  }
0x50: {  	[tilespmem:$0x2940] =	vst v0  }
0x51: {  	v0 =	vld [tilespmem:s22+$0x50];
	_ =	sdelay $0x4  }
0x52: {  	v0 =	vand.u32 $0x3FFF, v0  }
0x53: {  	[tilespmem:$0x2950] =	vst v0  }
0x54: {  	v0 =	vld [tilespmem:s22+$0x60];
	_ =	sdelay $0x4  }
0x55: {  	v0 =	vand.u32 $0x3FFF, v0  }
0x56: {  	[tilespmem:$0x2960] =	vst v0  }
0x57: {  	v0 =	vld [tilespmem:s22+$0x70];
	_ =	sdelay $0x4  }
0x58: {  	v0 =	vand.u32 $0x3FFF, v0  }
0x59: {  	[tilespmem:$0x2970] =	vst v0  }
0x5a: {  	[spmem:s2] =	stream.indirect.scatter.add.f32 [tilespmem:s14], [sflag:$0x3], $0x80, s18, s12, $0xb8;
	[tilespmem:$0x1E580] =	vst v63  }
0x5b: {  	_ =	swait.ge [sflag:s11], $0x4000  }
0x5c: {  	p0 =	seq.s32 s21, $0x9C00;
	[sflag:s11] =	ssyncset.done $0x0  }
0x5d: {  	s23 =	sshra.s32 @!p0 s21, $0x2;
	[sflag:s11] =	ssyncadd.s32 $0xFFFFC000  }
0x5e: {  	v0 =	vld @!p0 [tilespmem:s23+$0x100];
	_ =	sdelay $0x4  }
0x5f: {  	v0 =	vshrl.u32 @!p0 v0, $0xE  }
0x60: {  	[tilespmem:$0x2800] =	vst @!p0 v0  }
0x61: {  	v0 =	vld @!p0 [tilespmem:s23+$0x110];
	_ =	sdelay $0x4  }
0x62: {  	v0 =	vshrl.u32 @!p0 v0, $0xE  }
0x63: {  	[tilespmem:$0x2810] =	vst @!p0 v0  }
0x64: {  	v0 =	vld @!p0 [tilespmem:s23+$0x120];
	_ =	sdelay $0x4  }
0x65: {  	v0 =	vshrl.u32 @!p0 v0, $0xE  }
0x66: {  	[tilespmem:$0x2820] =	vst @!p0 v0  }
0x67: {  	v0 =	vld @!p0 [tilespmem:s23+$0x130];
	_ =	sdelay $0x4  }
0x68: {  	v0 =	vshrl.u32 @!p0 v0, $0xE  }
0x69: {  	[tilespmem:$0x2830] =	vst @!p0 v0  }
0x6a: {  	v0 =	vld @!p0 [tilespmem:s23+$0x140];
	_ =	sdelay $0x4  }
0x6b: {  	v0 =	vshrl.u32 @!p0 v0, $0xE  }
0x6c: {  	[tilespmem:$0x2840] =	vst @!p0 v0  }
0x6d: {  	v0 =	vld @!p0 [tilespmem:s23+$0x150];
	_ =	sdelay $0x4  }
0x6e: {  	v0 =	vshrl.u32 @!p0 v0, $0xE  }
0x6f: {  	[tilespmem:$0x2850] =	vst @!p0 v0  }
0x70: {  	v0 =	vld @!p0 [tilespmem:s23+$0x160];
	_ =	sdelay $0x4  }
0x71: {  	v0 =	vshrl.u32 @!p0 v0, $0xE  }
0x72: {  	[tilespmem:$0x2860] =	vst @!p0 v0  }
0x73: {  	v0 =	vld @!p0 [tilespmem:s23+$0x170];
	_ =	sdelay $0x4  }
0x74: {  	v0 =	vshrl.u32 @!p0 v0, $0xE  }
0x75: {  	s24 =	simm.s32 @!p0 $0x2800;
	s25 =	simm.s32 @!p0 $0x2980;
	s23 =	simm.s32 @!p0 $0x80;
	[tilespmem:$0x2870] =	vst @!p0 v0  }
0x76: {  	[tilespmem:s25], [sflag:$0x1] =	stream.indirect.gather @!p0 [hbm4b:s4+s23], $0x80, s24, s23, $0xb8;
	[tilespmem:$0x1E580] =	vst v63  }
0x77: {  	_ =	swait.ge [sflag:s19], $0x4000  }
0x78: {  	[sflag:s19] =	ssyncset.done $0x0  }
0x79: {  	[sflag:s19] =	ssyncadd.s32 $0xFFFFC000  }
0x7a: {  	v63 =	vld [tilespmem:s22+$0x80];
	_ =	sdelay $0x4  }
0x7b: {  	v0 =	vand.u32 $0x3FFF, v63  }
0x7c: {  	[tilespmem:$0x2900] =	vst v0  }
0x7d: {  	v0 =	vld [tilespmem:s22+$0x90];
	_ =	sdelay $0x4  }
0x7e: {  	v0 =	vand.u32 $0x3FFF, v0  }
0x7f: {  	[tilespmem:$0x2910] =	vst v0  }
0x80: {  	v0 =	vld [tilespmem:s22+$0xA0];
	_ =	sdelay $0x4  }
0x81: {  	v0 =	vand.u32 $0x3FFF, v0  }
0x82: {  	[tilespmem:$0x2920] =	vst v0  }
0x83: {  	v0 =	vld [tilespmem:s22+$0xB0];
	_ =	sdelay $0x4  }
0x84: {  	v0 =	vand.u32 $0x3FFF, v0  }
0x85: {  	[tilespmem:$0x2930] =	vst v0  }
0x86: {  	v0 =	vld [tilespmem:s22+$0xC0];
	_ =	sdelay $0x4  }
0x87: {  	v0 =	vand.u32 $0x3FFF, v0  }
0x88: {  	[tilespmem:$0x2940] =	vst v0  }
0x89: {  	v0 =	vld [tilespmem:s22+$0xD0];
	_ =	sdelay $0x4  }
0x8a: {  	v0 =	vand.u32 $0x3FFF, v0  }
0x8b: {  	[tilespmem:$0x2950] =	vst v0  }
0x8c: {  	v0 =	vld [tilespmem:s22+$0xE0];
	_ =	sdelay $0x4  }
0x8d: {  	v0 =	vand.u32 $0x3FFF, v0  }
0x8e: {  	[tilespmem:$0x2960] =	vst v0  }
0x8f: {  	v0 =	vld [tilespmem:s22+$0xF0];
	_ =	sdelay $0x4  }
0x90: {  	v0 =	vand.u32 $0x3FFF, v0  }
.Ltmp2:
0x91: {  	[tilespmem:$0x2970] =	vst v0;
	(pc) =	sbr.rel @p0 .LBB2_4-.Ltmp2, $4  }
0x92: {  	[spmem:s2] =	stream.indirect.scatter.add.f32 [tilespmem:s16], [sflag:$0x3], $0x80, s18, s12, $0xb8;
	[tilespmem:$0x1E580] =	vst v63  }
0x93: {  	_ =	swait.ge [sflag:s11], $0x4000  }
0x94: {  	[sflag:s11] =	ssyncset.done $0x0  }
0x95: {  	[sflag:s11] =	ssyncadd.s32 $0xFFFFC000  }
0x96: {  	v0 =	vld [tilespmem:s22+$0x180];
	_ =	sdelay $0x4  }
0x97: {  	v0 =	vshrl.u32 v0, $0xE  }
0x98: {  	[tilespmem:$0x2880] =	vst v0  }
0x99: {  	v0 =	vld [tilespmem:s22+$0x190];
	_ =	sdelay $0x4  }
0x9a: {  	v0 =	vshrl.u32 v0, $0xE  }
0x9b: {  	[tilespmem:$0x2890] =	vst v0  }
0x9c: {  	v0 =	vld [tilespmem:s22+$0x1A0];
	_ =	sdelay $0x4  }
0x9d: {  	v0 =	vshrl.u32 v0, $0xE  }
0x9e: {  	[tilespmem:$0x28A0] =	vst v0  }
0x9f: {  	v0 =	vld [tilespmem:s22+$0x1B0];
	_ =	sdelay $0x4  }
0xa0: {  	v0 =	vshrl.u32 v0, $0xE  }
0xa1: {  	[tilespmem:$0x28B0] =	vst v0  }
0xa2: {  	v0 =	vld [tilespmem:s22+$0x1C0];
	_ =	sdelay $0x4  }
0xa3: {  	v0 =	vshrl.u32 v0, $0xE  }
0xa4: {  	[tilespmem:$0x28C0] =	vst v0  }
0xa5: {  	v0 =	vld [tilespmem:s22+$0x1D0];
	_ =	sdelay $0x4  }
0xa6: {  	v0 =	vshrl.u32 v0, $0xE  }
0xa7: {  	[tilespmem:$0x28D0] =	vst v0  }
0xa8: {  	v0 =	vld [tilespmem:s22+$0x1E0];
	_ =	sdelay $0x4  }
0xa9: {  	v0 =	vshrl.u32 v0, $0xE  }
0xaa: {  	[tilespmem:$0x28E0] =	vst v0  }
0xab: {  	v0 =	vld [tilespmem:s22+$0x1F0];
	_ =	sdelay $0x2  }
.Ltmp3:
0xac: {  	_ = 	snop;
	(pc) =	sbr.rel .LBB2_2-.Ltmp3, $4  }
0xad: {  	_ = 	snop  }
0xae: {  	v0 =	vshrl.u32 v0, $0xE  }
0xaf: {  	s21 =	sadd.s32 $0x400, s21;
	[tilespmem:$0x28F0] =	vst v0  }
0xb0: {  	[tilespmem:s16], [sflag:$0x2] =	stream.indirect.gather [hbm4b:s4+s12], $0x80, s15, s12, $0xb8;
	[tilespmem:$0x1E580] =	vst v63  }
.LBB2_5:
0xb1: {  	_ =	sfence.sel $0x180000  }
0xb2: {  	[bflag:$0x0] =	sbarrier.arrive $0xFFFF  }
0xb3: {  	p0 =	sne.s32 s0, $0x0;
	_ =	strace $0x9000004A  }
0xb4: {  	s0 =	sadd.s32 @!p0 $0x100000, s1;
	[bflag:$0x2] =	sbarrier.arrive $0xFFFF  }
0xb5: {  	[sflag:s0] =	ssyncadd.tile.s32 @!p0 $0x1;
	_ =	shalt  }
.Lfunc_end2:
_tile_overlayer_lowered:
.L_overlay_start_2:
0xb6: {  	(tag) =	ssettag $0x2  }
0xb7: {  	s0 =	rddreg [dreg:$0x0];
	s2 =	stileid.u32  }
0xb8: {  	s1 =	rddreg [dreg:$0x1];
	p0 =	sne.s32 s2, $0x0  }
0xb9: {  	s3 =	rddreg [dreg:$0x2];
	[bflag:$0x3] =	sbarrier.arrive $0xFFFF;
	s2 =	simm.s32 @!p0 $0x1C03  }
0xba: {  	[timem:s3], [sflag:s2] =	dma.local @!p0 [hbm:s0], s1  }
0xbb: {  	s0 =	simm.s32 @!p0 $0x3  }
0xbc: {  	_ =	swait.ge @!p0 [sflag:s0], s1  }
0xbd: {  	s1 =	ssub.s32 @!p0 $0x0, s1;
	[sflag:s0] =	ssyncset.done @!p0 $0x0  }
0xbe: {  	[sflag:s0] =	ssyncadd.s32 @!p0 s1  }
0xbf: {  	[bflag:$0x3] =	sbarrier.arrive $0xFFFF  }
0xc0: {  	_ =	shalt  }

// kernel: kernel.16.cloned.1.call-start
scs
__scs_entry_jumppad:
0x0: {  	(pc) =	sbr.rel $0x88, $3  }
0x1: {  	(tag) =	ssettag $0x0;
	lr =	simm.s32 $0x1  }
0x2: {  	[smem:$0x3F86] =	sst lr;
	_ =	strace $0xD0000000  }
0x3: {  	_ = 	snop  }
0x4: {  	_ = 	snop  }
0x5: {  	_ = 	snop  }
0x6: {  	_ = 	snop  }
0x7: {  	_ = 	snop  }
__scs_overlays_trampoline_lowered:
0x8: {  	[smem:$0x3F95] =	sst s0  }
0x9: {  	[smem:$0x3F96] =	sst s1  }
0xa: {  	[smem:$0x3F97] =	sst s2  }
0xb: {  	[smem:$0x3F98] =	sst s3  }
0xc: {  	[smem:$0x3F99] =	sst s4  }
0xd: {  	[smem:$0x3F9A] =	sst s5  }
0xe: {  	[smem:$0x3F9B] =	sst s6  }
0xf: {  	[smem:$0x3F9C] =	sst s7  }
0x10: {  	[smem:$0x3F9D] =	sst s8  }
0x11: {  	[smem:$0x3F9E] =	sst s9;
	s0 =	simm.s32 @!p0 $0x0  }
0x12: {  	s1 =	sld [smem:$0x3F84];
	s0 =	simm.s32 @p0 $0x1  }
0x13: {  	[smem:$0x3F9F] =	sst s0;
	s0 =	simm.s32 @!p1 $0x0  }
0x14: {  	s2 =	sld [smem:$0x3F83];
	s0 =	simm.s32 @p1 $0x1  }
0x15: {  	[smem:$0x3FA0] =	sst s0;
	s0 =	simm.s32 @!p2 $0x0  }
0x16: {  	s3 =	sld [smem:$0x3FDB];
	s0 =	simm.s32 @p2 $0x1  }
0x17: {  	s4 =	simm.s32 $0x1BF5;
	[smem:$0x3FA2] =	sst s0  }
0x18: {  	s0 =	sld [smem:$0x3F85];
	_ =	swait.ge [sflag:s4], $0x0  }
0x19: {  	s7 =	sld [smem:$0x3F86]  }
0x1a: {  	s8 =	sadd.s32 $0xFFFFE003, lr  }
0x1b: {  	s9 =	sadd.s32 $0xFFFFFEF7, lr;
	s5 =	simm.s32 $0xFFFFFFFF;
	p2 =	slt.u32 s8, $0xFFFFF086  }
0x1c: {  	p1 =	slt.u32 s9, $0xF7A;
	s5 =	simm.s32 @!p2 $0x0  }
0x1d: {  	s5 =	simm.s32 @p1 $0x1;
	p0 =	seq.s32 s7, s2  }
0x1e: {  	s7 =	smul.u32 @!p0 $0xF7A, s2;
	p2 =	seq.s32 @!p0 s5, $0x0  }
0x1f: {  	s9 =	smul.u32 $0xF7A, s1;
	s8 =	simm.s32 @!p0 $0x1BF5;
	p2 =	por !p2, p0  }
0x20: {  	[sflag:s8] =	ssyncset.s32 @!p0 $0xFFFFF086;
	s6 =	sadd.s32 @!p0 s3, s7;
	s7 =	simm.s32 @!p0 $0x108  }
0x21: {  	s3 =	sadd.s32 s3, s9;
	s6 =	sadd.s32 @!p0 $0x88, s6;
	s7 =	simm.s32 @p2 $0x1082  }
0x22: {  	[simem:s7], [sflag:s8] =	dma.local @!p0 [hbm:s6], $0xF7A  }
0x23: {  	s9 =	sor.u32 $0xD0000000, s2;
	s6 =	simm.s32 $0x108;
	_ =	swait.ge @!p0 [sflag:s8], $0x0  }
0x24: {  	s3 =	sadd.s32 $0x88, s3;
	s6 =	simm.s32 @!p1 $0x1082;
	[sflag:s4] =	ssyncset.s32 $0xFFFFF086  }
0x25: {  	[simem:s6], [sflag:s4] =	dma.local [hbm:s3], $0xF7A  }
0x26: {  	[smem:$0x3F86] =	sst s1;
	(tag) =	ssettag s2;
	_ =	strace s9  }
0x27: {  	s1 =	sld [smem:$0x3F96]  }
0x28: {  	s2 =	sld [smem:$0x3F97]  }
0x29: {  	s4 =	sld [smem:$0x3F99]  }
0x2a: {  	p0 =	seq.s32 s5, $0x0;
	s5 =	sld [smem:$0x3F9A]  }
0x2b: {  	s6 =	sld [smem:$0x3F9B]  }
0x2c: {  	s7 =	sld [smem:$0x3F9C]  }
0x2d: {  	s3 =	simm.s32 $0x108;
	s8 =	sld [smem:$0x3F9D]  }
0x2e: {  	s3 =	simm.s32 @!p0 $0x1082;
	s9 =	sld [smem:$0x3F9E]  }
0x2f: {  	lr =	sadd.s32 s0, s3;
	s0 =	sld [smem:$0x3F95]  }
0x30: {  	s3 =	sld [smem:$0x3F98]  }
0x31: {  	[smem:$0x3FA1] =	sst s10  }
0x32: {  	s10 =	sld [smem:$0x3F9F];
	_ =	sdelay $0x3  }
0x33: {  	p0 =	seq.s32 s10, $0x1;
	s10 =	sld [smem:$0x3FA1];
	_ =	sdelay $0x3  }
0x34: {  	[smem:$0x3FA1] =	sst s10  }
0x35: {  	s10 =	sld [smem:$0x3FA0];
	_ =	sdelay $0x3  }
0x36: {  	p1 =	seq.s32 s10, $0x1;
	s10 =	sld [smem:$0x3FA1];
	_ =	sdelay $0x3  }
0x37: {  	[smem:$0x3FA1] =	sst s10  }
0x38: {  	s10 =	sld [smem:$0x3FA2]  }
0x39: {  	_ = 	snop;
	(pc) =	sbr.ind lr, $3  }
0x3a: {  	_ = 	snop  }
0x3b: {  	_ = 	snop  }
0x3c: {  	p2 =	seq.s32 s10, $0x1;
	s10 =	sld [smem:$0x3FA1]  }
0x3d: {  	_ =	shalt  }
0x3e: {  	_ =	shalt  }
0x3f: {  	_ =	shalt  }
0x40: {  	_ =	shalt  }
0x41: {  	_ =	shalt  }
0x42: {  	_ =	shalt  }
0x43: {  	_ =	shalt  }
0x44: {  	_ =	shalt  }
0x45: {  	_ =	shalt  }
0x46: {  	_ =	shalt  }
0x47: {  	_ =	shalt  }
0x48: {  	_ =	shalt  }
0x49: {  	_ =	shalt  }
0x4a: {  	_ =	shalt  }
0x4b: {  	_ =	shalt  }
0x4c: {  	_ =	shalt  }
0x4d: {  	_ =	shalt  }
0x4e: {  	_ =	shalt  }
0x4f: {  	_ =	shalt  }
0x50: {  	_ =	shalt  }
0x51: {  	_ =	shalt  }
0x52: {  	_ =	shalt  }
0x53: {  	_ =	shalt  }
0x54: {  	_ =	shalt  }
0x55: {  	_ =	shalt  }
0x56: {  	_ =	shalt  }
0x57: {  	_ =	shalt  }
0x58: {  	_ =	shalt  }
0x59: {  	_ =	shalt  }
0x5a: {  	_ =	shalt  }
0x5b: {  	_ =	shalt  }
0x5c: {  	_ =	shalt  }
0x5d: {  	_ =	shalt  }
0x5e: {  	_ =	shalt  }
0x5f: {  	_ =	shalt  }
0x60: {  	_ =	shalt  }
0x61: {  	_ =	shalt  }
0x62: {  	_ =	shalt  }
0x63: {  	_ =	shalt  }
0x64: {  	_ =	shalt  }
0x65: {  	_ =	shalt  }
0x66: {  	_ =	shalt  }
0x67: {  	_ =	shalt  }
0x68: {  	_ =	shalt  }
0x69: {  	_ =	shalt  }
0x6a: {  	_ =	shalt  }
0x6b: {  	_ =	shalt  }
0x6c: {  	_ =	shalt  }
0x6d: {  	_ =	shalt  }
0x6e: {  	_ =	shalt  }
0x6f: {  	_ =	shalt  }
0x70: {  	_ =	shalt  }
0x71: {  	_ =	shalt  }
0x72: {  	_ =	shalt  }
0x73: {  	_ =	shalt  }
0x74: {  	_ =	shalt  }
0x75: {  	_ =	shalt  }
0x76: {  	_ =	shalt  }
0x77: {  	_ =	shalt  }
0x78: {  	_ =	shalt  }
0x79: {  	_ =	shalt  }
0x7a: {  	_ =	shalt  }
0x7b: {  	_ =	shalt  }
0x7c: {  	_ =	shalt  }
0x7d: {  	_ =	shalt  }
0x7e: {  	_ =	shalt  }
0x7f: {  	_ =	shalt  }
0x80: {  	_ =	shalt  }
0x81: {  	_ =	shalt  }
0x82: {  	_ =	shalt  }
0x83: {  	_ =	shalt  }
0x84: {  	_ =	shalt  }
0x85: {  	_ =	shalt  }
0x86: {  	_ =	shalt  }
0x87: {  	_ =	shalt  }
.Lfunc_end0:
.L_simem_size_0:
called_computation.2_lowered:
.L_overlay_start_0:
0x88: {  	s2 =	sld [smem:$0x3FD9]  }
0x89: {  	s3 =	sld [smem:$0x3FFE];
	_ =	sdelay $0x1  }
0x8a: {  	s1 =	srdreg.scid  }
0x8b: {  	s0 =	sand.u32 $0x1, s1  }
0x8c: {  	s14 =	sshll.u32 s0, $0xA;
	s2 =	sadd.s32 s3, s2  }
0x8d: {  	s2 =	sadd.s32 s2, s14  }
0x8e: {  	[smem:$0x3FAD] =	sst s2  }
0x8f: {  	_ = 	snop  }
0x90: {  	s2 =	sld [smem:$0x3FD0];
	_ =	sdelay $0x2  }
0x91: {  	s15 =	simm.s32 $0xA;
	s4 =	simm.s32 $0x10  }
0x92: {  	[smem:s4], [sflag:s15] =	dma.local [hbm:s2], $0x1  }
0x93: {  	_ =	swait.eq [sflag:s15], $0x1  }
0x94: {  	[sflag:s15] =	ssyncset.done $0x0  }
0x95: {  	[sflag:s15] =	ssyncadd.s32 $0xFFFFFFFF  }
0x96: {  	s16 =	sld [smem:$0x11];
	(tm) =	ssettm $0x1  }
0x97: {  	s17 =	sld [smem:$0x3FFB];
	_ =	sdelay $0x3  }
0x98: {  	_ =	strace s17  }
0x99: {  	s3 =	sld [smem:$0x3FFC];
	_ =	sdelay $0x3  }
0x9a: {  	_ =	strace s3  }
0x9b: {  	s3 =	sld [smem:$0x3FFD];
	_ =	sdelay $0x3  }
0x9c: {  	_ =	strace s3  }
0x9d: {  	_ =	strace $0x8FFFFFFF  }
0x9e: {  	s18 =	sld [smem:$0x3FDB];
	_ =	sdelay $0x1  }
0x9f: {  	s19 =	simm.s32 $_scs_section_size  }
0xa0: {  	s5 =	simm.s32 $_size__tile_overlayer_lowered;
	s6 =	simm.s32 $_tile_overlayer_lowered  }
0xa1: {  	s22 =	simm.s32 $0x1BFF;
	s21 =	sshll.u32 s6, $0x1;
	s3 =	sadd.s32 s19, s18  }
0xa2: {  	s7 =	simm.s32 $0x0;
	s20 =	sshll.u32 s5, $0x1;
	s5 =	sadd.s32 s21, s3  }
0xa3: {  	[timem:s7], [sflag:s22] =	dma.local [hbm:s5], s20  }
0xa4: {  	_ =	swait.ge [sflag:s22], s20  }
0xa5: {  	s4 =	ssub.s32 $0x0, s20;
	[sflag:s22] =	ssyncset.done $0x0  }
0xa6: {  	[sflag:s22] =	ssyncadd.s32 s4;
	_ =	sdelay $0x1  }
0xa7: {  	s23 =	simm.s32 $0x1B8B  }
0xa8: {  	_ =	swait.ge [sflag:s23], $0x1  }
0xa9: {  	[sflag:s23] =	ssyncset.done $0x0  }
0xaa: {  	s25 =	simm.s32 $0x1B8E;
	s24 =	sld [smem:$0x3FFE];
	[sflag:s23] =	ssyncadd.s32 $0xFFFFFFFF  }
0xab: {  	s26 =	simm.s32 $execute0_lowered;
	[smem:$0x3FD2] =	sst s25  }
0xac: {  	s5 =	sshll.u32 s26, $0x1;
	_ =	strace $0x8000004C;
	[dreg:$0x1] =	wrdreg $0xFFFFFFFF  }
0xad: {  	s28 =	simm.s32 $_size_execute0_lowered;
	s3 =	sadd.s32 s3, s5;
	[dreg:$0x0] =	wrdreg $0x0  }
0xae: {  	s5 =	sshll.u32 s28, $0x1;
	[dreg:$0x2] =	wrdreg s3  }
0xaf: {  	[dreg:$0x3] =	wrdreg s5  }
0xb0: {  	[dreg:$0x4] =	wrdreg $0xC0  }
0xb1: {  	_ =	task [dreg:s7], $0x5FFFF  }
0xb2: {  	[dreg:$0x1] =	wrdreg $0xFFFFFFFF  }
0xb3: {  	[dreg:$0x0] =	wrdreg $0x60  }
0xb4: {  	[dreg:$0x2] =	wrdreg s24  }
0xb5: {  	[dreg:$0x3] =	wrdreg s16  }
0xb6: {  	[dreg:$0x4] =	wrdreg $0xA9800  }
0xb7: {  	[dreg:$0x5] =	wrdreg $0x9  }
0xb8: {  	_ =	task.clear_ibuf [dreg:s7], $0x6FFFF;
	_ =	strace $0x9000004C  }
0xb9: {  	s29 =	simm.s32 $0x9;
	_ =	strace $0x8000004E  }
0xba: {  	_ =	swait.ge [sflag:s29], $0x1  }
0xbb: {  	[sflag:s29] =	ssyncadd.s32 $0xFFFFFFFF  }
0xbc: {  	_ =	strace $0x9000004E  }
0xbd: {  	_ =	sfence  }
0xbe: {  	s30 =	sld [smem:$0x0];
	_ =	sdelay $0x2  }
0xbf: {  	s31 =	sshll.u32 s1, $0xD;
	s1 =	sshrl.u32 s1, $0x2  }
0xc0: {  	s3 =	sand.u32 $0x4000, s31;
	s1 =	sadd.s32 s1, s30  }
0xc1: {  	s0 =	sor.u32 s3, s0;
	s1 =	sshll.u32 s1, $0x11  }
0xc2: {  	s0 =	sor.u32 s1, s0  }
0xc3: {  	s0 =	sadd.s32 $0x8F2B, s0  }
0xc4: {  	[sflag:s0] =	ssyncadd.remote.s32 $0x1  }
0xc5: {  	_ =	sfence.sel $0xFFFF  }
0xc6: {  	[dreg:$0x0] =	wrdreg $0xFFFFFFFF;
	(pc) =	sbr.abs _section_cstart, $3  }
0xc7: {  	[dreg:$0x1] =	wrdreg $0xFFFFFFFF  }
0xc8: {  	_ =	task.clear_ibuf [dreg:s7], $0x2FFFF;
	_ =	strace $0x9FFFFFFF  }
0xc9: {  	(tm) =	ssettm $0x7FFFFFFF  }
tec
execute0_lowered:
.L_overlay_start_1:
0x0: {  	(tag) =	ssettag $0x1  }
0x1: {  	s5 =	rddreg [dreg:$0x0]  }
0x2: {  	s7 =	rddreg [dreg:$0x1];
	s0 =	stileid.u32  }
0x3: {  	s1 =	srdreg.scid;
	s2 =	rddreg [dreg:$0x2];
	s3 =	simm.s32 $0x0  }
0x4: {  	s13 =	simm.s32 $0x2800;
	s14 =	simm.s32 $0x2980;
	s15 =	simm.s32 $0x2880  }
0x5: {  	s16 =	simm.s32 $0x6980;
	s17 =	simm.s32 $0x1;
	s18 =	simm.s32 $0x2900  }
0x6: {  	s19 =	simm.s32 $0x2;
	s20 =	simm.s32 $0x0;
	s4 =	smul.u32 $0x13C00, s0  }
0x7: {  	s6 =	sand.u32 $0x1, s1;
	s1 =	rddreg [dreg:$0x3];
	s11 =	smul.u32 $0x4F000, s0  }
0x8: {  	[smem:$0x7FF] =	sst s3;
	s31 =	sshll.u32 s0, $0x6;
	s8 =	smul.u32 $0x13C000, s6  }
0x9: {  	_ =	strace $0x8000004D;
	s10 =	ssub.s32 $0x2, s6;
	s6 =	sshll.u32 s6, $0x4  }
0xa: {  	s9 =	sshrl.u32 s4, $0x3;
	s28 =	sshrl.u32 s10, $0x1;
	s6 =	sor.u32 s0, s6  }
0xb: {  	s29 =	sshrl.u32 s11, $0x2;
	s11 =	simm.s32 $0x3;
	s8 =	sadd.s32 s4, s8  }
.Ltmp0:
0xc: {  	s4 =	sadd.s32 $0x6000, s5;
	s9 =	sadd.s32 s9, s5;
	(pc) =	sbr.rel .LBB2_1-.Ltmp0, $4  }
0xd: {  	s10 =	ssub.s32 s10, s28;
	s30 =	smul.u32 $0x500, s6;
	s8 =	sshrl.u32 s8, $0x3  }
0xe: {  	s12 =	sadd.s32 s29, s2;
	s6 =	sor.u32 $0x1C03, s31;
	s8 =	sadd.s32 s8, s5  }
0xf: {  	s5 =	sadd.s32 $0x2D200, s9;
	s7 =	sadd.s32 s7, s30;
	s9 =	smax.u32 s10, $0x1  }
0x10: {  	s10 =	sshrl.u32 s12, $0x3;
	s12 =	simm.s32 $0x80;
	s8 =	sadd.s32 $0x54A00, s8  }
.LBB2_4:
0x11: {  	s20 =	sadd.s32 $0x1, s20  }
0x12: {  	p0 =	sne.s32 s20, s9  }
.Ltmp1:
0x13: {  	[bflag:$0x0] =	sbarrier.arrive $0xFFFF;
	(pc) =	sbr.rel @!p0 .LBB2_5-.Ltmp1, $4  }
0x14: {  	[hbm:s8], [sflag:s6] =	dma.local [spmem:s10], $0x2780  }
0x15: {  	_ =	swait.ge [sflag:s11], $0x2780  }
0x16: {  	[sflag:s11] =	ssyncset.done $0x0  }
0x17: {  	[sflag:s11] =	ssyncadd.s32 $0xFFFFD880  }
.LBB2_1:
0x18: {  	[spmem:s10], [sflag:s6] =	dma.local [hbm:s5], $0x2780  }
0x19: {  	_ =	swait.ge [sflag:s11], $0x2780  }
0x1a: {  	[sflag:s11] =	ssyncset.done $0x0  }
0x1b: {  	[sflag:s11] =	ssyncadd.s32 $0xFFFFD880  }
0x1c: {  	[tilespmem:s3], [sflag:$0x3] =	stream.linear.gather [hbm4b:s7+s3], $0x2800, $0x38;
	[tilespmem:$0x1E580] =	vst v63  }
0x1d: {  	_ =	swait.ge [sflag:s11], $0x2800  }
0x1e: {  	[sflag:s11] =	ssyncset.done $0x0  }
0x1f: {  	[sflag:s11] =	ssyncadd.s32 $0xFFFFD800  }
0x20: {  	[bflag:$0x0] =	sbarrier.arrive $0xFFFF  }
0x21: {  	v0 =	vld [tilespmem:$0x0]  }
0x22: {  	v1 =	vld [tilespmem:$0x10]  }
0x23: {  	v2 =	vld [tilespmem:$0x20]  }
0x24: {  	v3 =	vld [tilespmem:$0x30]  }
0x25: {  	v4 =	vld [tilespmem:$0x40]  }
0x26: {  	v5 =	vld [tilespmem:$0x50];
	v0 =	vshrl.u32 v0, $0xE  }
0x27: {  	v41 =	vld [tilespmem:$0x60];
	v40 =	vshrl.u32 v1, $0xE;
	[tilespmem:$0x2800] =	vst v0  }
0x28: {  	v43 =	vld [tilespmem:$0x70];
	v42 =	vshrl.u32 v2, $0xE;
	[tilespmem:$0x2810] =	vst v40  }
0x29: {  	v44 =	vshrl.u32 v3, $0xE;
	[tilespmem:$0x2820] =	vst v42  }
0x2a: {  	v45 =	vshrl.u32 v4, $0xE;
	[tilespmem:$0x2830] =	vst v44  }
0x2b: {  	v46 =	vshrl.u32 v5, $0xE;
	[tilespmem:$0x2840] =	vst v45  }
0x2c: {  	v47 =	vshrl.u32 v41, $0xE;
	[tilespmem:$0x2850] =	vst v46  }
0x2d: {  	v48 =	vshrl.u32 v43, $0xE;
	[tilespmem:$0x2860] =	vst v47  }
0x2e: {  	[tilespmem:$0x2870] =	vst v48  }
0x2f: {  	[tilespmem:s14], [sflag:$0x1] =	stream.indirect.gather [hbm4b:s4+s12], $0x80, s13, s12, $0xb8;
	[tilespmem:$0x1E580] =	vst v63  }
0x30: {  	v49 =	vld [tilespmem:$0x80]  }
0x31: {  	v50 =	vld [tilespmem:$0x90]  }
0x32: {  	v51 =	vld [tilespmem:$0xA0]  }
0x33: {  	v52 =	vld [tilespmem:$0xB0]  }
0x34: {  	v53 =	vld [tilespmem:$0xC0]  }
0x35: {  	v54 =	vld [tilespmem:$0xD0];
	v0 =	vshrl.u32 v49, $0xE  }
0x36: {  	v56 =	vld [tilespmem:$0xE0];
	v55 =	vshrl.u32 v50, $0xE;
	[tilespmem:$0x2880] =	vst v0  }
0x37: {  	v58 =	vld [tilespmem:$0xF0];
	v57 =	vshrl.u32 v51, $0xE;
	[tilespmem:$0x2890] =	vst v55  }
0x38: {  	v59 =	vshrl.u32 v52, $0xE;
	[tilespmem:$0x28A0] =	vst v57  }
0x39: {  	v60 =	vshrl.u32 v53, $0xE;
	[tilespmem:$0x28B0] =	vst v59  }
0x3a: {  	v61 =	vshrl.u32 v54, $0xE;
	[tilespmem:$0x28C0] =	vst v60  }
0x3b: {  	v62 =	vshrl.u32 v56, $0xE;
	[tilespmem:$0x28D0] =	vst v61  }
0x3c: {  	v63 =	vshrl.u32 v58, $0xE;
	[tilespmem:$0x28E0] =	vst v62  }
0x3d: {  	s21 =	simm.s32 $0x0;
	[tilespmem:$0x28F0] =	vst v63  }
0x3e: {  	[tilespmem:s16], [sflag:$0x2] =	stream.indirect.gather [hbm4b:s4+s12], $0x80, s15, s12, $0xb8;
	[tilespmem:$0x1E580] =	vst v63  }
.LBB2_2:
0x3f: {  	_ =	swait.ge [sflag:s17], $0x4000  }
0x40: {  	[sflag:s17] =	ssyncset.done $0x0  }
0x41: {  	s22 =	sshra.s32 s21, $0x2;
	[sflag:s17] =	ssyncadd.s32 $0xFFFFC000  }
0x42: {  	v0 =	vld [tilespmem:s22+$0x0];
	_ =	sdelay $0x4  }
0x43: {  	v0 =	vand.u32 $0x3FFF, v0  }
0x44: {  	[tilespmem:$0x2900] =	vst v0  }
0x45: {  	v0 =	vld [tilespmem:s22+$0x10];
	_ =	sdelay $0x4  }
0x46: {  	v0 =	vand.u32 $0x3FFF, v0  }
0x47: {  	[tilespmem:$0x2910] =	vst v0  }
0x48: {  	v0 =	vld [tilespmem:s22+$0x20];
	_ =	sdelay $0x4  }
0x49: {  	v0 =	vand.u32 $0x3FFF, v0  }
0x4a: {  	[tilespmem:$0x2920] =	vst v0  }
0x4b: {  	v0 =	vld [tilespmem:s22+$0x30];
	_ =	sdelay $0x4  }
0x4c: {  	v0 =	vand.u32 $0x3FFF, v0  }
0x4d: {  	[tilespmem:$0x2930] =	vst v0  }
0x4e: {  	v0 =	vld [tilespmem:s22+$0x40];
	_ =	sdelay $0x4  }
0x4f: {  	v0 =	vand.u32 $0x3FFF, v0  }
0x50: {  	[tilespmem:$0x2940] =	vst v0  }
0x51: {  	v0 =	vld [tilespmem:s22+$0x50];
	_ =	sdelay $0x4  }
0x52: {  	v0 =	vand.u32 $0x3FFF, v0  }
0x53: {  	[tilespmem:$0x2950] =	vst v0  }
0x54: {  	v0 =	vld [tilespmem:s22+$0x60];
	_ =	sdelay $0x4  }
0x55: {  	v0 =	vand.u32 $0x3FFF, v0  }
0x56: {  	[tilespmem:$0x2960] =	vst v0  }
0x57: {  	v0 =	vld [tilespmem:s22+$0x70];
	_ =	sdelay $0x4  }
0x58: {  	v0 =	vand.u32 $0x3FFF, v0  }
0x59: {  	[tilespmem:$0x2970] =	vst v0  }
0x5a: {  	[spmem:s2] =	stream.indirect.scatter.add.f32 [tilespmem:s14], [sflag:$0x3], $0x80, s18, s12, $0xb8;
	[tilespmem:$0x1E580] =	vst v63  }
0x5b: {  	_ =	swait.ge [sflag:s11], $0x4000  }
0x5c: {  	p0 =	seq.s32 s21, $0x9C00;
	[sflag:s11] =	ssyncset.done $0x0  }
0x5d: {  	s23 =	sshra.s32 @!p0 s21, $0x2;
	[sflag:s11] =	ssyncadd.s32 $0xFFFFC000  }
0x5e: {  	v0 =	vld @!p0 [tilespmem:s23+$0x100];
	_ =	sdelay $0x4  }
0x5f: {  	v0 =	vshrl.u32 @!p0 v0, $0xE  }
0x60: {  	[tilespmem:$0x2800] =	vst @!p0 v0  }
0x61: {  	v0 =	vld @!p0 [tilespmem:s23+$0x110];
	_ =	sdelay $0x4  }
0x62: {  	v0 =	vshrl.u32 @!p0 v0, $0xE  }
0x63: {  	[tilespmem:$0x2810] =	vst @!p0 v0  }
0x64: {  	v0 =	vld @!p0 [tilespmem:s23+$0x120];
	_ =	sdelay $0x4  }
0x65: {  	v0 =	vshrl.u32 @!p0 v0, $0xE  }
0x66: {  	[tilespmem:$0x2820] =	vst @!p0 v0  }
0x67: {  	v0 =	vld @!p0 [tilespmem:s23+$0x130];
	_ =	sdelay $0x4  }
0x68: {  	v0 =	vshrl.u32 @!p0 v0, $0xE  }
0x69: {  	[tilespmem:$0x2830] =	vst @!p0 v0  }
0x6a: {  	v0 =	vld @!p0 [tilespmem:s23+$0x140];
	_ =	sdelay $0x4  }
0x6b: {  	v0 =	vshrl.u32 @!p0 v0, $0xE  }
0x6c: {  	[tilespmem:$0x2840] =	vst @!p0 v0  }
0x6d: {  	v0 =	vld @!p0 [tilespmem:s23+$0x150];
	_ =	sdelay $0x4  }
0x6e: {  	v0 =	vshrl.u32 @!p0 v0, $0xE  }
0x6f: {  	[tilespmem:$0x2850] =	vst @!p0 v0  }
0x70: {  	v0 =	vld @!p0 [tilespmem:s23+$0x160];
	_ =	sdelay $0x4  }
0x71: {  	v0 =	vshrl.u32 @!p0 v0, $0xE  }
0x72: {  	[tilespmem:$0x2860] =	vst @!p0 v0  }
0x73: {  	v0 =	vld @!p0 [tilespmem:s23+$0x170];
	_ =	sdelay $0x4  }
0x74: {  	v0 =	vshrl.u32 @!p0 v0, $0xE  }
0x75: {  	s24 =	simm.s32 @!p0 $0x2800;
	s25 =	simm.s32 @!p0 $0x2980;
	s23 =	simm.s32 @!p0 $0x80;
	[tilespmem:$0x2870] =	vst @!p0 v0  }
0x76: {  	[tilespmem:s25], [sflag:$0x1] =	stream.indirect.gather @!p0 [hbm4b:s4+s23], $0x80, s24, s23, $0xb8;
	[tilespmem:$0x1E580] =	vst v63  }
0x77: {  	_ =	swait.ge [sflag:s19], $0x4000  }
0x78: {  	[sflag:s19] =	ssyncset.done $0x0  }
0x79: {  	[sflag:s19] =	ssyncadd.s32 $0xFFFFC000  }
0x7a: {  	v63 =	vld [tilespmem:s22+$0x80];
	_ =	sdelay $0x4  }
0x7b: {  	v0 =	vand.u32 $0x3FFF, v63  }
0x7c: {  	[tilespmem:$0x2900] =	vst v0  }
0x7d: {  	v0 =	vld [tilespmem:s22+$0x90];
	_ =	sdelay $0x4  }
0x7e: {  	v0 =	vand.u32 $0x3FFF, v0  }
0x7f: {  	[tilespmem:$0x2910] =	vst v0  }
0x80: {  	v0 =	vld [tilespmem:s22+$0xA0];
	_ =	sdelay $0x4  }
0x81: {  	v0 =	vand.u32 $0x3FFF, v0  }
0x82: {  	[tilespmem:$0x2920] =	vst v0  }
0x83: {  	v0 =	vld [tilespmem:s22+$0xB0];
	_ =	sdelay $0x4  }
0x84: {  	v0 =	vand.u32 $0x3FFF, v0  }
0x85: {  	[tilespmem:$0x2930] =	vst v0  }
0x86: {  	v0 =	vld [tilespmem:s22+$0xC0];
	_ =	sdelay $0x4  }
0x87: {  	v0 =	vand.u32 $0x3FFF, v0  }
0x88: {  	[tilespmem:$0x2940] =	vst v0  }
0x89: {  	v0 =	vld [tilespmem:s22+$0xD0];
	_ =	sdelay $0x4  }
0x8a: {  	v0 =	vand.u32 $0x3FFF, v0  }
0x8b: {  	[tilespmem:$0x2950] =	vst v0  }
0x8c: {  	v0 =	vld [tilespmem:s22+$0xE0];
	_ =	sdelay $0x4  }
0x8d: {  	v0 =	vand.u32 $0x3FFF, v0  }
0x8e: {  	[tilespmem:$0x2960] =	vst v0  }
0x8f: {  	v0 =	vld [tilespmem:s22+$0xF0];
	_ =	sdelay $0x4  }
0x90: {  	v0 =	vand.u32 $0x3FFF, v0  }
.Ltmp2:
0x91: {  	[tilespmem:$0x2970] =	vst v0;
	(pc) =	sbr.rel @p0 .LBB2_4-.Ltmp2, $4  }
0x92: {  	[spmem:s2] =	stream.indirect.scatter.add.f32 [tilespmem:s16], [sflag:$0x3], $0x80, s18, s12, $0xb8;
	[tilespmem:$0x1E580] =	vst v63  }
0x93: {  	_ =	swait.ge [sflag:s11], $0x4000  }
0x94: {  	[sflag:s11] =	ssyncset.done $0x0  }
0x95: {  	[sflag:s11] =	ssyncadd.s32 $0xFFFFC000  }
0x96: {  	v0 =	vld [tilespmem:s22+$0x180];
	_ =	sdelay $0x4  }
0x97: {  	v0 =	vshrl.u32 v0, $0xE  }
0x98: {  	[tilespmem:$0x2880] =	vst v0  }
0x99: {  	v0 =	vld [tilespmem:s22+$0x190];
	_ =	sdelay $0x4  }
0x9a: {  	v0 =	vshrl.u32 v0, $0xE  }
0x9b: {  	[tilespmem:$0x2890] =	vst v0  }
0x9c: {  	v0 =	vld [tilespmem:s22+$0x1A0];
	_ =	sdelay $0x4  }
0x9d: {  	v0 =	vshrl.u32 v0, $0xE  }
0x9e: {  	[tilespmem:$0x28A0] =	vst v0  }
0x9f: {  	v0 =	vld [tilespmem:s22+$0x1B0];
	_ =	sdelay $0x4  }
0xa0: {  	v0 =	vshrl.u32 v0, $0xE  }
0xa1: {  	[tilespmem:$0x28B0] =	vst v0  }
0xa2: {  	v0 =	vld [tilespmem:s22+$0x1C0];
	_ =	sdelay $0x4  }
0xa3: {  	v0 =	vshrl.u32 v0, $0xE  }
0xa4: {  	[tilespmem:$0x28C0] =	vst v0  }
0xa5: {  	v0 =	vld [tilespmem:s22+$0x1D0];
	_ =	sdelay $0x4  }
0xa6: {  	v0 =	vshrl.u32 v0, $0xE  }
0xa7: {  	[tilespmem:$0x28D0] =	vst v0  }
0xa8: {  	v0 =	vld [tilespmem:s22+$0x1E0];
	_ =	sdelay $0x4  }
0xa9: {  	v0 =	vshrl.u32 v0, $0xE  }
0xaa: {  	[tilespmem:$0x28E0] =	vst v0  }
0xab: {  	v0 =	vld [tilespmem:s22+$0x1F0];
	_ =	sdelay $0x2  }
.Ltmp3:
0xac: {  	_ = 	snop;
	(pc) =	sbr.rel .LBB2_2-.Ltmp3, $4  }
0xad: {  	_ = 	snop  }
0xae: {  	v0 =	vshrl.u32 v0, $0xE  }
0xaf: {  	s21 =	sadd.s32 $0x400, s21;
	[tilespmem:$0x28F0] =	vst v0  }
0xb0: {  	[tilespmem:s16], [sflag:$0x2] =	stream.indirect.gather [hbm4b:s4+s12], $0x80, s15, s12, $0xb8;
	[tilespmem:$0x1E580] =	vst v63  }
.LBB2_5:
0xb1: {  	_ =	sfence.sel $0x180000  }
0xb2: {  	[bflag:$0x0] =	sbarrier.arrive $0xFFFF  }
0xb3: {  	p0 =	sne.s32 s0, $0x0;
	_ =	strace $0x9000004D  }
0xb4: {  	s0 =	sadd.s32 @!p0 $0x100000, s1;
	[bflag:$0x2] =	sbarrier.arrive $0xFFFF  }
0xb5: {  	[sflag:s0] =	ssyncadd.tile.s32 @!p0 $0x1;
	_ =	shalt  }
.Lfunc_end2:
_tile_overlayer_lowered:
.L_overlay_start_2:
0xb6: {  	(tag) =	ssettag $0x2  }
0xb7: {  	s0 =	rddreg [dreg:$0x0];
	s2 =	stileid.u32  }
0xb8: {  	s1 =	rddreg [dreg:$0x1];
	p0 =	sne.s32 s2, $0x0  }
0xb9: {  	s3 =	rddreg [dreg:$0x2];
	[bflag:$0x3] =	sbarrier.arrive $0xFFFF;
	s2 =	simm.s32 @!p0 $0x1C03  }
0xba: {  	[timem:s3], [sflag:s2] =	dma.local @!p0 [hbm:s0], s1  }
0xbb: {  	s0 =	simm.s32 @!p0 $0x3  }
0xbc: {  	_ =	swait.ge @!p0 [sflag:s0], s1  }
0xbd: {  	s1 =	ssub.s32 @!p0 $0x0, s1;
	[sflag:s0] =	ssyncset.done @!p0 $0x0  }
0xbe: {  	[sflag:s0] =	ssyncadd.s32 @!p0 s1  }
0xbf: {  	[bflag:$0x3] =	sbarrier.arrive $0xFFFF  }
0xc0: {  	_ =	shalt  }

// kernel: kernel.19.cloned.1.call-start
scs
__scs_entry_jumppad:
0x0: {  	(pc) =	sbr.rel $0x88, $3  }
0x1: {  	(tag) =	ssettag $0x0;
	lr =	simm.s32 $0x1  }
0x2: {  	[smem:$0x3F86] =	sst lr;
	_ =	strace $0xD0000000  }
0x3: {  	_ = 	snop  }
0x4: {  	_ = 	snop  }
0x5: {  	_ = 	snop  }
0x6: {  	_ = 	snop  }
0x7: {  	_ = 	snop  }
__scs_overlays_trampoline_lowered:
0x8: {  	[smem:$0x3F95] =	sst s0  }
0x9: {  	[smem:$0x3F96] =	sst s1  }
0xa: {  	[smem:$0x3F97] =	sst s2  }
0xb: {  	[smem:$0x3F98] =	sst s3  }
0xc: {  	[smem:$0x3F99] =	sst s4  }
0xd: {  	[smem:$0x3F9A] =	sst s5  }
0xe: {  	[smem:$0x3F9B] =	sst s6  }
0xf: {  	[smem:$0x3F9C] =	sst s7  }
0x10: {  	[smem:$0x3F9D] =	sst s8  }
0x11: {  	[smem:$0x3F9E] =	sst s9;
	s0 =	simm.s32 @!p0 $0x0  }
0x12: {  	s1 =	sld [smem:$0x3F84];
	s0 =	simm.s32 @p0 $0x1  }
0x13: {  	[smem:$0x3F9F] =	sst s0;
	s0 =	simm.s32 @!p1 $0x0  }
0x14: {  	s2 =	sld [smem:$0x3F83];
	s0 =	simm.s32 @p1 $0x1  }
0x15: {  	[smem:$0x3FA0] =	sst s0;
	s0 =	simm.s32 @!p2 $0x0  }
0x16: {  	s3 =	sld [smem:$0x3FDB];
	s0 =	simm.s32 @p2 $0x1  }
0x17: {  	s4 =	simm.s32 $0x1BF5;
	[smem:$0x3FA2] =	sst s0  }
0x18: {  	s0 =	sld [smem:$0x3F85];
	_ =	swait.ge [sflag:s4], $0x0  }
0x19: {  	s7 =	sld [smem:$0x3F86]  }
0x1a: {  	s8 =	sadd.s32 $0xFFFFE003, lr  }
0x1b: {  	s9 =	sadd.s32 $0xFFFFFEF7, lr;
	s5 =	simm.s32 $0xFFFFFFFF;
	p2 =	slt.u32 s8, $0xFFFFF086  }
0x1c: {  	p1 =	slt.u32 s9, $0xF7A;
	s5 =	simm.s32 @!p2 $0x0  }
0x1d: {  	s5 =	simm.s32 @p1 $0x1;
	p0 =	seq.s32 s7, s2  }
0x1e: {  	s7 =	smul.u32 @!p0 $0xF7A, s2;
	p2 =	seq.s32 @!p0 s5, $0x0  }
0x1f: {  	s9 =	smul.u32 $0xF7A, s1;
	s8 =	simm.s32 @!p0 $0x1BF5;
	p2 =	por !p2, p0  }
0x20: {  	[sflag:s8] =	ssyncset.s32 @!p0 $0xFFFFF086;
	s6 =	sadd.s32 @!p0 s3, s7;
	s7 =	simm.s32 @!p0 $0x108  }
0x21: {  	s3 =	sadd.s32 s3, s9;
	s6 =	sadd.s32 @!p0 $0x88, s6;
	s7 =	simm.s32 @p2 $0x1082  }
0x22: {  	[simem:s7], [sflag:s8] =	dma.local @!p0 [hbm:s6], $0xF7A  }
0x23: {  	s9 =	sor.u32 $0xD0000000, s2;
	s6 =	simm.s32 $0x108;
	_ =	swait.ge @!p0 [sflag:s8], $0x0  }
0x24: {  	s3 =	sadd.s32 $0x88, s3;
	s6 =	simm.s32 @!p1 $0x1082;
	[sflag:s4] =	ssyncset.s32 $0xFFFFF086  }
0x25: {  	[simem:s6], [sflag:s4] =	dma.local [hbm:s3], $0xF7A  }
0x26: {  	[smem:$0x3F86] =	sst s1;
	(tag) =	ssettag s2;
	_ =	strace s9  }
0x27: {  	s1 =	sld [smem:$0x3F96]  }
0x28: {  	s2 =	sld [smem:$0x3F97]  }
0x29: {  	s4 =	sld [smem:$0x3F99]  }
0x2a: {  	p0 =	seq.s32 s5, $0x0;
	s5 =	sld [smem:$0x3F9A]  }
0x2b: {  	s6 =	sld [smem:$0x3F9B]  }
0x2c: {  	s7 =	sld [smem:$0x3F9C]  }
0x2d: {  	s3 =	simm.s32 $0x108;
	s8 =	sld [smem:$0x3F9D]  }
0x2e: {  	s3 =	simm.s32 @!p0 $0x1082;
	s9 =	sld [smem:$0x3F9E]  }
0x2f: {  	lr =	sadd.s32 s0, s3;
	s0 =	sld [smem:$0x3F95]  }
0x30: {  	s3 =	sld [smem:$0x3F98]  }
0x31: {  	[smem:$0x3FA1] =	sst s10  }
0x32: {  	s10 =	sld [smem:$0x3F9F];
	_ =	sdelay $0x3  }
0x33: {  	p0 =	seq.s32 s10, $0x1;
	s10 =	sld [smem:$0x3FA1];
	_ =	sdelay $0x3  }
0x34: {  	[smem:$0x3FA1] =	sst s10  }
0x35: {  	s10 =	sld [smem:$0x3FA0];
	_ =	sdelay $0x3  }
0x36: {  	p1 =	seq.s32 s10, $0x1;
	s10 =	sld [smem:$0x3FA1];
	_ =	sdelay $0x3  }
0x37: {  	[smem:$0x3FA1] =	sst s10  }
0x38: {  	s10 =	sld [smem:$0x3FA2]  }
0x39: {  	_ = 	snop;
	(pc) =	sbr.ind lr, $3  }
0x3a: {  	_ = 	snop  }
0x3b: {  	_ = 	snop  }
0x3c: {  	p2 =	seq.s32 s10, $0x1;
	s10 =	sld [smem:$0x3FA1]  }
0x3d: {  	_ =	shalt  }
0x3e: {  	_ =	shalt  }
0x3f: {  	_ =	shalt  }
0x40: {  	_ =	shalt  }
0x41: {  	_ =	shalt  }
0x42: {  	_ =	shalt  }
0x43: {  	_ =	shalt  }
0x44: {  	_ =	shalt  }
0x45: {  	_ =	shalt  }
0x46: {  	_ =	shalt  }
0x47: {  	_ =	shalt  }
0x48: {  	_ =	shalt  }
0x49: {  	_ =	shalt  }
0x4a: {  	_ =	shalt  }
0x4b: {  	_ =	shalt  }
0x4c: {  	_ =	shalt  }
0x4d: {  	_ =	shalt  }
0x4e: {  	_ =	shalt  }
0x4f: {  	_ =	shalt  }
0x50: {  	_ =	shalt  }
0x51: {  	_ =	shalt  }
0x52: {  	_ =	shalt  }
0x53: {  	_ =	shalt  }
0x54: {  	_ =	shalt  }
0x55: {  	_ =	shalt  }
0x56: {  	_ =	shalt  }
0x57: {  	_ =	shalt  }
0x58: {  	_ =	shalt  }
0x59: {  	_ =	shalt  }
0x5a: {  	_ =	shalt  }
0x5b: {  	_ =	shalt  }
0x5c: {  	_ =	shalt  }
0x5d: {  	_ =	shalt  }
0x5e: {  	_ =	shalt  }
0x5f: {  	_ =	shalt  }
0x60: {  	_ =	shalt  }
0x61: {  	_ =	shalt  }
0x62: {  	_ =	shalt  }
0x63: {  	_ =	shalt  }
0x64: {  	_ =	shalt  }
0x65: {  	_ =	shalt  }
0x66: {  	_ =	shalt  }
0x67: {  	_ =	shalt  }
0x68: {  	_ =	shalt  }
0x69: {  	_ =	shalt  }
0x6a: {  	_ =	shalt  }
0x6b: {  	_ =	shalt  }
0x6c: {  	_ =	shalt  }
0x6d: {  	_ =	shalt  }
0x6e: {  	_ =	shalt  }
0x6f: {  	_ =	shalt  }
0x70: {  	_ =	shalt  }
0x71: {  	_ =	shalt  }
0x72: {  	_ =	shalt  }
0x73: {  	_ =	shalt  }
0x74: {  	_ =	shalt  }
0x75: {  	_ =	shalt  }
0x76: {  	_ =	shalt  }
0x77: {  	_ =	shalt  }
0x78: {  	_ =	shalt  }
0x79: {  	_ =	shalt  }
0x7a: {  	_ =	shalt  }
0x7b: {  	_ =	shalt  }
0x7c: {  	_ =	shalt  }
0x7d: {  	_ =	shalt  }
0x7e: {  	_ =	shalt  }
0x7f: {  	_ =	shalt  }
0x80: {  	_ =	shalt  }
0x81: {  	_ =	shalt  }
0x82: {  	_ =	shalt  }
0x83: {  	_ =	shalt  }
0x84: {  	_ =	shalt  }
0x85: {  	_ =	shalt  }
0x86: {  	_ =	shalt  }
0x87: {  	_ =	shalt  }
.Lfunc_end0:
.L_simem_size_0:
called_computation.3_lowered:
.L_overlay_start_0:
0x88: {  	s2 =	sld [smem:$0x3FD9]  }
0x89: {  	s3 =	sld [smem:$0x3FFE];
	_ =	sdelay $0x1  }
0x8a: {  	s1 =	srdreg.scid  }
0x8b: {  	s0 =	sand.u32 $0x1, s1  }
0x8c: {  	s16 =	sshll.u32 s0, $0xA;
	s2 =	sadd.s32 s3, s2  }
0x8d: {  	s2 =	sadd.s32 s2, s16  }
0x8e: {  	[smem:$0x3FAD] =	sst s2  }
0x8f: {  	_ = 	snop  }
0x90: {  	(tm) =	ssettm $0x1  }
0x91: {  	s17 =	sld [smem:$0x3FFB];
	_ =	sdelay $0x3  }
0x92: {  	_ =	strace s17  }
0x93: {  	s2 =	sld [smem:$0x3FFC];
	_ =	sdelay $0x3  }
0x94: {  	_ =	strace s2  }
0x95: {  	s2 =	sld [smem:$0x3FFD];
	_ =	sdelay $0x3  }
0x96: {  	_ =	strace s2  }
0x97: {  	_ =	strace $0x8FFFFFFF  }
0x98: {  	s18 =	sld [smem:$0x3FDB];
	_ =	sdelay $0x1  }
0x99: {  	s19 =	simm.s32 $_scs_section_size  }
0x9a: {  	s4 =	simm.s32 $_size__tile_overlayer_lowered;
	s5 =	simm.s32 $_tile_overlayer_lowered  }
0x9b: {  	s22 =	simm.s32 $0x1BFF;
	s21 =	sshll.u32 s5, $0x1;
	s2 =	sadd.s32 s19, s18  }
0x9c: {  	s6 =	simm.s32 $0x0;
	s20 =	sshll.u32 s4, $0x1;
	s4 =	sadd.s32 s21, s2  }
0x9d: {  	[timem:s6], [sflag:s22] =	dma.local [hbm:s4], s20  }
0x9e: {  	_ =	swait.ge [sflag:s22], s20  }
0x9f: {  	s3 =	ssub.s32 $0x0, s20;
	[sflag:s22] =	ssyncset.done $0x0  }
0xa0: {  	[sflag:s22] =	ssyncadd.s32 s3;
	_ =	sdelay $0x1  }
0xa1: {  	s23 =	simm.s32 $0x1B8B  }
0xa2: {  	_ =	swait.ge [sflag:s23], $0x1  }
0xa3: {  	[sflag:s23] =	ssyncset.done $0x0  }
0xa4: {  	s25 =	simm.s32 $0x1B8E;
	s24 =	sld [smem:$0x3FFE];
	[sflag:s23] =	ssyncadd.s32 $0xFFFFFFFF  }
0xa5: {  	s26 =	simm.s32 $execute0_lowered;
	[smem:$0x3FD2] =	sst s25  }
0xa6: {  	s4 =	sshll.u32 s26, $0x1;
	_ =	strace $0x8000004F;
	[dreg:$0x1] =	wrdreg $0xFFFFFFFF  }
0xa7: {  	s28 =	simm.s32 $_size_execute0_lowered;
	s2 =	sadd.s32 s2, s4;
	[dreg:$0x0] =	wrdreg $0x0  }
0xa8: {  	s4 =	sshll.u32 s28, $0x1;
	[dreg:$0x2] =	wrdreg s2  }
0xa9: {  	[dreg:$0x3] =	wrdreg s4  }
0xaa: {  	[dreg:$0x4] =	wrdreg $0xC0  }
0xab: {  	_ =	task [dreg:s6], $0x5FFFF  }
0xac: {  	[dreg:$0x1] =	wrdreg $0xFFFFFFFF  }
0xad: {  	[dreg:$0x0] =	wrdreg $0x60  }
0xae: {  	[dreg:$0x2] =	wrdreg s24  }
0xaf: {  	[dreg:$0x3] =	wrdreg $0x9  }
0xb0: {  	_ =	task.clear_ibuf [dreg:s6], $0x4FFFF;
	_ =	strace $0x9000004F  }
0xb1: {  	s29 =	simm.s32 $0x9;
	_ =	strace $0x80000051  }
0xb2: {  	_ =	swait.ge [sflag:s29], $0x1  }
0xb3: {  	[sflag:s29] =	ssyncadd.s32 $0xFFFFFFFF  }
0xb4: {  	_ =	strace $0x90000051  }
0xb5: {  	_ =	sfence  }
0xb6: {  	s30 =	sld [smem:$0x0];
	_ =	sdelay $0x2  }
0xb7: {  	s31 =	sshll.u32 s1, $0xD;
	s1 =	sshrl.u32 s1, $0x2  }
0xb8: {  	s3 =	sand.u32 $0x4000, s31;
	s1 =	sadd.s32 s1, s30  }
0xb9: {  	s0 =	sor.u32 s3, s0;
	s1 =	sshll.u32 s1, $0x11  }
0xba: {  	s0 =	sor.u32 s1, s0  }
0xbb: {  	s0 =	sadd.s32 $0x8F2B, s0  }
0xbc: {  	[sflag:s0] =	ssyncadd.remote.s32 $0x1  }
0xbd: {  	_ =	sfence.sel $0xFFFF  }
0xbe: {  	[dreg:$0x0] =	wrdreg $0xFFFFFFFF;
	(pc) =	sbr.abs _section_cstart, $3  }
0xbf: {  	[dreg:$0x1] =	wrdreg $0xFFFFFFFF  }
0xc0: {  	_ =	task.clear_ibuf [dreg:s6], $0x2FFFF;
	_ =	strace $0x9FFFFFFF  }
0xc1: {  	(tm) =	ssettm $0x7FFFFFFF  }
tec
execute0_lowered:
.L_overlay_start_1:
0x0: {  	(tag) =	ssettag $0x1  }
0x1: {  	s14 =	rddreg [dreg:$0x0]  }
0x2: {  	s0 =	rddreg [dreg:$0x1]  }
0x3: {  	s1 =	simm.s32 $0x0;
	s2 =	srdreg.scid;
	s4 =	simm.s32 $0x2  }
0x4: {  	s7 =	simm.s32 $0x80;
	s8 =	simm.s32 $0x4000;
	[smem:$0x7FF] =	sst s1  }
0x5: {  	s3 =	sadd.s32 $0xA3A00, s14;
	s15 =	sand.u32 $0x1, s2;
	_ =	strace $0x80000050  }
0x6: {  	[tilespmem:s1], [sflag:$0x2] =	stream.linear.gather [hbm4b:s3+s1], $0x4000, $0x38;
	[tilespmem:$0x8000] =	vst v63  }
0x7: {  	s2 =	stileid.u32;
	s6 =	sshll.u32 s15, $0x4;
	_ =	swait.ge [sflag:s4], $0x4000  }
0x8: {  	s9 =	simm.s32 $0x1;
	s10 =	sor.u32 s2, s6;
	[sflag:s4] =	ssyncset.done $0x0  }
0x9: {  	s5 =	sadd.s32 $0x6000, s14;
	s6 =	sshll.u32 s10, $0x8;
	[sflag:s4] =	ssyncadd.s32 $0xFFFFC000  }
0xa: {  	[tilespmem:s8], [sflag:$0x1] =	stream.indirect.gather [hbm4b:s5+s7], $0x80, s6, s7, $0xb8;
	[tilespmem:$0x8000] =	vst v63  }
0xb: {  	_ =	swait.ge [sflag:s9], $0x4000  }
0xc: {  	s12 =	sadd.s32 $0x2D200, s14;
	s16 =	sshll.u32 s10, $0xC;
	[sflag:s9] =	ssyncset.done $0x0  }
0xd: {  	s10 =	sadd.s32 s12, s16;
	[sflag:s9] =	ssyncadd.s32 $0xFFFFC000  }
0xe: {  	[hbm4b:s10+s1] =	stream.linear.scatter [tilespmem:s8], [sflag:$0x2], $0x4000, $0x38;
	[tilespmem:$0x8000] =	vst v63  }
0xf: {  	_ =	swait.ge [sflag:s4], $0x4000  }
0x10: {  	[sflag:s4] =	ssyncset.done $0x0  }
0x11: {  	s11 =	sor.u32 $0x80, s6;
	[sflag:s4] =	ssyncadd.s32 $0xFFFFC000  }
0x12: {  	[tilespmem:s8], [sflag:$0x1] =	stream.indirect.gather [hbm4b:s5+s7], $0x80, s11, s7, $0xb8;
	[tilespmem:$0x8000] =	vst v63  }
0x13: {  	_ =	swait.ge [sflag:s9], $0x4000  }
0x14: {  	s17 =	sor.u32 $0x800, s16;
	[sflag:s9] =	ssyncset.done $0x0  }
0x15: {  	s12 =	sadd.s32 s12, s17;
	[sflag:s9] =	ssyncadd.s32 $0xFFFFC000  }
0x16: {  	[hbm4b:s12+s1] =	stream.linear.scatter [tilespmem:s8], [sflag:$0x2], $0x4000, $0x38;
	[tilespmem:$0x8000] =	vst v63  }
0x17: {  	_ =	swait.ge [sflag:s4], $0x4000  }
0x18: {  	[sflag:s4] =	ssyncset.done $0x0  }
0x19: {  	s13 =	sor.u32 $0x2000, s6;
	[sflag:s4] =	ssyncadd.s32 $0xFFFFC000  }
0x1a: {  	[tilespmem:s8], [sflag:$0x1] =	stream.indirect.gather [hbm4b:s5+s7], $0x80, s13, s7, $0xb8;
	[tilespmem:$0x8000] =	vst v63  }
0x1b: {  	_ =	swait.ge [sflag:s9], $0x4000  }
0x1c: {  	s18 =	sadd.s32 $0x4D200, s14;
	[sflag:s9] =	ssyncset.done $0x0  }
0x1d: {  	s30 =	ssub.s32 $0x2, s15;
	s14 =	sadd.s32 s18, s16;
	[sflag:s9] =	ssyncadd.s32 $0xFFFFC000  }
0x1e: {  	[hbm4b:s14+s1] =	stream.linear.scatter [tilespmem:s8], [sflag:$0x2], $0x4000, $0x38;
	[tilespmem:$0x8000] =	vst v63  }
0x1f: {  	s19 =	sshrl.u32 s30, $0x1;
	_ =	swait.ge [sflag:s4], $0x4000  }
0x20: {  	s19 =	ssub.s32 s30, s19;
	[sflag:s4] =	ssyncset.done $0x0  }
0x21: {  	s15 =	sor.u32 $0x2080, s6;
	s31 =	smax.u32 s19, $0x1;
	[sflag:s4] =	ssyncadd.s32 $0xFFFFC000  }
0x22: {  	[tilespmem:s8], [sflag:$0x1] =	stream.indirect.gather [hbm4b:s5+s7], $0x80, s15, s7, $0xb8;
	[tilespmem:$0x8000] =	vst v63  }
0x23: {  	p0 =	sne.s32 s31, $0x1;
	_ =	swait.ge [sflag:s9], $0x4000  }
.Ltmp0:
0x24: {  	[sflag:s9] =	ssyncset.done $0x0;
	(pc) =	sbr.rel @!p0 .LBB2_2-.Ltmp0, $4  }
0x25: {  	s16 =	sadd.s32 s18, s17;
	[sflag:s9] =	ssyncadd.s32 $0xFFFFC000  }
0x26: {  	[hbm4b:s16+s1] =	stream.linear.scatter [tilespmem:s8], [sflag:$0x2], $0x4000, $0x38;
	[tilespmem:$0x8000] =	vst v63  }
0x27: {  	_ =	swait.ge [sflag:s4], $0x4000  }
0x28: {  	s17 =	sadd.s32 $0xFFFFFFFF, s31;
	[sflag:s4] =	ssyncset.done $0x0  }
.LBB2_1:
0x29: {  	p0 =	sne.s32 s17, $0x1;
	s17 =	sadd.s32 $0xFFFFFFFF, s17;
	[sflag:s4] =	ssyncadd.s32 $0xFFFFC000  }
0x2a: {  	[tilespmem:s1], [sflag:$0x2] =	stream.linear.gather [hbm4b:s3+s1], $0x4000, $0x38;
	[tilespmem:$0x8000] =	vst v63  }
0x2b: {  	_ =	swait.ge [sflag:s4], $0x4000  }
0x2c: {  	[sflag:s4] =	ssyncset.done $0x0  }
0x2d: {  	[sflag:s4] =	ssyncadd.s32 $0xFFFFC000  }
0x2e: {  	[tilespmem:s8], [sflag:$0x1] =	stream.indirect.gather [hbm4b:s5+s7], $0x80, s6, s7, $0xb8;
	[tilespmem:$0x8000] =	vst v63  }
0x2f: {  	_ =	swait.ge [sflag:s9], $0x4000  }
0x30: {  	[sflag:s9] =	ssyncset.done $0x0  }
0x31: {  	[sflag:s9] =	ssyncadd.s32 $0xFFFFC000  }
0x32: {  	[hbm4b:s10+s1] =	stream.linear.scatter [tilespmem:s8], [sflag:$0x2], $0x4000, $0x38;
	[tilespmem:$0x8000] =	vst v63  }
0x33: {  	_ =	swait.ge [sflag:s4], $0x4000  }
0x34: {  	[sflag:s4] =	ssyncset.done $0x0  }
0x35: {  	[sflag:s4] =	ssyncadd.s32 $0xFFFFC000  }
0x36: {  	[tilespmem:s8], [sflag:$0x1] =	stream.indirect.gather [hbm4b:s5+s7], $0x80, s11, s7, $0xb8;
	[tilespmem:$0x8000] =	vst v63  }
0x37: {  	_ =	swait.ge [sflag:s9], $0x4000  }
0x38: {  	[sflag:s9] =	ssyncset.done $0x0  }
0x39: {  	[sflag:s9] =	ssyncadd.s32 $0xFFFFC000  }
0x3a: {  	[hbm4b:s12+s1] =	stream.linear.scatter [tilespmem:s8], [sflag:$0x2], $0x4000, $0x38;
	[tilespmem:$0x8000] =	vst v63  }
0x3b: {  	_ =	swait.ge [sflag:s4], $0x4000  }
0x3c: {  	[sflag:s4] =	ssyncset.done $0x0  }
0x3d: {  	[sflag:s4] =	ssyncadd.s32 $0xFFFFC000  }
0x3e: {  	[tilespmem:s8], [sflag:$0x1] =	stream.indirect.gather [hbm4b:s5+s7], $0x80, s13, s7, $0xb8;
	[tilespmem:$0x8000] =	vst v63  }
0x3f: {  	_ =	swait.ge [sflag:s9], $0x4000  }
0x40: {  	[sflag:s9] =	ssyncset.done $0x0  }
0x41: {  	[sflag:s9] =	ssyncadd.s32 $0xFFFFC000  }
0x42: {  	[hbm4b:s14+s1] =	stream.linear.scatter [tilespmem:s8], [sflag:$0x2], $0x4000, $0x38;
	[tilespmem:$0x8000] =	vst v63  }
0x43: {  	_ =	swait.ge [sflag:s4], $0x4000  }
0x44: {  	[sflag:s4] =	ssyncset.done $0x0  }
0x45: {  	[sflag:s4] =	ssyncadd.s32 $0xFFFFC000  }
0x46: {  	[tilespmem:s8], [sflag:$0x1] =	stream.indirect.gather [hbm4b:s5+s7], $0x80, s15, s7, $0xb8;
	[tilespmem:$0x8000] =	vst v63  }
0x47: {  	_ =	swait.ge [sflag:s9], $0x4000  }
.Ltmp1:
0x48: {  	[sflag:s9] =	ssyncset.done $0x0;
	(pc) =	sbr.rel @p0 .LBB2_1-.Ltmp1, $4  }
0x49: {  	[sflag:s9] =	ssyncadd.s32 $0xFFFFC000  }
0x4a: {  	[hbm4b:s16+s1] =	stream.linear.scatter [tilespmem:s8], [sflag:$0x2], $0x4000, $0x38;
	[tilespmem:$0x8000] =	vst v63  }
0x4b: {  	_ =	swait.ge [sflag:s4], $0x4000  }
0x4c: {  	[sflag:s4] =	ssyncset.done $0x0  }
.LBB2_2:
0x4d: {  	[sflag:s4] =	ssyncadd.s32 $0xFFFFC000  }
0x4e: {  	_ =	sfence.sel $0x180000  }
0x4f: {  	[bflag:$0x0] =	sbarrier.arrive $0xFFFF  }
0x50: {  	p0 =	sne.s32 s2, $0x0;
	_ =	strace $0x90000050  }
0x51: {  	s0 =	sadd.s32 @!p0 $0x100000, s0;
	[bflag:$0x2] =	sbarrier.arrive $0xFFFF  }
0x52: {  	[sflag:s0] =	ssyncadd.tile.s32 @!p0 $0x1;
	_ =	shalt  }
.Lfunc_end2:
_tile_overlayer_lowered:
.L_overlay_start_2:
0x53: {  	(tag) =	ssettag $0x2  }
0x54: {  	s0 =	rddreg [dreg:$0x0];
	s2 =	stileid.u32  }
0x55: {  	s1 =	rddreg [dreg:$0x1];
	p0 =	sne.s32 s2, $0x0  }
0x56: {  	s3 =	rddreg [dreg:$0x2];
	[bflag:$0x3] =	sbarrier.arrive $0xFFFF;
	s2 =	simm.s32 @!p0 $0x1C02  }
0x57: {  	[timem:s3], [sflag:s2] =	dma.local @!p0 [hbm:s0], s1  }
0x58: {  	s0 =	simm.s32 @!p0 $0x2  }
0x59: {  	_ =	swait.ge @!p0 [sflag:s0], s1  }
0x5a: {  	s1 =	ssub.s32 @!p0 $0x0, s1;
	[sflag:s0] =	ssyncset.done @!p0 $0x0  }
0x5b: {  	[sflag:s0] =	ssyncadd.s32 @!p0 s1  }
0x5c: {  	[bflag:$0x3] =	sbarrier.arrive $0xFFFF  }
0x5d: {  	_ =	shalt  }

</sc_bundles>
